<compile_context>
chip_gen: v7x
topology: tpu7x:2x2x1
jax: 0.10.2.dev20260603
libtpu: 0.0.44.dev20260713+nightly
codegen_flags: <defaults>
</compile_context>

<pallas_src>
import jax
import jax.numpy as jnp
from jax import lax
from jax.experimental import pallas as pl
from jax.experimental.pallas import tpu as pltpu
from jax.experimental.pallas import tpu_sc as plsc

N_ENT = 14541
N_REL = 237
DIM = 128
B = 16384
NC = 2
NS = 16
NW = NC * NS
BPW = B // NW
CH = 32
NCHUNK = BPW // CH
NK = DIM // 16


def _sc_body(h_hbm, t_hbm, r_hbm, relre_hbm, relim_hbm, ere_hbm, eim_hbm,
             out_hbm,
             hidx_v, tidx_v, r_v, rrel_v, rimv_v,
             hreA, himA, treA, timA, hreB, himB, treB, timB,
             hreC, himC, treC, timC, hreD, himD, treD, timD,
             acc_v, out_v, semA, semB, semC, semD):
    cid = lax.axis_index("c")
    sid = lax.axis_index("s")
    wid = sid * NC + cid
    base = wid * BPW

    ic1 = pltpu.async_copy(h_hbm.at[pl.ds(base, BPW)], hidx_v, semB)
    ic2 = pltpu.async_copy(t_hbm.at[pl.ds(base, BPW)], tidx_v, semB)
    pltpu.sync_copy(r_hbm, r_v)
    r = r_v[pl.ds(0, 16)][0]
    pltpu.sync_copy(relre_hbm.at[r], rrel_v)
    pltpu.sync_copy(relim_hbm.at[r], rimv_v)
    ic1.wait()
    ic2.wait()

    rre = [rrel_v[pl.ds(k * 16, 16)] for k in range(NK)]
    rim = [rimv_v[pl.ds(k * 16, 16)] for k in range(NK)]

    sets = [(hreA, himA, treA, timA), (hreB, himB, treB, timB),
            (hreC, himC, treC, timC), (hreD, himD, treD, timD)]
    sems = [semA, semB, semC, semD]

    def fire(j, bufs, sem):
        idxh = hidx_v.at[pl.ds(j * CH, CH)]
        idxt = tidx_v.at[pl.ds(j * CH, CH)]
        pltpu.async_copy(ere_hbm.at[idxh], bufs[0], sem)
        pltpu.async_copy(eim_hbm.at[idxh], bufs[1], sem)
        pltpu.async_copy(ere_hbm.at[idxt], bufs[2], sem)
        pltpu.async_copy(eim_hbm.at[idxt], bufs[3], sem)

    def drain(bufs, sem):
        idx0 = hidx_v.at[pl.ds(0, CH)]
        for b in bufs:
            pltpu.make_async_copy(ere_hbm.at[idx0], b, sem).wait()

    def compute(j, bufs):
        hre_v, him_v, tre_v, tim_v = bufs

        @plsc.parallel_loop(0, CH, unroll=2)
        def _elem(e):
            acc = rre[0] * (hre_v[e, pl.ds(0, 16)] * tre_v[e, pl.ds(0, 16)]
                            + him_v[e, pl.ds(0, 16)] * tim_v[e, pl.ds(0, 16)])
            acc = acc + rim[0] * (hre_v[e, pl.ds(0, 16)] * tim_v[e, pl.ds(0, 16)]
                                  - him_v[e, pl.ds(0, 16)] * tre_v[e, pl.ds(0, 16)])
            for k in range(1, NK):
                hre = hre_v[e, pl.ds(k * 16, 16)]
                him = him_v[e, pl.ds(k * 16, 16)]
                tre = tre_v[e, pl.ds(k * 16, 16)]
                tim = tim_v[e, pl.ds(k * 16, 16)]
                acc = acc + (rre[k] * (hre * tre + him * tim)
                             + rim[k] * (hre * tim - him * tre))
            acc_v[pl.ds((j * CH + e) * 16, 16)] = acc

    fire(0, sets[0], sems[0])
    fire(1, sets[1], sems[1])
    fire(2, sets[2], sems[2])

    def quad_body(g, carry):
        j = 4 * g
        for p in range(4):
            c = j + p
            nxt = c + 3

            @pl.when(nxt < NCHUNK)
            def _(nxt=nxt, p=p):
                fire(nxt, sets[(p + 3) % 4], sems[(p + 3) % 4])

            drain(sets[p], sems[p])
            compute(c, sets[p])
        return carry

    lax.fori_loop(0, NCHUNK // 4, quad_body, 0, unroll=False)

    lanes = lax.iota(jnp.int32, 16)
    cols = [lanes * 16 + ((lanes + s) & 15) for s in range(16)]

    def group_body(g, carry):
        gbase = g * 256
        v = plsc.load_gather(acc_v, [gbase + cols[0]])
        for s in range(1, 16):
            v = v + plsc.load_gather(acc_v, [gbase + cols[s]])
        out_v[pl.ds(g * 16, 16)] = v
        return carry

    lax.fori_loop(0, BPW // 16, group_body, 0, unroll=False)
    pltpu.sync_copy(out_v, out_hbm.at[pl.ds(base, BPW)])


@jax.jit
def _complex_score(h, t, r_arr, rel_re, rel_im, ent_re, ent_im):
    mesh = plsc.VectorSubcoreMesh(
        core_axis_name="c", subcore_axis_name="s",
        num_cores=NC, num_subcores=NS)
    run = pl.kernel(
        _sc_body,
        out_type=jax.ShapeDtypeStruct((B,), jnp.float32),
        mesh=mesh,
        compiler_params=pltpu.CompilerParams(needs_layout_passes=False),
        scratch_types=[
            pltpu.VMEM((BPW,), jnp.int32),
            pltpu.VMEM((BPW,), jnp.int32),
            pltpu.VMEM((16,), jnp.int32),
            pltpu.VMEM((DIM,), jnp.float32),
            pltpu.VMEM((DIM,), jnp.float32),
        ] + [pltpu.VMEM((CH, DIM), jnp.float32)] * 16
          + [pltpu.VMEM((BPW * 16,), jnp.float32),
             pltpu.VMEM((BPW,), jnp.float32),
             pltpu.SemaphoreType.DMA,
             pltpu.SemaphoreType.DMA,
             pltpu.SemaphoreType.DMA,
             pltpu.SemaphoreType.DMA,
        ],
    )
    return run(h, t, r_arr, rel_re, rel_im, ent_re, ent_im)


def kernel(predict_h, predict_t, predict_r, ent_re, ent_im, rel_re, rel_im):
    h = predict_h.astype(jnp.int32)
    t = predict_t.astype(jnp.int32)
    r_arr = jnp.full((16,), predict_r, dtype=jnp.int32)
    return _complex_score(h, t, r_arr, rel_re, rel_im, ent_re, ent_im)

# --- scband reference (transcript-rebuilt; emitter-appended) ---
"""Pipeline reference for scband-compl-ex-74019466380012 (READ-ONLY COPY).

The authoritative reference and input builder live on the scoring server;
editing this copy changes nothing except your own understanding.
"""

import jax, jax.numpy as jnp
import numpy as np

N_ENT = 14541
N_REL = 237
DIM = 128
B = 16384

def setup_inputs(seed: int = 0) -> dict:
    key = jax.random.key(seed)
    k1, k2, k3, k4, k5, k6 = jax.random.split(key, 6)
    predict_h = jax.random.randint(k1, (B,), 0, N_ENT, dtype=jnp.int64)
    predict_t = jax.random.randint(k2, (B,), 0, N_ENT, dtype=jnp.int64)
    predict_r = 100
    ent_re = jax.random.normal(k3, (N_ENT, DIM), dtype=jnp.float32)
    ent_im = jax.random.normal(k4, (N_ENT, DIM), dtype=jnp.float32)
    rel_re = jax.random.normal(k5, (N_REL, DIM), dtype=jnp.float32)
    rel_im = jax.random.normal(k6, (N_REL, DIM), dtype=jnp.float32)
    return {"predict_h": predict_h, "predict_t": predict_t, "predict_r": predict_r,
            "ent_re": ent_re, "ent_im": ent_im, "rel_re": rel_re, "rel_im": rel_im}

def _calc(e_re_h, e_im_h, e_re_t, e_im_t, r_re, r_im):
    return jnp.sum(r_re * e_re_h * e_re_t + r_re * e_im_h * e_im_t
                   + r_im * e_re_h * e_im_t - r_im * e_im_h * e_re_t, axis=1)

def reference(predict_h, predict_t, predict_r, ent_re, ent_im, rel_re, rel_im):
    # replicate scalar relation id across the batch, like torch.LongTensor([r]*B)
    r_idx = jnp.full((predict_h.shape[0],), predict_r, dtype=jnp.int32)
    p_re_h = jnp.take(ent_re, predict_h, axis=0)
    p_re_t = jnp.take(ent_re, predict_t, axis=0)
    p_im_h = jnp.take(ent_im, predict_h, axis=0)
    p_im_t = jnp.take(ent_im, predict_t, axis=0)
    p_re_r = jnp.take(rel_re, r_idx, axis=0)
    p_im_r = jnp.take(rel_im, r_idx, axis=0)
    p_score = _calc(p_re_h, p_im_h, p_re_t, p_im_t, p_re_r, p_im_r)
    return p_score

if __name__ == "__main__":
    import jax
    _d = setup_inputs()
    print(jax.jit(kernel)(*tuple(_d.values())))

</pallas_src>

<mosaic_0001>
#map = affine_map<(d0, d1) -> (0)>
#map1 = affine_map<(d0, d1) -> (0, 0)>
module attributes {stable_mosaic.version = 14 : i64} {
  func.func @_sc_body(%arg0: i32, %arg1: i32, %arg2: memref<16384xi32, #tpu.memory_space<hbm>>, %arg3: memref<16384xi32, #tpu.memory_space<hbm>>, %arg4: memref<16xi32, #tpu.memory_space<hbm>>, %arg5: memref<237x128xf32, #tpu.memory_space<hbm>>, %arg6: memref<237x128xf32, #tpu.memory_space<hbm>>, %arg7: memref<14541x128xf32, #tpu.memory_space<hbm>>, %arg8: memref<14541x128xf32, #tpu.memory_space<hbm>>, %arg9: memref<16384xf32, #tpu.memory_space<hbm>>, %arg10: memref<512xi32, #tpu.memory_space<vmem>>, %arg11: memref<512xi32, #tpu.memory_space<vmem>>, %arg12: memref<16xi32, #tpu.memory_space<vmem>>, %arg13: memref<128xf32, #tpu.memory_space<vmem>>, %arg14: memref<128xf32, #tpu.memory_space<vmem>>, %arg15: memref<32x128xf32, #tpu.memory_space<vmem>>, %arg16: memref<32x128xf32, #tpu.memory_space<vmem>>, %arg17: memref<32x128xf32, #tpu.memory_space<vmem>>, %arg18: memref<32x128xf32, #tpu.memory_space<vmem>>, %arg19: memref<32x128xf32, #tpu.memory_space<vmem>>, %arg20: memref<32x128xf32, #tpu.memory_space<vmem>>, %arg21: memref<32x128xf32, #tpu.memory_space<vmem>>, %arg22: memref<32x128xf32, #tpu.memory_space<vmem>>, %arg23: memref<32x128xf32, #tpu.memory_space<vmem>>, %arg24: memref<32x128xf32, #tpu.memory_space<vmem>>, %arg25: memref<32x128xf32, #tpu.memory_space<vmem>>, %arg26: memref<32x128xf32, #tpu.memory_space<vmem>>, %arg27: memref<32x128xf32, #tpu.memory_space<vmem>>, %arg28: memref<32x128xf32, #tpu.memory_space<vmem>>, %arg29: memref<32x128xf32, #tpu.memory_space<vmem>>, %arg30: memref<32x128xf32, #tpu.memory_space<vmem>>, %arg31: memref<8192xf32, #tpu.memory_space<vmem>>, %arg32: memref<512xf32, #tpu.memory_space<vmem>>, %arg33: memref<!tpu.dma_semaphore, #tpu.memory_space<semaphore_mem>>, %arg34: memref<!tpu.dma_semaphore, #tpu.memory_space<semaphore_mem>>, %arg35: memref<!tpu.dma_semaphore, #tpu.memory_space<semaphore_mem>>, %arg36: memref<!tpu.dma_semaphore, #tpu.memory_space<semaphore_mem>>) attributes {dimension_semantics = [#tpu.dimension_semantics<core_parallel>, #tpu.dimension_semantics<subcore_parallel>], iteration_bounds = array<i64: 2, 16>, scalar_prefetch = 0 : i64, scratch_operands = 27 : i64, tpu.core_type = #tpu.core_type<sc_vector_subcore>, window_params = [{transform_indices = #map}, {transform_indices = #map}, {transform_indices = #map}, {transform_indices = #map1}, {transform_indices = #map1}, {transform_indices = #map1}, {transform_indices = #map1}, {transform_indices = #map}]} {
    %mul3A = arith.constant 2 : i32
    %mul3A_0 = arith.muli %arg1, %mul3A : i32
    %add3A = arith.addi %mul3A_0, %arg0 : i32
    %mul3A_1 = arith.constant 512 : i32
    %mul3A_2 = arith.muli %add3A, %mul3A_1 : i32
    %dma_start3A = tpu.memref_slice %arg2[%mul3A_2] : memref<16384xi32, #tpu.memory_space<hbm>> -> memref<512xi32, #tpu.memory_space<hbm>>
    %dma_start3A_3 = tpu.memref_slice %arg2[%mul3A_2] : memref<16384xi32, #tpu.memory_space<hbm>> -> memref<512xi32, #tpu.memory_space<hbm>>
    tpu.enqueue_dma source(%dma_start3A_3 : memref<512xi32, #tpu.memory_space<hbm>>) target(%arg10 : memref<512xi32, #tpu.memory_space<vmem>>) target_semaphore(%arg34 : memref<!tpu.dma_semaphore, #tpu.memory_space<semaphore_mem>>)
    %dma_start3A_4 = tpu.memref_slice %arg3[%mul3A_2] : memref<16384xi32, #tpu.memory_space<hbm>> -> memref<512xi32, #tpu.memory_space<hbm>>
    %dma_start3A_5 = tpu.memref_slice %arg3[%mul3A_2] : memref<16384xi32, #tpu.memory_space<hbm>> -> memref<512xi32, #tpu.memory_space<hbm>>
    tpu.enqueue_dma source(%dma_start3A_5 : memref<512xi32, #tpu.memory_space<hbm>>) target(%arg11 : memref<512xi32, #tpu.memory_space<vmem>>) target_semaphore(%arg34 : memref<!tpu.dma_semaphore, #tpu.memory_space<semaphore_mem>>)
    "tpu.region"() ({
      %run_scoped3A = tpu.sem_alloc : memref<!tpu.dma_semaphore, #tpu.memory_space<semaphore_mem>>
      tpu.enqueue_dma source(%arg4 : memref<16xi32, #tpu.memory_space<hbm>>) target(%arg12 : memref<16xi32, #tpu.memory_space<vmem>>) target_semaphore(%run_scoped3A : memref<!tpu.dma_semaphore, #tpu.memory_space<semaphore_mem>>)
      tpu.wait_dma2 semaphore(%run_scoped3A : memref<!tpu.dma_semaphore, #tpu.memory_space<semaphore_mem>>) src(%arg4 : memref<16xi32, #tpu.memory_space<hbm>>) dst(%arg12 : memref<16xi32, #tpu.memory_space<vmem>>)
      tpu.yield
    }) : () -> ()
    %get3A = arith.constant 0 : index
    %get3A_6 = tpu.vector_load %arg12[%get3A] {strides = array<i32>} : memref<16xi32, #tpu.memory_space<vmem>>, vector<16xi32>,
    %slice3A = vector.extract_strided_slice %get3A_6 {offsets = [0], sizes = [1], strides = [1]} : vector<16xi32> to vector<1xi32>
    %squeeze3A = vector.extract %slice3A[0] : i32 from vector<1xi32>
    "tpu.region"() ({
      %run_scoped3A = tpu.sem_alloc : memref<!tpu.dma_semaphore, #tpu.memory_space<semaphore_mem>>
      %dma_start3A_272 = arith.constant 0 : i32
      %dma_start3A_273 = tpu.memref_slice %arg5[%squeeze3A, %dma_start3A_272] : memref<237x128xf32, #tpu.memory_space<hbm>> -> memref<1x128xf32, #tpu.memory_space<hbm>>
      %dma_start3A_274 = tpu.memref_squeeze %dma_start3A_273 : memref<1x128xf32, #tpu.memory_space<hbm>> -> memref<128xf32, #tpu.memory_space<hbm>>
      %dma_start3A_275 = arith.constant 0 : i32
      %dma_start3A_276 = tpu.memref_slice %arg5[%squeeze3A, %dma_start3A_275] : memref<237x128xf32, #tpu.memory_space<hbm>> -> memref<1x128xf32, #tpu.memory_space<hbm>>
      %dma_start3A_277 = tpu.memref_squeeze %dma_start3A_276 : memref<1x128xf32, #tpu.memory_space<hbm>> -> memref<128xf32, #tpu.memory_space<hbm>>
      tpu.enqueue_dma source(%dma_start3A_277 : memref<128xf32, #tpu.memory_space<hbm>>) target(%arg13 : memref<128xf32, #tpu.memory_space<vmem>>) target_semaphore(%run_scoped3A : memref<!tpu.dma_semaphore, #tpu.memory_space<semaphore_mem>>)
      %dma_wait3A_278 = arith.constant 0 : i32
      %dma_wait3A_279 = tpu.memref_slice %arg5[%squeeze3A, %dma_wait3A_278] : memref<237x128xf32, #tpu.memory_space<hbm>> -> memref<1x128xf32, #tpu.memory_space<hbm>>
      %dma_wait3A_280 = tpu.memref_squeeze %dma_wait3A_279 : memref<1x128xf32, #tpu.memory_space<hbm>> -> memref<128xf32, #tpu.memory_space<hbm>>
      %dma_wait3A_281 = arith.constant 0 : i32
      %dma_wait3A_282 = tpu.memref_slice %arg5[%squeeze3A, %dma_wait3A_281] : memref<237x128xf32, #tpu.memory_space<hbm>> -> memref<1x128xf32, #tpu.memory_space<hbm>>
      %dma_wait3A_283 = tpu.memref_squeeze %dma_wait3A_282 : memref<1x128xf32, #tpu.memory_space<hbm>> -> memref<128xf32, #tpu.memory_space<hbm>>
      tpu.wait_dma2 semaphore(%run_scoped3A : memref<!tpu.dma_semaphore, #tpu.memory_space<semaphore_mem>>) src(%dma_wait3A_283 : memref<128xf32, #tpu.memory_space<hbm>>) dst(%arg13 : memref<128xf32, #tpu.memory_space<vmem>>)
      tpu.yield
    }) : () -> ()
    "tpu.region"() ({
      %run_scoped3A = tpu.sem_alloc : memref<!tpu.dma_semaphore, #tpu.memory_space<semaphore_mem>>
      %dma_start3A_272 = arith.constant 0 : i32
      %dma_start3A_273 = tpu.memref_slice %arg6[%squeeze3A, %dma_start3A_272] : memref<237x128xf32, #tpu.memory_space<hbm>> -> memref<1x128xf32, #tpu.memory_space<hbm>>
      %dma_start3A_274 = tpu.memref_squeeze %dma_start3A_273 : memref<1x128xf32, #tpu.memory_space<hbm>> -> memref<128xf32, #tpu.memory_space<hbm>>
      %dma_start3A_275 = arith.constant 0 : i32
      %dma_start3A_276 = tpu.memref_slice %arg6[%squeeze3A, %dma_start3A_275] : memref<237x128xf32, #tpu.memory_space<hbm>> -> memref<1x128xf32, #tpu.memory_space<hbm>>
      %dma_start3A_277 = tpu.memref_squeeze %dma_start3A_276 : memref<1x128xf32, #tpu.memory_space<hbm>> -> memref<128xf32, #tpu.memory_space<hbm>>
      tpu.enqueue_dma source(%dma_start3A_277 : memref<128xf32, #tpu.memory_space<hbm>>) target(%arg14 : memref<128xf32, #tpu.memory_space<vmem>>) target_semaphore(%run_scoped3A : memref<!tpu.dma_semaphore, #tpu.memory_space<semaphore_mem>>)
      %dma_wait3A_278 = arith.constant 0 : i32
      %dma_wait3A_279 = tpu.memref_slice %arg6[%squeeze3A, %dma_wait3A_278] : memref<237x128xf32, #tpu.memory_space<hbm>> -> memref<1x128xf32, #tpu.memory_space<hbm>>
      %dma_wait3A_280 = tpu.memref_squeeze %dma_wait3A_279 : memref<1x128xf32, #tpu.memory_space<hbm>> -> memref<128xf32, #tpu.memory_space<hbm>>
      %dma_wait3A_281 = arith.constant 0 : i32
      %dma_wait3A_282 = tpu.memref_slice %arg6[%squeeze3A, %dma_wait3A_281] : memref<237x128xf32, #tpu.memory_space<hbm>> -> memref<1x128xf32, #tpu.memory_space<hbm>>
      %dma_wait3A_283 = tpu.memref_squeeze %dma_wait3A_282 : memref<1x128xf32, #tpu.memory_space<hbm>> -> memref<128xf32, #tpu.memory_space<hbm>>
      tpu.wait_dma2 semaphore(%run_scoped3A : memref<!tpu.dma_semaphore, #tpu.memory_space<semaphore_mem>>) src(%dma_wait3A_283 : memref<128xf32, #tpu.memory_space<hbm>>) dst(%arg14 : memref<128xf32, #tpu.memory_space<vmem>>)
      tpu.yield
    }) : () -> ()
    %dma_wait3A = tpu.memref_slice %arg2[%mul3A_2] : memref<16384xi32, #tpu.memory_space<hbm>> -> memref<512xi32, #tpu.memory_space<hbm>>
    %dma_wait3A_7 = tpu.memref_slice %arg2[%mul3A_2] : memref<16384xi32, #tpu.memory_space<hbm>> -> memref<512xi32, #tpu.memory_space<hbm>>
    tpu.wait_dma2 semaphore(%arg34 : memref<!tpu.dma_semaphore, #tpu.memory_space<semaphore_mem>>) src(%dma_wait3A_7 : memref<512xi32, #tpu.memory_space<hbm>>) dst(%arg10 : memref<512xi32, #tpu.memory_space<vmem>>)
    %dma_wait3A_8 = tpu.memref_slice %arg3[%mul3A_2] : memref<16384xi32, #tpu.memory_space<hbm>> -> memref<512xi32, #tpu.memory_space<hbm>>
    %dma_wait3A_9 = tpu.memref_slice %arg3[%mul3A_2] : memref<16384xi32, #tpu.memory_space<hbm>> -> memref<512xi32, #tpu.memory_space<hbm>>
    tpu.wait_dma2 semaphore(%arg34 : memref<!tpu.dma_semaphore, #tpu.memory_space<semaphore_mem>>) src(%dma_wait3A_9 : memref<512xi32, #tpu.memory_space<hbm>>) dst(%arg11 : memref<512xi32, #tpu.memory_space<vmem>>)
    %get3A_10 = arith.constant 0 : index
    %get3A_11 = tpu.vector_load %arg13[%get3A_10] {strides = array<i32>} : memref<128xf32, #tpu.memory_space<vmem>>, vector<16xf32>,
    %get3A_12 = arith.constant 16 : index
    %get3A_13 = tpu.vector_load %arg13[%get3A_12] {strides = array<i32>} : memref<128xf32, #tpu.memory_space<vmem>>, vector<16xf32>,
    %get3A_14 = arith.constant 32 : index
    %get3A_15 = tpu.vector_load %arg13[%get3A_14] {strides = array<i32>} : memref<128xf32, #tpu.memory_space<vmem>>, vector<16xf32>,
    %get3A_16 = arith.constant 48 : index
    %get3A_17 = tpu.vector_load %arg13[%get3A_16] {strides = array<i32>} : memref<128xf32, #tpu.memory_space<vmem>>, vector<16xf32>,
    %get3A_18 = arith.constant 64 : index
    %get3A_19 = tpu.vector_load %arg13[%get3A_18] {strides = array<i32>} : memref<128xf32, #tpu.memory_space<vmem>>, vector<16xf32>,
    %get3A_20 = arith.constant 80 : index
    %get3A_21 = tpu.vector_load %arg13[%get3A_20] {strides = array<i32>} : memref<128xf32, #tpu.memory_space<vmem>>, vector<16xf32>,
    %get3A_22 = arith.constant 96 : index
    %get3A_23 = tpu.vector_load %arg13[%get3A_22] {strides = array<i32>} : memref<128xf32, #tpu.memory_space<vmem>>, vector<16xf32>,
    %get3A_24 = arith.constant 112 : index
    %get3A_25 = tpu.vector_load %arg13[%get3A_24] {strides = array<i32>} : memref<128xf32, #tpu.memory_space<vmem>>, vector<16xf32>,
    %get3A_26 = arith.constant 0 : index
    %get3A_27 = tpu.vector_load %arg14[%get3A_26] {strides = array<i32>} : memref<128xf32, #tpu.memory_space<vmem>>, vector<16xf32>,
    %get3A_28 = arith.constant 16 : index
    %get3A_29 = tpu.vector_load %arg14[%get3A_28] {strides = array<i32>} : memref<128xf32, #tpu.memory_space<vmem>>, vector<16xf32>,
    %get3A_30 = arith.constant 32 : index
    %get3A_31 = tpu.vector_load %arg14[%get3A_30] {strides = array<i32>} : memref<128xf32, #tpu.memory_space<vmem>>, vector<16xf32>,
    %get3A_32 = arith.constant 48 : index
    %get3A_33 = tpu.vector_load %arg14[%get3A_32] {strides = array<i32>} : memref<128xf32, #tpu.memory_space<vmem>>, vector<16xf32>,
    %get3A_34 = arith.constant 64 : index
    %get3A_35 = tpu.vector_load %arg14[%get3A_34] {strides = array<i32>} : memref<128xf32, #tpu.memory_space<vmem>>, vector<16xf32>,
    %get3A_36 = arith.constant 80 : index
    %get3A_37 = tpu.vector_load %arg14[%get3A_36] {strides = array<i32>} : memref<128xf32, #tpu.memory_space<vmem>>, vector<16xf32>,
    %get3A_38 = arith.constant 96 : index
    %get3A_39 = tpu.vector_load %arg14[%get3A_38] {strides = array<i32>} : memref<128xf32, #tpu.memory_space<vmem>>, vector<16xf32>,
    %get3A_40 = arith.constant 112 : index
    %get3A_41 = tpu.vector_load %arg14[%get3A_40] {strides = array<i32>} : memref<128xf32, #tpu.memory_space<vmem>>, vector<16xf32>,
    %dma_start3A_42 = arith.constant 0 : i32
    %dma_start3A_43 = tpu.memref_slice %arg10[%dma_start3A_42] : memref<512xi32, #tpu.memory_space<vmem>> -> memref<32xi32, #tpu.memory_space<vmem>>
    %dma_start3A_44 = arith.constant 0 : i32
    %dma_start3A_45 = arith.constant 0 : i32
    %dma_start3A_46 = tpu.memref_slice %arg7[%dma_start3A_44, %dma_start3A_45] : memref<14541x128xf32, #tpu.memory_space<hbm>> -> memref<14541x128xf32, #tpu.memory_space<hbm>>
    tpu.enqueue_indirect_dma source(%dma_start3A_46 : memref<14541x128xf32, #tpu.memory_space<hbm>>) target(%arg15 : memref<32x128xf32, #tpu.memory_space<vmem>>) offsets(%dma_start3A_43 : memref<32xi32, #tpu.memory_space<vmem>>) semaphore(%arg33 : memref<!tpu.dma_semaphore, #tpu.memory_space<semaphore_mem>>)
    %dma_start3A_47 = arith.constant 0 : i32
    %dma_start3A_48 = tpu.memref_slice %arg10[%dma_start3A_47] : memref<512xi32, #tpu.memory_space<vmem>> -> memref<32xi32, #tpu.memory_space<vmem>>
    %dma_start3A_49 = arith.constant 0 : i32
    %dma_start3A_50 = arith.constant 0 : i32
    %dma_start3A_51 = tpu.memref_slice %arg8[%dma_start3A_49, %dma_start3A_50] : memref<14541x128xf32, #tpu.memory_space<hbm>> -> memref<14541x128xf32, #tpu.memory_space<hbm>>
    tpu.enqueue_indirect_dma source(%dma_start3A_51 : memref<14541x128xf32, #tpu.memory_space<hbm>>) target(%arg16 : memref<32x128xf32, #tpu.memory_space<vmem>>) offsets(%dma_start3A_48 : memref<32xi32, #tpu.memory_space<vmem>>) semaphore(%arg33 : memref<!tpu.dma_semaphore, #tpu.memory_space<semaphore_mem>>)
    %dma_start3A_52 = arith.constant 0 : i32
    %dma_start3A_53 = tpu.memref_slice %arg11[%dma_start3A_52] : memref<512xi32, #tpu.memory_space<vmem>> -> memref<32xi32, #tpu.memory_space<vmem>>
    %dma_start3A_54 = arith.constant 0 : i32
    %dma_start3A_55 = arith.constant 0 : i32
    %dma_start3A_56 = tpu.memref_slice %arg7[%dma_start3A_54, %dma_start3A_55] : memref<14541x128xf32, #tpu.memory_space<hbm>> -> memref<14541x128xf32, #tpu.memory_space<hbm>>
    tpu.enqueue_indirect_dma source(%dma_start3A_56 : memref<14541x128xf32, #tpu.memory_space<hbm>>) target(%arg17 : memref<32x128xf32, #tpu.memory_space<vmem>>) offsets(%dma_start3A_53 : memref<32xi32, #tpu.memory_space<vmem>>) semaphore(%arg33 : memref<!tpu.dma_semaphore, #tpu.memory_space<semaphore_mem>>)
    %dma_start3A_57 = arith.constant 0 : i32
    %dma_start3A_58 = tpu.memref_slice %arg11[%dma_start3A_57] : memref<512xi32, #tpu.memory_space<vmem>> -> memref<32xi32, #tpu.memory_space<vmem>>
    %dma_start3A_59 = arith.constant 0 : i32
    %dma_start3A_60 = arith.constant 0 : i32
    %dma_start3A_61 = tpu.memref_slice %arg8[%dma_start3A_59, %dma_start3A_60] : memref<14541x128xf32, #tpu.memory_space<hbm>> -> memref<14541x128xf32, #tpu.memory_space<hbm>>
    tpu.enqueue_indirect_dma source(%dma_start3A_61 : memref<14541x128xf32, #tpu.memory_space<hbm>>) target(%arg18 : memref<32x128xf32, #tpu.memory_space<vmem>>) offsets(%dma_start3A_58 : memref<32xi32, #tpu.memory_space<vmem>>) semaphore(%arg33 : memref<!tpu.dma_semaphore, #tpu.memory_space<semaphore_mem>>)
    %dma_start3A_62 = arith.constant 32 : i32
    %dma_start3A_63 = tpu.memref_slice %arg10[%dma_start3A_62] : memref<512xi32, #tpu.memory_space<vmem>> -> memref<32xi32, #tpu.memory_space<vmem>>
    %dma_start3A_64 = arith.constant 0 : i32
    %dma_start3A_65 = arith.constant 0 : i32
    %dma_start3A_66 = tpu.memref_slice %arg7[%dma_start3A_64, %dma_start3A_65] : memref<14541x128xf32, #tpu.memory_space<hbm>> -> memref<14541x128xf32, #tpu.memory_space<hbm>>
    tpu.enqueue_indirect_dma source(%dma_start3A_66 : memref<14541x128xf32, #tpu.memory_space<hbm>>) target(%arg19 : memref<32x128xf32, #tpu.memory_space<vmem>>) offsets(%dma_start3A_63 : memref<32xi32, #tpu.memory_space<vmem>>) semaphore(%arg34 : memref<!tpu.dma_semaphore, #tpu.memory_space<semaphore_mem>>)
    %dma_start3A_67 = arith.constant 32 : i32
    %dma_start3A_68 = tpu.memref_slice %arg10[%dma_start3A_67] : memref<512xi32, #tpu.memory_space<vmem>> -> memref<32xi32, #tpu.memory_space<vmem>>
    %dma_start3A_69 = arith.constant 0 : i32
    %dma_start3A_70 = arith.constant 0 : i32
    %dma_start3A_71 = tpu.memref_slice %arg8[%dma_start3A_69, %dma_start3A_70] : memref<14541x128xf32, #tpu.memory_space<hbm>> -> memref<14541x128xf32, #tpu.memory_space<hbm>>
    tpu.enqueue_indirect_dma source(%dma_start3A_71 : memref<14541x128xf32, #tpu.memory_space<hbm>>) target(%arg20 : memref<32x128xf32, #tpu.memory_space<vmem>>) offsets(%dma_start3A_68 : memref<32xi32, #tpu.memory_space<vmem>>) semaphore(%arg34 : memref<!tpu.dma_semaphore, #tpu.memory_space<semaphore_mem>>)
    %dma_start3A_72 = arith.constant 32 : i32
    %dma_start3A_73 = tpu.memref_slice %arg11[%dma_start3A_72] : memref<512xi32, #tpu.memory_space<vmem>> -> memref<32xi32, #tpu.memory_space<vmem>>
    %dma_start3A_74 = arith.constant 0 : i32
    %dma_start3A_75 = arith.constant 0 : i32
    %dma_start3A_76 = tpu.memref_slice %arg7[%dma_start3A_74, %dma_start3A_75] : memref<14541x128xf32, #tpu.memory_space<hbm>> -> memref<14541x128xf32, #tpu.memory_space<hbm>>
    tpu.enqueue_indirect_dma source(%dma_start3A_76 : memref<14541x128xf32, #tpu.memory_space<hbm>>) target(%arg21 : memref<32x128xf32, #tpu.memory_space<vmem>>) offsets(%dma_start3A_73 : memref<32xi32, #tpu.memory_space<vmem>>) semaphore(%arg34 : memref<!tpu.dma_semaphore, #tpu.memory_space<semaphore_mem>>)
    %dma_start3A_77 = arith.constant 32 : i32
    %dma_start3A_78 = tpu.memref_slice %arg11[%dma_start3A_77] : memref<512xi32, #tpu.memory_space<vmem>> -> memref<32xi32, #tpu.memory_space<vmem>>
    %dma_start3A_79 = arith.constant 0 : i32
    %dma_start3A_80 = arith.constant 0 : i32
    %dma_start3A_81 = tpu.memref_slice %arg8[%dma_start3A_79, %dma_start3A_80] : memref<14541x128xf32, #tpu.memory_space<hbm>> -> memref<14541x128xf32, #tpu.memory_space<hbm>>
    tpu.enqueue_indirect_dma source(%dma_start3A_81 : memref<14541x128xf32, #tpu.memory_space<hbm>>) target(%arg22 : memref<32x128xf32, #tpu.memory_space<vmem>>) offsets(%dma_start3A_78 : memref<32xi32, #tpu.memory_space<vmem>>) semaphore(%arg34 : memref<!tpu.dma_semaphore, #tpu.memory_space<semaphore_mem>>)
    %dma_start3A_82 = arith.constant 64 : i32
    %dma_start3A_83 = tpu.memref_slice %arg10[%dma_start3A_82] : memref<512xi32, #tpu.memory_space<vmem>> -> memref<32xi32, #tpu.memory_space<vmem>>
    %dma_start3A_84 = arith.constant 0 : i32
    %dma_start3A_85 = arith.constant 0 : i32
    %dma_start3A_86 = tpu.memref_slice %arg7[%dma_start3A_84, %dma_start3A_85] : memref<14541x128xf32, #tpu.memory_space<hbm>> -> memref<14541x128xf32, #tpu.memory_space<hbm>>
    tpu.enqueue_indirect_dma source(%dma_start3A_86 : memref<14541x128xf32, #tpu.memory_space<hbm>>) target(%arg23 : memref<32x128xf32, #tpu.memory_space<vmem>>) offsets(%dma_start3A_83 : memref<32xi32, #tpu.memory_space<vmem>>) semaphore(%arg35 : memref<!tpu.dma_semaphore, #tpu.memory_space<semaphore_mem>>)
    %dma_start3A_87 = arith.constant 64 : i32
    %dma_start3A_88 = tpu.memref_slice %arg10[%dma_start3A_87] : memref<512xi32, #tpu.memory_space<vmem>> -> memref<32xi32, #tpu.memory_space<vmem>>
    %dma_start3A_89 = arith.constant 0 : i32
    %dma_start3A_90 = arith.constant 0 : i32
    %dma_start3A_91 = tpu.memref_slice %arg8[%dma_start3A_89, %dma_start3A_90] : memref<14541x128xf32, #tpu.memory_space<hbm>> -> memref<14541x128xf32, #tpu.memory_space<hbm>>
    tpu.enqueue_indirect_dma source(%dma_start3A_91 : memref<14541x128xf32, #tpu.memory_space<hbm>>) target(%arg24 : memref<32x128xf32, #tpu.memory_space<vmem>>) offsets(%dma_start3A_88 : memref<32xi32, #tpu.memory_space<vmem>>) semaphore(%arg35 : memref<!tpu.dma_semaphore, #tpu.memory_space<semaphore_mem>>)
    %dma_start3A_92 = arith.constant 64 : i32
    %dma_start3A_93 = tpu.memref_slice %arg11[%dma_start3A_92] : memref<512xi32, #tpu.memory_space<vmem>> -> memref<32xi32, #tpu.memory_space<vmem>>
    %dma_start3A_94 = arith.constant 0 : i32
    %dma_start3A_95 = arith.constant 0 : i32
    %dma_start3A_96 = tpu.memref_slice %arg7[%dma_start3A_94, %dma_start3A_95] : memref<14541x128xf32, #tpu.memory_space<hbm>> -> memref<14541x128xf32, #tpu.memory_space<hbm>>
    tpu.enqueue_indirect_dma source(%dma_start3A_96 : memref<14541x128xf32, #tpu.memory_space<hbm>>) target(%arg25 : memref<32x128xf32, #tpu.memory_space<vmem>>) offsets(%dma_start3A_93 : memref<32xi32, #tpu.memory_space<vmem>>) semaphore(%arg35 : memref<!tpu.dma_semaphore, #tpu.memory_space<semaphore_mem>>)
    %dma_start3A_97 = arith.constant 64 : i32
    %dma_start3A_98 = tpu.memref_slice %arg11[%dma_start3A_97] : memref<512xi32, #tpu.memory_space<vmem>> -> memref<32xi32, #tpu.memory_space<vmem>>
    %dma_start3A_99 = arith.constant 0 : i32
    %dma_start3A_100 = arith.constant 0 : i32
    %dma_start3A_101 = tpu.memref_slice %arg8[%dma_start3A_99, %dma_start3A_100] : memref<14541x128xf32, #tpu.memory_space<hbm>> -> memref<14541x128xf32, #tpu.memory_space<hbm>>
    tpu.enqueue_indirect_dma source(%dma_start3A_101 : memref<14541x128xf32, #tpu.memory_space<hbm>>) target(%arg26 : memref<32x128xf32, #tpu.memory_space<vmem>>) offsets(%dma_start3A_98 : memref<32xi32, #tpu.memory_space<vmem>>) semaphore(%arg35 : memref<!tpu.dma_semaphore, #tpu.memory_space<semaphore_mem>>)
    %scan3A = arith.constant 0 : i32
    %scan3A_102 = arith.constant 0 : i32
    %scan3A_103 = arith.constant 4 : i32
    %scan3A_104 = arith.addi %scan3A_102, %scan3A_103 : i32
    %scan3A_105 = arith.constant 1 : i32
    scf.for %scan3A_272 = %scan3A_102 to %scan3A_104 step %scan3A_105  : i32 {
      %mul3A_273 = arith.constant 4 : i32
      %mul3A_274 = arith.muli %mul3A_273, %scan3A_272 : i32
      %add3A_275 = arith.constant 0 : i32
      %add3A_276 = arith.addi %mul3A_274, %add3A_275 : i32
      %add3A_277 = arith.constant 3 : i32
      %add3A_278 = arith.addi %add3A_276, %add3A_277 : i32
      %lt3A = arith.constant 16 : i32
      %lt3A_279 = arith.cmpi slt, %add3A_278, %lt3A : i32
      %convert_element_type3A = arith.extui %lt3A_279 : i1 to i32
      %cond3A = arith.constant 0 : i32
      %cond3A_280 = arith.cmpi ne, %convert_element_type3A, %cond3A : i32
      scf.if %cond3A_280 {
        %mul3A_399 = arith.constant 32 : i32
        %mul3A_400 = arith.muli %add3A_278, %mul3A_399 : i32
        %mul3A_401 = arith.constant 32 : i32
        %mul3A_402 = arith.muli %add3A_278, %mul3A_401 : i32
        %dma_start3A_403 = tpu.memref_slice %arg10[%mul3A_400] : memref<512xi32, #tpu.memory_space<vmem>> -> memref<32xi32, #tpu.memory_space<vmem>>
        %dma_start3A_404 = arith.constant 0 : i32
        %dma_start3A_405 = arith.constant 0 : i32
        %dma_start3A_406 = tpu.memref_slice %arg7[%dma_start3A_404, %dma_start3A_405] : memref<14541x128xf32, #tpu.memory_space<hbm>> -> memref<14541x128xf32, #tpu.memory_space<hbm>>
        tpu.enqueue_indirect_dma source(%dma_start3A_406 : memref<14541x128xf32, #tpu.memory_space<hbm>>) target(%arg27 : memref<32x128xf32, #tpu.memory_space<vmem>>) offsets(%dma_start3A_403 : memref<32xi32, #tpu.memory_space<vmem>>) semaphore(%arg36 : memref<!tpu.dma_semaphore, #tpu.memory_space<semaphore_mem>>)
        %dma_start3A_407 = tpu.memref_slice %arg10[%mul3A_400] : memref<512xi32, #tpu.memory_space<vmem>> -> memref<32xi32, #tpu.memory_space<vmem>>
        %dma_start3A_408 = arith.constant 0 : i32
        %dma_start3A_409 = arith.constant 0 : i32
        %dma_start3A_410 = tpu.memref_slice %arg8[%dma_start3A_408, %dma_start3A_409] : memref<14541x128xf32, #tpu.memory_space<hbm>> -> memref<14541x128xf32, #tpu.memory_space<hbm>>
        tpu.enqueue_indirect_dma source(%dma_start3A_410 : memref<14541x128xf32, #tpu.memory_space<hbm>>) target(%arg28 : memref<32x128xf32, #tpu.memory_space<vmem>>) offsets(%dma_start3A_407 : memref<32xi32, #tpu.memory_space<vmem>>) semaphore(%arg36 : memref<!tpu.dma_semaphore, #tpu.memory_space<semaphore_mem>>)
        %dma_start3A_411 = tpu.memref_slice %arg11[%mul3A_402] : memref<512xi32, #tpu.memory_space<vmem>> -> memref<32xi32, #tpu.memory_space<vmem>>
        %dma_start3A_412 = arith.constant 0 : i32
        %dma_start3A_413 = arith.constant 0 : i32
        %dma_start3A_414 = tpu.memref_slice %arg7[%dma_start3A_412, %dma_start3A_413] : memref<14541x128xf32, #tpu.memory_space<hbm>> -> memref<14541x128xf32, #tpu.memory_space<hbm>>
        tpu.enqueue_indirect_dma source(%dma_start3A_414 : memref<14541x128xf32, #tpu.memory_space<hbm>>) target(%arg29 : memref<32x128xf32, #tpu.memory_space<vmem>>) offsets(%dma_start3A_411 : memref<32xi32, #tpu.memory_space<vmem>>) semaphore(%arg36 : memref<!tpu.dma_semaphore, #tpu.memory_space<semaphore_mem>>)
        %dma_start3A_415 = tpu.memref_slice %arg11[%mul3A_402] : memref<512xi32, #tpu.memory_space<vmem>> -> memref<32xi32, #tpu.memory_space<vmem>>
        %dma_start3A_416 = arith.constant 0 : i32
        %dma_start3A_417 = arith.constant 0 : i32
        %dma_start3A_418 = tpu.memref_slice %arg8[%dma_start3A_416, %dma_start3A_417] : memref<14541x128xf32, #tpu.memory_space<hbm>> -> memref<14541x128xf32, #tpu.memory_space<hbm>>
        tpu.enqueue_indirect_dma source(%dma_start3A_418 : memref<14541x128xf32, #tpu.memory_space<hbm>>) target(%arg30 : memref<32x128xf32, #tpu.memory_space<vmem>>) offsets(%dma_start3A_415 : memref<32xi32, #tpu.memory_space<vmem>>) semaphore(%arg36 : memref<!tpu.dma_semaphore, #tpu.memory_space<semaphore_mem>>)
      } else {
      }
      %dma_wait3A_281 = arith.constant 0 : i32
      %dma_wait3A_282 = tpu.memref_slice %arg10[%dma_wait3A_281] : memref<512xi32, #tpu.memory_space<vmem>> -> memref<32xi32, #tpu.memory_space<vmem>>
      %dma_wait3A_283 = arith.constant 0 : i32
      %dma_wait3A_284 = arith.constant 0 : i32
      %dma_wait3A_285 = tpu.memref_slice %arg7[%dma_wait3A_283, %dma_wait3A_284] : memref<14541x128xf32, #tpu.memory_space<hbm>> -> memref<14541x128xf32, #tpu.memory_space<hbm>>
      tpu.wait_indirect_dma semaphore(%arg33 : memref<!tpu.dma_semaphore, #tpu.memory_space<semaphore_mem>>) src(%dma_wait3A_285 : memref<14541x128xf32, #tpu.memory_space<hbm>>) dst(%arg15 : memref<32x128xf32, #tpu.memory_space<vmem>>)
      %dma_wait3A_286 = arith.constant 0 : i32
      %dma_wait3A_287 = tpu.memref_slice %arg10[%dma_wait3A_286] : memref<512xi32, #tpu.memory_space<vmem>> -> memref<32xi32, #tpu.memory_space<vmem>>
      %dma_wait3A_288 = arith.constant 0 : i32
      %dma_wait3A_289 = arith.constant 0 : i32
      %dma_wait3A_290 = tpu.memref_slice %arg7[%dma_wait3A_288, %dma_wait3A_289] : memref<14541x128xf32, #tpu.memory_space<hbm>> -> memref<14541x128xf32, #tpu.memory_space<hbm>>
      tpu.wait_indirect_dma semaphore(%arg33 : memref<!tpu.dma_semaphore, #tpu.memory_space<semaphore_mem>>) src(%dma_wait3A_290 : memref<14541x128xf32, #tpu.memory_space<hbm>>) dst(%arg16 : memref<32x128xf32, #tpu.memory_space<vmem>>)
      %dma_wait3A_291 = arith.constant 0 : i32
      %dma_wait3A_292 = tpu.memref_slice %arg10[%dma_wait3A_291] : memref<512xi32, #tpu.memory_space<vmem>> -> memref<32xi32, #tpu.memory_space<vmem>>
      %dma_wait3A_293 = arith.constant 0 : i32
      %dma_wait3A_294 = arith.constant 0 : i32
      %dma_wait3A_295 = tpu.memref_slice %arg7[%dma_wait3A_293, %dma_wait3A_294] : memref<14541x128xf32, #tpu.memory_space<hbm>> -> memref<14541x128xf32, #tpu.memory_space<hbm>>
      tpu.wait_indirect_dma semaphore(%arg33 : memref<!tpu.dma_semaphore, #tpu.memory_space<semaphore_mem>>) src(%dma_wait3A_295 : memref<14541x128xf32, #tpu.memory_space<hbm>>) dst(%arg17 : memref<32x128xf32, #tpu.memory_space<vmem>>)
      %dma_wait3A_296 = arith.constant 0 : i32
      %dma_wait3A_297 = tpu.memref_slice %arg10[%dma_wait3A_296] : memref<512xi32, #tpu.memory_space<vmem>> -> memref<32xi32, #tpu.memory_space<vmem>>
      %dma_wait3A_298 = arith.constant 0 : i32
      %dma_wait3A_299 = arith.constant 0 : i32
      %dma_wait3A_300 = tpu.memref_slice %arg7[%dma_wait3A_298, %dma_wait3A_299] : memref<14541x128xf32, #tpu.memory_space<hbm>> -> memref<14541x128xf32, #tpu.memory_space<hbm>>
      tpu.wait_indirect_dma semaphore(%arg33 : memref<!tpu.dma_semaphore, #tpu.memory_space<semaphore_mem>>) src(%dma_wait3A_300 : memref<14541x128xf32, #tpu.memory_space<hbm>>) dst(%arg18 : memref<32x128xf32, #tpu.memory_space<vmem>>)
      %parallel_loop3A = arith.constant 0 : i32
      %parallel_loop3A_301 = arith.constant 32 : i32
      %parallel_loop3A_302 = arith.constant 1 : i32
      scf.for %parallel_loop3A_399 = %parallel_loop3A to %parallel_loop3A_301 step %parallel_loop3A_302  : i32 {
        %parallel_loop3A_400 = arith.index_cast %parallel_loop3A_399 : i32 to index
        %parallel_loop3A_401 = arith.constant 0 : index
        %parallel_loop3A_402 = tpu.vector_load %arg15[%parallel_loop3A_400, %parallel_loop3A_401] {strides = array<i32>} : memref<32x128xf32, #tpu.memory_space<vmem>>, vector<16xf32>,
        %parallel_loop3A_403 = arith.index_cast %parallel_loop3A_399 : i32 to index
        %parallel_loop3A_404 = arith.constant 0 : index
        %parallel_loop3A_405 = tpu.vector_load %arg17[%parallel_loop3A_403, %parallel_loop3A_404] {strides = array<i32>} : memref<32x128xf32, #tpu.memory_space<vmem>>, vector<16xf32>,
        %parallel_loop3A_406 = arith.mulf %parallel_loop3A_402, %parallel_loop3A_405 : vector<16xf32>
        %parallel_loop3A_407 = arith.index_cast %parallel_loop3A_399 : i32 to index
        %parallel_loop3A_408 = arith.constant 0 : index
        %parallel_loop3A_409 = tpu.vector_load %arg16[%parallel_loop3A_407, %parallel_loop3A_408] {strides = array<i32>} : memref<32x128xf32, #tpu.memory_space<vmem>>, vector<16xf32>,
        %parallel_loop3A_410 = arith.index_cast %parallel_loop3A_399 : i32 to index
        %parallel_loop3A_411 = arith.constant 0 : index
        %parallel_loop3A_412 = tpu.vector_load %arg18[%parallel_loop3A_410, %parallel_loop3A_411] {strides = array<i32>} : memref<32x128xf32, #tpu.memory_space<vmem>>, vector<16xf32>,
        %parallel_loop3A_413 = arith.mulf %parallel_loop3A_409, %parallel_loop3A_412 : vector<16xf32>
        %parallel_loop3A_414 = arith.addf %parallel_loop3A_406, %parallel_loop3A_413 : vector<16xf32>
        %parallel_loop3A_415 = arith.mulf %get3A_11, %parallel_loop3A_414 : vector<16xf32>
        %parallel_loop3A_416 = arith.index_cast %parallel_loop3A_399 : i32 to index
        %parallel_loop3A_417 = arith.constant 0 : index
        %parallel_loop3A_418 = tpu.vector_load %arg15[%parallel_loop3A_416, %parallel_loop3A_417] {strides = array<i32>} : memref<32x128xf32, #tpu.memory_space<vmem>>, vector<16xf32>,
        %parallel_loop3A_419 = arith.index_cast %parallel_loop3A_399 : i32 to index
        %parallel_loop3A_420 = arith.constant 0 : index
        %parallel_loop3A_421 = tpu.vector_load %arg18[%parallel_loop3A_419, %parallel_loop3A_420] {strides = array<i32>} : memref<32x128xf32, #tpu.memory_space<vmem>>, vector<16xf32>,
        %parallel_loop3A_422 = arith.mulf %parallel_loop3A_418, %parallel_loop3A_421 : vector<16xf32>
        %parallel_loop3A_423 = arith.index_cast %parallel_loop3A_399 : i32 to index
        %parallel_loop3A_424 = arith.constant 0 : index
        %parallel_loop3A_425 = tpu.vector_load %arg16[%parallel_loop3A_423, %parallel_loop3A_424] {strides = array<i32>} : memref<32x128xf32, #tpu.memory_space<vmem>>, vector<16xf32>,
        %parallel_loop3A_426 = arith.index_cast %parallel_loop3A_399 : i32 to index
        %parallel_loop3A_427 = arith.constant 0 : index
        %parallel_loop3A_428 = tpu.vector_load %arg17[%parallel_loop3A_426, %parallel_loop3A_427] {strides = array<i32>} : memref<32x128xf32, #tpu.memory_space<vmem>>, vector<16xf32>,
        %parallel_loop3A_429 = arith.mulf %parallel_loop3A_425, %parallel_loop3A_428 : vector<16xf32>
        %parallel_loop3A_430 = arith.subf %parallel_loop3A_422, %parallel_loop3A_429 : vector<16xf32>
        %parallel_loop3A_431 = arith.mulf %get3A_27, %parallel_loop3A_430 : vector<16xf32>
        %parallel_loop3A_432 = arith.addf %parallel_loop3A_415, %parallel_loop3A_431 : vector<16xf32>
        %parallel_loop3A_433 = arith.index_cast %parallel_loop3A_399 : i32 to index
        %parallel_loop3A_434 = arith.constant 16 : index
        %parallel_loop3A_435 = tpu.vector_load %arg15[%parallel_loop3A_433, %parallel_loop3A_434] {strides = array<i32>} : memref<32x128xf32, #tpu.memory_space<vmem>>, vector<16xf32>,
        %parallel_loop3A_436 = arith.index_cast %parallel_loop3A_399 : i32 to index
        %parallel_loop3A_437 = arith.constant 16 : index
        %parallel_loop3A_438 = tpu.vector_load %arg16[%parallel_loop3A_436, %parallel_loop3A_437] {strides = array<i32>} : memref<32x128xf32, #tpu.memory_space<vmem>>, vector<16xf32>,
        %parallel_loop3A_439 = arith.index_cast %parallel_loop3A_399 : i32 to index
        %parallel_loop3A_440 = arith.constant 16 : index
        %parallel_loop3A_441 = tpu.vector_load %arg17[%parallel_loop3A_439, %parallel_loop3A_440] {strides = array<i32>} : memref<32x128xf32, #tpu.memory_space<vmem>>, vector<16xf32>,
        %parallel_loop3A_442 = arith.index_cast %parallel_loop3A_399 : i32 to index
        %parallel_loop3A_443 = arith.constant 16 : index
        %parallel_loop3A_444 = tpu.vector_load %arg18[%parallel_loop3A_442, %parallel_loop3A_443] {strides = array<i32>} : memref<32x128xf32, #tpu.memory_space<vmem>>, vector<16xf32>,
        %parallel_loop3A_445 = arith.mulf %parallel_loop3A_435, %parallel_loop3A_441 : vector<16xf32>
        %parallel_loop3A_446 = arith.mulf %parallel_loop3A_438, %parallel_loop3A_444 : vector<16xf32>
        %parallel_loop3A_447 = arith.addf %parallel_loop3A_445, %parallel_loop3A_446 : vector<16xf32>
        %parallel_loop3A_448 = arith.mulf %get3A_13, %parallel_loop3A_447 : vector<16xf32>
        %parallel_loop3A_449 = arith.mulf %parallel_loop3A_435, %parallel_loop3A_444 : vector<16xf32>
        %parallel_loop3A_450 = arith.mulf %parallel_loop3A_438, %parallel_loop3A_441 : vector<16xf32>
        %parallel_loop3A_451 = arith.subf %parallel_loop3A_449, %parallel_loop3A_450 : vector<16xf32>
        %parallel_loop3A_452 = arith.mulf %get3A_29, %parallel_loop3A_451 : vector<16xf32>
        %parallel_loop3A_453 = arith.addf %parallel_loop3A_448, %parallel_loop3A_452 : vector<16xf32>
        %parallel_loop3A_454 = arith.addf %parallel_loop3A_432, %parallel_loop3A_453 : vector<16xf32>
        %parallel_loop3A_455 = arith.index_cast %parallel_loop3A_399 : i32 to index
        %parallel_loop3A_456 = arith.constant 32 : index
        %parallel_loop3A_457 = tpu.vector_load %arg15[%parallel_loop3A_455, %parallel_loop3A_456] {strides = array<i32>} : memref<32x128xf32, #tpu.memory_space<vmem>>, vector<16xf32>,
        %parallel_loop3A_458 = arith.index_cast %parallel_loop3A_399 : i32 to index
        %parallel_loop3A_459 = arith.constant 32 : index
        %parallel_loop3A_460 = tpu.vector_load %arg16[%parallel_loop3A_458, %parallel_loop3A_459] {strides = array<i32>} : memref<32x128xf32, #tpu.memory_space<vmem>>, vector<16xf32>,
        %parallel_loop3A_461 = arith.index_cast %parallel_loop3A_399 : i32 to index
        %parallel_loop3A_462 = arith.constant 32 : index
        %parallel_loop3A_463 = tpu.vector_load %arg17[%parallel_loop3A_461, %parallel_loop3A_462] {strides = array<i32>} : memref<32x128xf32, #tpu.memory_space<vmem>>, vector<16xf32>,
        %parallel_loop3A_464 = arith.index_cast %parallel_loop3A_399 : i32 to index
        %parallel_loop3A_465 = arith.constant 32 : index
        %parallel_loop3A_466 = tpu.vector_load %arg18[%parallel_loop3A_464, %parallel_loop3A_465] {strides = array<i32>} : memref<32x128xf32, #tpu.memory_space<vmem>>, vector<16xf32>,
        %parallel_loop3A_467 = arith.mulf %parallel_loop3A_457, %parallel_loop3A_463 : vector<16xf32>
        %parallel_loop3A_468 = arith.mulf %parallel_loop3A_460, %parallel_loop3A_466 : vector<16xf32>
        %parallel_loop3A_469 = arith.addf %parallel_loop3A_467, %parallel_loop3A_468 : vector<16xf32>
        %parallel_loop3A_470 = arith.mulf %get3A_15, %parallel_loop3A_469 : vector<16xf32>
        %parallel_loop3A_471 = arith.mulf %parallel_loop3A_457, %parallel_loop3A_466 : vector<16xf32>
        %parallel_loop3A_472 = arith.mulf %parallel_loop3A_460, %parallel_loop3A_463 : vector<16xf32>
        %parallel_loop3A_473 = arith.subf %parallel_loop3A_471, %parallel_loop3A_472 : vector<16xf32>
        %parallel_loop3A_474 = arith.mulf %get3A_31, %parallel_loop3A_473 : vector<16xf32>
        %parallel_loop3A_475 = arith.addf %parallel_loop3A_470, %parallel_loop3A_474 : vector<16xf32>
        %parallel_loop3A_476 = arith.addf %parallel_loop3A_454, %parallel_loop3A_475 : vector<16xf32>
        %parallel_loop3A_477 = arith.index_cast %parallel_loop3A_399 : i32 to index
        %parallel_loop3A_478 = arith.constant 48 : index
        %parallel_loop3A_479 = tpu.vector_load %arg15[%parallel_loop3A_477, %parallel_loop3A_478] {strides = array<i32>} : memref<32x128xf32, #tpu.memory_space<vmem>>, vector<16xf32>,
        %parallel_loop3A_480 = arith.index_cast %parallel_loop3A_399 : i32 to index
        %parallel_loop3A_481 = arith.constant 48 : index
        %parallel_loop3A_482 = tpu.vector_load %arg16[%parallel_loop3A_480, %parallel_loop3A_481] {strides = array<i32>} : memref<32x128xf32, #tpu.memory_space<vmem>>, vector<16xf32>,
        %parallel_loop3A_483 = arith.index_cast %parallel_loop3A_399 : i32 to index
        %parallel_loop3A_484 = arith.constant 48 : index
        %parallel_loop3A_485 = tpu.vector_load %arg17[%parallel_loop3A_483, %parallel_loop3A_484] {strides = array<i32>} : memref<32x128xf32, #tpu.memory_space<vmem>>, vector<16xf32>,
        %parallel_loop3A_486 = arith.index_cast %parallel_loop3A_399 : i32 to index
        %parallel_loop3A_487 = arith.constant 48 : index
        %parallel_loop3A_488 = tpu.vector_load %arg18[%parallel_loop3A_486, %parallel_loop3A_487] {strides = array<i32>} : memref<32x128xf32, #tpu.memory_space<vmem>>, vector<16xf32>,
        %parallel_loop3A_489 = arith.mulf %parallel_loop3A_479, %parallel_loop3A_485 : vector<16xf32>
        %parallel_loop3A_490 = arith.mulf %parallel_loop3A_482, %parallel_loop3A_488 : vector<16xf32>
        %parallel_loop3A_491 = arith.addf %parallel_loop3A_489, %parallel_loop3A_490 : vector<16xf32>
        %parallel_loop3A_492 = arith.mulf %get3A_17, %parallel_loop3A_491 : vector<16xf32>
        %parallel_loop3A_493 = arith.mulf %parallel_loop3A_479, %parallel_loop3A_488 : vector<16xf32>
        %parallel_loop3A_494 = arith.mulf %parallel_loop3A_482, %parallel_loop3A_485 : vector<16xf32>
        %parallel_loop3A_495 = arith.subf %parallel_loop3A_493, %parallel_loop3A_494 : vector<16xf32>
        %parallel_loop3A_496 = arith.mulf %get3A_33, %parallel_loop3A_495 : vector<16xf32>
        %parallel_loop3A_497 = arith.addf %parallel_loop3A_492, %parallel_loop3A_496 : vector<16xf32>
        %parallel_loop3A_498 = arith.addf %parallel_loop3A_476, %parallel_loop3A_497 : vector<16xf32>
        %parallel_loop3A_499 = arith.index_cast %parallel_loop3A_399 : i32 to index
        %parallel_loop3A_500 = arith.constant 64 : index
        %parallel_loop3A_501 = tpu.vector_load %arg15[%parallel_loop3A_499, %parallel_loop3A_500] {strides = array<i32>} : memref<32x128xf32, #tpu.memory_space<vmem>>, vector<16xf32>,
        %parallel_loop3A_502 = arith.index_cast %parallel_loop3A_399 : i32 to index
        %parallel_loop3A_503 = arith.constant 64 : index
        %parallel_loop3A_504 = tpu.vector_load %arg16[%parallel_loop3A_502, %parallel_loop3A_503] {strides = array<i32>} : memref<32x128xf32, #tpu.memory_space<vmem>>, vector<16xf32>,
        %parallel_loop3A_505 = arith.index_cast %parallel_loop3A_399 : i32 to index
        %parallel_loop3A_506 = arith.constant 64 : index
        %parallel_loop3A_507 = tpu.vector_load %arg17[%parallel_loop3A_505, %parallel_loop3A_506] {strides = array<i32>} : memref<32x128xf32, #tpu.memory_space<vmem>>, vector<16xf32>,
        %parallel_loop3A_508 = arith.index_cast %parallel_loop3A_399 : i32 to index
        %parallel_loop3A_509 = arith.constant 64 : index
        %parallel_loop3A_510 = tpu.vector_load %arg18[%parallel_loop3A_508, %parallel_loop3A_509] {strides = array<i32>} : memref<32x128xf32, #tpu.memory_space<vmem>>, vector<16xf32>,
        %parallel_loop3A_511 = arith.mulf %parallel_loop3A_501, %parallel_loop3A_507 : vector<16xf32>
        %parallel_loop3A_512 = arith.mulf %parallel_loop3A_504, %parallel_loop3A_510 : vector<16xf32>
        %parallel_loop3A_513 = arith.addf %parallel_loop3A_511, %parallel_loop3A_512 : vector<16xf32>
        %parallel_loop3A_514 = arith.mulf %get3A_19, %parallel_loop3A_513 : vector<16xf32>
        %parallel_loop3A_515 = arith.mulf %parallel_loop3A_501, %parallel_loop3A_510 : vector<16xf32>
        %parallel_loop3A_516 = arith.mulf %parallel_loop3A_504, %parallel_loop3A_507 : vector<16xf32>
        %parallel_loop3A_517 = arith.subf %parallel_loop3A_515, %parallel_loop3A_516 : vector<16xf32>
        %parallel_loop3A_518 = arith.mulf %get3A_35, %parallel_loop3A_517 : vector<16xf32>
        %parallel_loop3A_519 = arith.addf %parallel_loop3A_514, %parallel_loop3A_518 : vector<16xf32>
        %parallel_loop3A_520 = arith.addf %parallel_loop3A_498, %parallel_loop3A_519 : vector<16xf32>
        %parallel_loop3A_521 = arith.index_cast %parallel_loop3A_399 : i32 to index
        %parallel_loop3A_522 = arith.constant 80 : index
        %parallel_loop3A_523 = tpu.vector_load %arg15[%parallel_loop3A_521, %parallel_loop3A_522] {strides = array<i32>} : memref<32x128xf32, #tpu.memory_space<vmem>>, vector<16xf32>,
        %parallel_loop3A_524 = arith.index_cast %parallel_loop3A_399 : i32 to index
        %parallel_loop3A_525 = arith.constant 80 : index
        %parallel_loop3A_526 = tpu.vector_load %arg16[%parallel_loop3A_524, %parallel_loop3A_525] {strides = array<i32>} : memref<32x128xf32, #tpu.memory_space<vmem>>, vector<16xf32>,
        %parallel_loop3A_527 = arith.index_cast %parallel_loop3A_399 : i32 to index
        %parallel_loop3A_528 = arith.constant 80 : index
        %parallel_loop3A_529 = tpu.vector_load %arg17[%parallel_loop3A_527, %parallel_loop3A_528] {strides = array<i32>} : memref<32x128xf32, #tpu.memory_space<vmem>>, vector<16xf32>,
        %parallel_loop3A_530 = arith.index_cast %parallel_loop3A_399 : i32 to index
        %parallel_loop3A_531 = arith.constant 80 : index
        %parallel_loop3A_532 = tpu.vector_load %arg18[%parallel_loop3A_530, %parallel_loop3A_531] {strides = array<i32>} : memref<32x128xf32, #tpu.memory_space<vmem>>, vector<16xf32>,
        %parallel_loop3A_533 = arith.mulf %parallel_loop3A_523, %parallel_loop3A_529 : vector<16xf32>
        %parallel_loop3A_534 = arith.mulf %parallel_loop3A_526, %parallel_loop3A_532 : vector<16xf32>
        %parallel_loop3A_535 = arith.addf %parallel_loop3A_533, %parallel_loop3A_534 : vector<16xf32>
        %parallel_loop3A_536 = arith.mulf %get3A_21, %parallel_loop3A_535 : vector<16xf32>
        %parallel_loop3A_537 = arith.mulf %parallel_loop3A_523, %parallel_loop3A_532 : vector<16xf32>
        %parallel_loop3A_538 = arith.mulf %parallel_loop3A_526, %parallel_loop3A_529 : vector<16xf32>
        %parallel_loop3A_539 = arith.subf %parallel_loop3A_537, %parallel_loop3A_538 : vector<16xf32>
        %parallel_loop3A_540 = arith.mulf %get3A_37, %parallel_loop3A_539 : vector<16xf32>
        %parallel_loop3A_541 = arith.addf %parallel_loop3A_536, %parallel_loop3A_540 : vector<16xf32>
        %parallel_loop3A_542 = arith.addf %parallel_loop3A_520, %parallel_loop3A_541 : vector<16xf32>
        %parallel_loop3A_543 = arith.index_cast %parallel_loop3A_399 : i32 to index
        %parallel_loop3A_544 = arith.constant 96 : index
        %parallel_loop3A_545 = tpu.vector_load %arg15[%parallel_loop3A_543, %parallel_loop3A_544] {strides = array<i32>} : memref<32x128xf32, #tpu.memory_space<vmem>>, vector<16xf32>,
        %parallel_loop3A_546 = arith.index_cast %parallel_loop3A_399 : i32 to index
        %parallel_loop3A_547 = arith.constant 96 : index
        %parallel_loop3A_548 = tpu.vector_load %arg16[%parallel_loop3A_546, %parallel_loop3A_547] {strides = array<i32>} : memref<32x128xf32, #tpu.memory_space<vmem>>, vector<16xf32>,
        %parallel_loop3A_549 = arith.index_cast %parallel_loop3A_399 : i32 to index
        %parallel_loop3A_550 = arith.constant 96 : index
        %parallel_loop3A_551 = tpu.vector_load %arg17[%parallel_loop3A_549, %parallel_loop3A_550] {strides = array<i32>} : memref<32x128xf32, #tpu.memory_space<vmem>>, vector<16xf32>,
        %parallel_loop3A_552 = arith.index_cast %parallel_loop3A_399 : i32 to index
        %parallel_loop3A_553 = arith.constant 96 : index
        %parallel_loop3A_554 = tpu.vector_load %arg18[%parallel_loop3A_552, %parallel_loop3A_553] {strides = array<i32>} : memref<32x128xf32, #tpu.memory_space<vmem>>, vector<16xf32>,
        %parallel_loop3A_555 = arith.mulf %parallel_loop3A_545, %parallel_loop3A_551 : vector<16xf32>
        %parallel_loop3A_556 = arith.mulf %parallel_loop3A_548, %parallel_loop3A_554 : vector<16xf32>
        %parallel_loop3A_557 = arith.addf %parallel_loop3A_555, %parallel_loop3A_556 : vector<16xf32>
        %parallel_loop3A_558 = arith.mulf %get3A_23, %parallel_loop3A_557 : vector<16xf32>
        %parallel_loop3A_559 = arith.mulf %parallel_loop3A_545, %parallel_loop3A_554 : vector<16xf32>
        %parallel_loop3A_560 = arith.mulf %parallel_loop3A_548, %parallel_loop3A_551 : vector<16xf32>
        %parallel_loop3A_561 = arith.subf %parallel_loop3A_559, %parallel_loop3A_560 : vector<16xf32>
        %parallel_loop3A_562 = arith.mulf %get3A_39, %parallel_loop3A_561 : vector<16xf32>
        %parallel_loop3A_563 = arith.addf %parallel_loop3A_558, %parallel_loop3A_562 : vector<16xf32>
        %parallel_loop3A_564 = arith.addf %parallel_loop3A_542, %parallel_loop3A_563 : vector<16xf32>
        %parallel_loop3A_565 = arith.index_cast %parallel_loop3A_399 : i32 to index
        %parallel_loop3A_566 = arith.constant 112 : index
        %parallel_loop3A_567 = tpu.vector_load %arg15[%parallel_loop3A_565, %parallel_loop3A_566] {strides = array<i32>} : memref<32x128xf32, #tpu.memory_space<vmem>>, vector<16xf32>,
        %parallel_loop3A_568 = arith.index_cast %parallel_loop3A_399 : i32 to index
        %parallel_loop3A_569 = arith.constant 112 : index
        %parallel_loop3A_570 = tpu.vector_load %arg16[%parallel_loop3A_568, %parallel_loop3A_569] {strides = array<i32>} : memref<32x128xf32, #tpu.memory_space<vmem>>, vector<16xf32>,
        %parallel_loop3A_571 = arith.index_cast %parallel_loop3A_399 : i32 to index
        %parallel_loop3A_572 = arith.constant 112 : index
        %parallel_loop3A_573 = tpu.vector_load %arg17[%parallel_loop3A_571, %parallel_loop3A_572] {strides = array<i32>} : memref<32x128xf32, #tpu.memory_space<vmem>>, vector<16xf32>,
        %parallel_loop3A_574 = arith.index_cast %parallel_loop3A_399 : i32 to index
        %parallel_loop3A_575 = arith.constant 112 : index
        %parallel_loop3A_576 = tpu.vector_load %arg18[%parallel_loop3A_574, %parallel_loop3A_575] {strides = array<i32>} : memref<32x128xf32, #tpu.memory_space<vmem>>, vector<16xf32>,
        %parallel_loop3A_577 = arith.mulf %parallel_loop3A_567, %parallel_loop3A_573 : vector<16xf32>
        %parallel_loop3A_578 = arith.mulf %parallel_loop3A_570, %parallel_loop3A_576 : vector<16xf32>
        %parallel_loop3A_579 = arith.addf %parallel_loop3A_577, %parallel_loop3A_578 : vector<16xf32>
        %parallel_loop3A_580 = arith.mulf %get3A_25, %parallel_loop3A_579 : vector<16xf32>
        %parallel_loop3A_581 = arith.mulf %parallel_loop3A_567, %parallel_loop3A_576 : vector<16xf32>
        %parallel_loop3A_582 = arith.mulf %parallel_loop3A_570, %parallel_loop3A_573 : vector<16xf32>
        %parallel_loop3A_583 = arith.subf %parallel_loop3A_581, %parallel_loop3A_582 : vector<16xf32>
        %parallel_loop3A_584 = arith.mulf %get3A_41, %parallel_loop3A_583 : vector<16xf32>
        %parallel_loop3A_585 = arith.addf %parallel_loop3A_580, %parallel_loop3A_584 : vector<16xf32>
        %parallel_loop3A_586 = arith.addf %parallel_loop3A_564, %parallel_loop3A_585 : vector<16xf32>
        %parallel_loop3A_587 = arith.constant 32 : i32
        %parallel_loop3A_588 = arith.muli %add3A_276, %parallel_loop3A_587 : i32
        %parallel_loop3A_589 = arith.addi %parallel_loop3A_588, %parallel_loop3A_399 : i32
        %parallel_loop3A_590 = arith.constant 16 : i32
        %parallel_loop3A_591 = arith.muli %parallel_loop3A_589, %parallel_loop3A_590 : i32
        %parallel_loop3A_592 = arith.index_cast %parallel_loop3A_591 : i32 to index
        %parallel_loop3A_593 = tpu.vector_load %arg31[%parallel_loop3A_592] {strides = array<i32>} : memref<8192xf32, #tpu.memory_space<vmem>>, vector<16xf32>,
        tpu.vector_store %arg31[%parallel_loop3A_592], %parallel_loop3A_586 {strides = array<i32>} : memref<8192xf32, #tpu.memory_space<vmem>>, vector<16xf32>,
      } {sc.loop_unroll_factor = 2 : i64, sc.parallel_access}
      %add3A_303 = arith.constant 1 : i32
      %add3A_304 = arith.addi %mul3A_274, %add3A_303 : i32
      %add3A_305 = arith.constant 3 : i32
      %add3A_306 = arith.addi %add3A_304, %add3A_305 : i32
      %lt3A_307 = arith.constant 16 : i32
      %lt3A_308 = arith.cmpi slt, %add3A_306, %lt3A_307 : i32
      %convert_element_type3A_309 = arith.extui %lt3A_308 : i1 to i32
      %cond3A_310 = arith.constant 0 : i32
      %cond3A_311 = arith.cmpi ne, %convert_element_type3A_309, %cond3A_310 : i32
      scf.if %cond3A_311 {
        %mul3A_399 = arith.constant 32 : i32
        %mul3A_400 = arith.muli %add3A_306, %mul3A_399 : i32
        %mul3A_401 = arith.constant 32 : i32
        %mul3A_402 = arith.muli %add3A_306, %mul3A_401 : i32
        %dma_start3A_403 = tpu.memref_slice %arg10[%mul3A_400] : memref<512xi32, #tpu.memory_space<vmem>> -> memref<32xi32, #tpu.memory_space<vmem>>
        %dma_start3A_404 = arith.constant 0 : i32
        %dma_start3A_405 = arith.constant 0 : i32
        %dma_start3A_406 = tpu.memref_slice %arg7[%dma_start3A_404, %dma_start3A_405] : memref<14541x128xf32, #tpu.memory_space<hbm>> -> memref<14541x128xf32, #tpu.memory_space<hbm>>
        tpu.enqueue_indirect_dma source(%dma_start3A_406 : memref<14541x128xf32, #tpu.memory_space<hbm>>) target(%arg15 : memref<32x128xf32, #tpu.memory_space<vmem>>) offsets(%dma_start3A_403 : memref<32xi32, #tpu.memory_space<vmem>>) semaphore(%arg33 : memref<!tpu.dma_semaphore, #tpu.memory_space<semaphore_mem>>)
        %dma_start3A_407 = tpu.memref_slice %arg10[%mul3A_400] : memref<512xi32, #tpu.memory_space<vmem>> -> memref<32xi32, #tpu.memory_space<vmem>>
        %dma_start3A_408 = arith.constant 0 : i32
        %dma_start3A_409 = arith.constant 0 : i32
        %dma_start3A_410 = tpu.memref_slice %arg8[%dma_start3A_408, %dma_start3A_409] : memref<14541x128xf32, #tpu.memory_space<hbm>> -> memref<14541x128xf32, #tpu.memory_space<hbm>>
        tpu.enqueue_indirect_dma source(%dma_start3A_410 : memref<14541x128xf32, #tpu.memory_space<hbm>>) target(%arg16 : memref<32x128xf32, #tpu.memory_space<vmem>>) offsets(%dma_start3A_407 : memref<32xi32, #tpu.memory_space<vmem>>) semaphore(%arg33 : memref<!tpu.dma_semaphore, #tpu.memory_space<semaphore_mem>>)
        %dma_start3A_411 = tpu.memref_slice %arg11[%mul3A_402] : memref<512xi32, #tpu.memory_space<vmem>> -> memref<32xi32, #tpu.memory_space<vmem>>
        %dma_start3A_412 = arith.constant 0 : i32
        %dma_start3A_413 = arith.constant 0 : i32
        %dma_start3A_414 = tpu.memref_slice %arg7[%dma_start3A_412, %dma_start3A_413] : memref<14541x128xf32, #tpu.memory_space<hbm>> -> memref<14541x128xf32, #tpu.memory_space<hbm>>
        tpu.enqueue_indirect_dma source(%dma_start3A_414 : memref<14541x128xf32, #tpu.memory_space<hbm>>) target(%arg17 : memref<32x128xf32, #tpu.memory_space<vmem>>) offsets(%dma_start3A_411 : memref<32xi32, #tpu.memory_space<vmem>>) semaphore(%arg33 : memref<!tpu.dma_semaphore, #tpu.memory_space<semaphore_mem>>)
        %dma_start3A_415 = tpu.memref_slice %arg11[%mul3A_402] : memref<512xi32, #tpu.memory_space<vmem>> -> memref<32xi32, #tpu.memory_space<vmem>>
        %dma_start3A_416 = arith.constant 0 : i32
        %dma_start3A_417 = arith.constant 0 : i32
        %dma_start3A_418 = tpu.memref_slice %arg8[%dma_start3A_416, %dma_start3A_417] : memref<14541x128xf32, #tpu.memory_space<hbm>> -> memref<14541x128xf32, #tpu.memory_space<hbm>>
        tpu.enqueue_indirect_dma source(%dma_start3A_418 : memref<14541x128xf32, #tpu.memory_space<hbm>>) target(%arg18 : memref<32x128xf32, #tpu.memory_space<vmem>>) offsets(%dma_start3A_415 : memref<32xi32, #tpu.memory_space<vmem>>) semaphore(%arg33 : memref<!tpu.dma_semaphore, #tpu.memory_space<semaphore_mem>>)
      } else {
      }
      %dma_wait3A_312 = arith.constant 0 : i32
      %dma_wait3A_313 = tpu.memref_slice %arg10[%dma_wait3A_312] : memref<512xi32, #tpu.memory_space<vmem>> -> memref<32xi32, #tpu.memory_space<vmem>>
      %dma_wait3A_314 = arith.constant 0 : i32
      %dma_wait3A_315 = arith.constant 0 : i32
      %dma_wait3A_316 = tpu.memref_slice %arg7[%dma_wait3A_314, %dma_wait3A_315] : memref<14541x128xf32, #tpu.memory_space<hbm>> -> memref<14541x128xf32, #tpu.memory_space<hbm>>
      tpu.wait_indirect_dma semaphore(%arg34 : memref<!tpu.dma_semaphore, #tpu.memory_space<semaphore_mem>>) src(%dma_wait3A_316 : memref<14541x128xf32, #tpu.memory_space<hbm>>) dst(%arg19 : memref<32x128xf32, #tpu.memory_space<vmem>>)
      %dma_wait3A_317 = arith.constant 0 : i32
      %dma_wait3A_318 = tpu.memref_slice %arg10[%dma_wait3A_317] : memref<512xi32, #tpu.memory_space<vmem>> -> memref<32xi32, #tpu.memory_space<vmem>>
      %dma_wait3A_319 = arith.constant 0 : i32
      %dma_wait3A_320 = arith.constant 0 : i32
      %dma_wait3A_321 = tpu.memref_slice %arg7[%dma_wait3A_319, %dma_wait3A_320] : memref<14541x128xf32, #tpu.memory_space<hbm>> -> memref<14541x128xf32, #tpu.memory_space<hbm>>
      tpu.wait_indirect_dma semaphore(%arg34 : memref<!tpu.dma_semaphore, #tpu.memory_space<semaphore_mem>>) src(%dma_wait3A_321 : memref<14541x128xf32, #tpu.memory_space<hbm>>) dst(%arg20 : memref<32x128xf32, #tpu.memory_space<vmem>>)
      %dma_wait3A_322 = arith.constant 0 : i32
      %dma_wait3A_323 = tpu.memref_slice %arg10[%dma_wait3A_322] : memref<512xi32, #tpu.memory_space<vmem>> -> memref<32xi32, #tpu.memory_space<vmem>>
      %dma_wait3A_324 = arith.constant 0 : i32
      %dma_wait3A_325 = arith.constant 0 : i32
      %dma_wait3A_326 = tpu.memref_slice %arg7[%dma_wait3A_324, %dma_wait3A_325] : memref<14541x128xf32, #tpu.memory_space<hbm>> -> memref<14541x128xf32, #tpu.memory_space<hbm>>
      tpu.wait_indirect_dma semaphore(%arg34 : memref<!tpu.dma_semaphore, #tpu.memory_space<semaphore_mem>>) src(%dma_wait3A_326 : memref<14541x128xf32, #tpu.memory_space<hbm>>) dst(%arg21 : memref<32x128xf32, #tpu.memory_space<vmem>>)
      %dma_wait3A_327 = arith.constant 0 : i32
      %dma_wait3A_328 = tpu.memref_slice %arg10[%dma_wait3A_327] : memref<512xi32, #tpu.memory_space<vmem>> -> memref<32xi32, #tpu.memory_space<vmem>>
      %dma_wait3A_329 = arith.constant 0 : i32
      %dma_wait3A_330 = arith.constant 0 : i32
      %dma_wait3A_331 = tpu.memref_slice %arg7[%dma_wait3A_329, %dma_wait3A_330] : memref<14541x128xf32, #tpu.memory_space<hbm>> -> memref<14541x128xf32, #tpu.memory_space<hbm>>
      tpu.wait_indirect_dma semaphore(%arg34 : memref<!tpu.dma_semaphore, #tpu.memory_space<semaphore_mem>>) src(%dma_wait3A_331 : memref<14541x128xf32, #tpu.memory_space<hbm>>) dst(%arg22 : memref<32x128xf32, #tpu.memory_space<vmem>>)
      %parallel_loop3A_332 = arith.constant 0 : i32
      %parallel_loop3A_333 = arith.constant 32 : i32
      %parallel_loop3A_334 = arith.constant 1 : i32
      scf.for %parallel_loop3A_399 = %parallel_loop3A_332 to %parallel_loop3A_333 step %parallel_loop3A_334  : i32 {
        %parallel_loop3A_400 = arith.index_cast %parallel_loop3A_399 : i32 to index
        %parallel_loop3A_401 = arith.constant 0 : index
        %parallel_loop3A_402 = tpu.vector_load %arg19[%parallel_loop3A_400, %parallel_loop3A_401] {strides = array<i32>} : memref<32x128xf32, #tpu.memory_space<vmem>>, vector<16xf32>,
        %parallel_loop3A_403 = arith.index_cast %parallel_loop3A_399 : i32 to index
        %parallel_loop3A_404 = arith.constant 0 : index
        %parallel_loop3A_405 = tpu.vector_load %arg21[%parallel_loop3A_403, %parallel_loop3A_404] {strides = array<i32>} : memref<32x128xf32, #tpu.memory_space<vmem>>, vector<16xf32>,
        %parallel_loop3A_406 = arith.mulf %parallel_loop3A_402, %parallel_loop3A_405 : vector<16xf32>
        %parallel_loop3A_407 = arith.index_cast %parallel_loop3A_399 : i32 to index
        %parallel_loop3A_408 = arith.constant 0 : index
        %parallel_loop3A_409 = tpu.vector_load %arg20[%parallel_loop3A_407, %parallel_loop3A_408] {strides = array<i32>} : memref<32x128xf32, #tpu.memory_space<vmem>>, vector<16xf32>,
        %parallel_loop3A_410 = arith.index_cast %parallel_loop3A_399 : i32 to index
        %parallel_loop3A_411 = arith.constant 0 : index
        %parallel_loop3A_412 = tpu.vector_load %arg22[%parallel_loop3A_410, %parallel_loop3A_411] {strides = array<i32>} : memref<32x128xf32, #tpu.memory_space<vmem>>, vector<16xf32>,
        %parallel_loop3A_413 = arith.mulf %parallel_loop3A_409, %parallel_loop3A_412 : vector<16xf32>
        %parallel_loop3A_414 = arith.addf %parallel_loop3A_406, %parallel_loop3A_413 : vector<16xf32>
        %parallel_loop3A_415 = arith.mulf %get3A_11, %parallel_loop3A_414 : vector<16xf32>
        %parallel_loop3A_416 = arith.index_cast %parallel_loop3A_399 : i32 to index
        %parallel_loop3A_417 = arith.constant 0 : index
        %parallel_loop3A_418 = tpu.vector_load %arg19[%parallel_loop3A_416, %parallel_loop3A_417] {strides = array<i32>} : memref<32x128xf32, #tpu.memory_space<vmem>>, vector<16xf32>,
        %parallel_loop3A_419 = arith.index_cast %parallel_loop3A_399 : i32 to index
        %parallel_loop3A_420 = arith.constant 0 : index
        %parallel_loop3A_421 = tpu.vector_load %arg22[%parallel_loop3A_419, %parallel_loop3A_420] {strides = array<i32>} : memref<32x128xf32, #tpu.memory_space<vmem>>, vector<16xf32>,
        %parallel_loop3A_422 = arith.mulf %parallel_loop3A_418, %parallel_loop3A_421 : vector<16xf32>
        %parallel_loop3A_423 = arith.index_cast %parallel_loop3A_399 : i32 to index
        %parallel_loop3A_424 = arith.constant 0 : index
        %parallel_loop3A_425 = tpu.vector_load %arg20[%parallel_loop3A_423, %parallel_loop3A_424] {strides = array<i32>} : memref<32x128xf32, #tpu.memory_space<vmem>>, vector<16xf32>,
        %parallel_loop3A_426 = arith.index_cast %parallel_loop3A_399 : i32 to index
        %parallel_loop3A_427 = arith.constant 0 : index
        %parallel_loop3A_428 = tpu.vector_load %arg21[%parallel_loop3A_426, %parallel_loop3A_427] {strides = array<i32>} : memref<32x128xf32, #tpu.memory_space<vmem>>, vector<16xf32>,
        %parallel_loop3A_429 = arith.mulf %parallel_loop3A_425, %parallel_loop3A_428 : vector<16xf32>
        %parallel_loop3A_430 = arith.subf %parallel_loop3A_422, %parallel_loop3A_429 : vector<16xf32>
        %parallel_loop3A_431 = arith.mulf %get3A_27, %parallel_loop3A_430 : vector<16xf32>
        %parallel_loop3A_432 = arith.addf %parallel_loop3A_415, %parallel_loop3A_431 : vector<16xf32>
        %parallel_loop3A_433 = arith.index_cast %parallel_loop3A_399 : i32 to index
        %parallel_loop3A_434 = arith.constant 16 : index
        %parallel_loop3A_435 = tpu.vector_load %arg19[%parallel_loop3A_433, %parallel_loop3A_434] {strides = array<i32>} : memref<32x128xf32, #tpu.memory_space<vmem>>, vector<16xf32>,
        %parallel_loop3A_436 = arith.index_cast %parallel_loop3A_399 : i32 to index
        %parallel_loop3A_437 = arith.constant 16 : index
        %parallel_loop3A_438 = tpu.vector_load %arg20[%parallel_loop3A_436, %parallel_loop3A_437] {strides = array<i32>} : memref<32x128xf32, #tpu.memory_space<vmem>>, vector<16xf32>,
        %parallel_loop3A_439 = arith.index_cast %parallel_loop3A_399 : i32 to index
        %parallel_loop3A_440 = arith.constant 16 : index
        %parallel_loop3A_441 = tpu.vector_load %arg21[%parallel_loop3A_439, %parallel_loop3A_440] {strides = array<i32>} : memref<32x128xf32, #tpu.memory_space<vmem>>, vector<16xf32>,
        %parallel_loop3A_442 = arith.index_cast %parallel_loop3A_399 : i32 to index
        %parallel_loop3A_443 = arith.constant 16 : index
        %parallel_loop3A_444 = tpu.vector_load %arg22[%parallel_loop3A_442, %parallel_loop3A_443] {strides = array<i32>} : memref<32x128xf32, #tpu.memory_space<vmem>>, vector<16xf32>,
        %parallel_loop3A_445 = arith.mulf %parallel_loop3A_435, %parallel_loop3A_441 : vector<16xf32>
        %parallel_loop3A_446 = arith.mulf %parallel_loop3A_438, %parallel_loop3A_444 : vector<16xf32>
        %parallel_loop3A_447 = arith.addf %parallel_loop3A_445, %parallel_loop3A_446 : vector<16xf32>
        %parallel_loop3A_448 = arith.mulf %get3A_13, %parallel_loop3A_447 : vector<16xf32>
        %parallel_loop3A_449 = arith.mulf %parallel_loop3A_435, %parallel_loop3A_444 : vector<16xf32>
        %parallel_loop3A_450 = arith.mulf %parallel_loop3A_438, %parallel_loop3A_441 : vector<16xf32>
        %parallel_loop3A_451 = arith.subf %parallel_loop3A_449, %parallel_loop3A_450 : vector<16xf32>
        %parallel_loop3A_452 = arith.mulf %get3A_29, %parallel_loop3A_451 : vector<16xf32>
        %parallel_loop3A_453 = arith.addf %parallel_loop3A_448, %parallel_loop3A_452 : vector<16xf32>
        %parallel_loop3A_454 = arith.addf %parallel_loop3A_432, %parallel_loop3A_453 : vector<16xf32>
        %parallel_loop3A_455 = arith.index_cast %parallel_loop3A_399 : i32 to index
        %parallel_loop3A_456 = arith.constant 32 : index
        %parallel_loop3A_457 = tpu.vector_load %arg19[%parallel_loop3A_455, %parallel_loop3A_456] {strides = array<i32>} : memref<32x128xf32, #tpu.memory_space<vmem>>, vector<16xf32>,
        %parallel_loop3A_458 = arith.index_cast %parallel_loop3A_399 : i32 to index
        %parallel_loop3A_459 = arith.constant 32 : index
        %parallel_loop3A_460 = tpu.vector_load %arg20[%parallel_loop3A_458, %parallel_loop3A_459] {strides = array<i32>} : memref<32x128xf32, #tpu.memory_space<vmem>>, vector<16xf32>,
        %parallel_loop3A_461 = arith.index_cast %parallel_loop3A_399 : i32 to index
        %parallel_loop3A_462 = arith.constant 32 : index
        %parallel_loop3A_463 = tpu.vector_load %arg21[%parallel_loop3A_461, %parallel_loop3A_462] {strides = array<i32>} : memref<32x128xf32, #tpu.memory_space<vmem>>, vector<16xf32>,
        %parallel_loop3A_464 = arith.index_cast %parallel_loop3A_399 : i32 to index
        %parallel_loop3A_465 = arith.constant 32 : index
        %parallel_loop3A_466 = tpu.vector_load %arg22[%parallel_loop3A_464, %parallel_loop3A_465] {strides = array<i32>} : memref<32x128xf32, #tpu.memory_space<vmem>>, vector<16xf32>,
        %parallel_loop3A_467 = arith.mulf %parallel_loop3A_457, %parallel_loop3A_463 : vector<16xf32>
        %parallel_loop3A_468 = arith.mulf %parallel_loop3A_460, %parallel_loop3A_466 : vector<16xf32>
        %parallel_loop3A_469 = arith.addf %parallel_loop3A_467, %parallel_loop3A_468 : vector<16xf32>
        %parallel_loop3A_470 = arith.mulf %get3A_15, %parallel_loop3A_469 : vector<16xf32>
        %parallel_loop3A_471 = arith.mulf %parallel_loop3A_457, %parallel_loop3A_466 : vector<16xf32>
        %parallel_loop3A_472 = arith.mulf %parallel_loop3A_460, %parallel_loop3A_463 : vector<16xf32>
        %parallel_loop3A_473 = arith.subf %parallel_loop3A_471, %parallel_loop3A_472 : vector<16xf32>
        %parallel_loop3A_474 = arith.mulf %get3A_31, %parallel_loop3A_473 : vector<16xf32>
        %parallel_loop3A_475 = arith.addf %parallel_loop3A_470, %parallel_loop3A_474 : vector<16xf32>
        %parallel_loop3A_476 = arith.addf %parallel_loop3A_454, %parallel_loop3A_475 : vector<16xf32>
        %parallel_loop3A_477 = arith.index_cast %parallel_loop3A_399 : i32 to index
        %parallel_loop3A_478 = arith.constant 48 : index
        %parallel_loop3A_479 = tpu.vector_load %arg19[%parallel_loop3A_477, %parallel_loop3A_478] {strides = array<i32>} : memref<32x128xf32, #tpu.memory_space<vmem>>, vector<16xf32>,
        %parallel_loop3A_480 = arith.index_cast %parallel_loop3A_399 : i32 to index
        %parallel_loop3A_481 = arith.constant 48 : index
        %parallel_loop3A_482 = tpu.vector_load %arg20[%parallel_loop3A_480, %parallel_loop3A_481] {strides = array<i32>} : memref<32x128xf32, #tpu.memory_space<vmem>>, vector<16xf32>,
        %parallel_loop3A_483 = arith.index_cast %parallel_loop3A_399 : i32 to index
        %parallel_loop3A_484 = arith.constant 48 : index
        %parallel_loop3A_485 = tpu.vector_load %arg21[%parallel_loop3A_483, %parallel_loop3A_484] {strides = array<i32>} : memref<32x128xf32, #tpu.memory_space<vmem>>, vector<16xf32>,
        %parallel_loop3A_486 = arith.index_cast %parallel_loop3A_399 : i32 to index
        %parallel_loop3A_487 = arith.constant 48 : index
        %parallel_loop3A_488 = tpu.vector_load %arg22[%parallel_loop3A_486, %parallel_loop3A_487] {strides = array<i32>} : memref<32x128xf32, #tpu.memory_space<vmem>>, vector<16xf32>,
        %parallel_loop3A_489 = arith.mulf %parallel_loop3A_479, %parallel_loop3A_485 : vector<16xf32>
        %parallel_loop3A_490 = arith.mulf %parallel_loop3A_482, %parallel_loop3A_488 : vector<16xf32>
        %parallel_loop3A_491 = arith.addf %parallel_loop3A_489, %parallel_loop3A_490 : vector<16xf32>
        %parallel_loop3A_492 = arith.mulf %get3A_17, %parallel_loop3A_491 : vector<16xf32>
        %parallel_loop3A_493 = arith.mulf %parallel_loop3A_479, %parallel_loop3A_488 : vector<16xf32>
        %parallel_loop3A_494 = arith.mulf %parallel_loop3A_482, %parallel_loop3A_485 : vector<16xf32>
        %parallel_loop3A_495 = arith.subf %parallel_loop3A_493, %parallel_loop3A_494 : vector<16xf32>
        %parallel_loop3A_496 = arith.mulf %get3A_33, %parallel_loop3A_495 : vector<16xf32>
        %parallel_loop3A_497 = arith.addf %parallel_loop3A_492, %parallel_loop3A_496 : vector<16xf32>
        %parallel_loop3A_498 = arith.addf %parallel_loop3A_476, %parallel_loop3A_497 : vector<16xf32>
        %parallel_loop3A_499 = arith.index_cast %parallel_loop3A_399 : i32 to index
        %parallel_loop3A_500 = arith.constant 64 : index
        %parallel_loop3A_501 = tpu.vector_load %arg19[%parallel_loop3A_499, %parallel_loop3A_500] {strides = array<i32>} : memref<32x128xf32, #tpu.memory_space<vmem>>, vector<16xf32>,
        %parallel_loop3A_502 = arith.index_cast %parallel_loop3A_399 : i32 to index
        %parallel_loop3A_503 = arith.constant 64 : index
        %parallel_loop3A_504 = tpu.vector_load %arg20[%parallel_loop3A_502, %parallel_loop3A_503] {strides = array<i32>} : memref<32x128xf32, #tpu.memory_space<vmem>>, vector<16xf32>,
        %parallel_loop3A_505 = arith.index_cast %parallel_loop3A_399 : i32 to index
        %parallel_loop3A_506 = arith.constant 64 : index
        %parallel_loop3A_507 = tpu.vector_load %arg21[%parallel_loop3A_505, %parallel_loop3A_506] {strides = array<i32>} : memref<32x128xf32, #tpu.memory_space<vmem>>, vector<16xf32>,
        %parallel_loop3A_508 = arith.index_cast %parallel_loop3A_399 : i32 to index
        %parallel_loop3A_509 = arith.constant 64 : index
        %parallel_loop3A_510 = tpu.vector_load %arg22[%parallel_loop3A_508, %parallel_loop3A_509] {strides = array<i32>} : memref<32x128xf32, #tpu.memory_space<vmem>>, vector<16xf32>,
        %parallel_loop3A_511 = arith.mulf %parallel_loop3A_501, %parallel_loop3A_507 : vector<16xf32>
        %parallel_loop3A_512 = arith.mulf %parallel_loop3A_504, %parallel_loop3A_510 : vector<16xf32>
        %parallel_loop3A_513 = arith.addf %parallel_loop3A_511, %parallel_loop3A_512 : vector<16xf32>
        %parallel_loop3A_514 = arith.mulf %get3A_19, %parallel_loop3A_513 : vector<16xf32>
        %parallel_loop3A_515 = arith.mulf %parallel_loop3A_501, %parallel_loop3A_510 : vector<16xf32>
        %parallel_loop3A_516 = arith.mulf %parallel_loop3A_504, %parallel_loop3A_507 : vector<16xf32>
        %parallel_loop3A_517 = arith.subf %parallel_loop3A_515, %parallel_loop3A_516 : vector<16xf32>
        %parallel_loop3A_518 = arith.mulf %get3A_35, %parallel_loop3A_517 : vector<16xf32>
        %parallel_loop3A_519 = arith.addf %parallel_loop3A_514, %parallel_loop3A_518 : vector<16xf32>
        %parallel_loop3A_520 = arith.addf %parallel_loop3A_498, %parallel_loop3A_519 : vector<16xf32>
        %parallel_loop3A_521 = arith.index_cast %parallel_loop3A_399 : i32 to index
        %parallel_loop3A_522 = arith.constant 80 : index
        %parallel_loop3A_523 = tpu.vector_load %arg19[%parallel_loop3A_521, %parallel_loop3A_522] {strides = array<i32>} : memref<32x128xf32, #tpu.memory_space<vmem>>, vector<16xf32>,
        %parallel_loop3A_524 = arith.index_cast %parallel_loop3A_399 : i32 to index
        %parallel_loop3A_525 = arith.constant 80 : index
        %parallel_loop3A_526 = tpu.vector_load %arg20[%parallel_loop3A_524, %parallel_loop3A_525] {strides = array<i32>} : memref<32x128xf32, #tpu.memory_space<vmem>>, vector<16xf32>,
        %parallel_loop3A_527 = arith.index_cast %parallel_loop3A_399 : i32 to index
        %parallel_loop3A_528 = arith.constant 80 : index
        %parallel_loop3A_529 = tpu.vector_load %arg21[%parallel_loop3A_527, %parallel_loop3A_528] {strides = array<i32>} : memref<32x128xf32, #tpu.memory_space<vmem>>, vector<16xf32>,
        %parallel_loop3A_530 = arith.index_cast %parallel_loop3A_399 : i32 to index
        %parallel_loop3A_531 = arith.constant 80 : index
        %parallel_loop3A_532 = tpu.vector_load %arg22[%parallel_loop3A_530, %parallel_loop3A_531] {strides = array<i32>} : memref<32x128xf32, #tpu.memory_space<vmem>>, vector<16xf32>,
        %parallel_loop3A_533 = arith.mulf %parallel_loop3A_523, %parallel_loop3A_529 : vector<16xf32>
        %parallel_loop3A_534 = arith.mulf %parallel_loop3A_526, %parallel_loop3A_532 : vector<16xf32>
        %parallel_loop3A_535 = arith.addf %parallel_loop3A_533, %parallel_loop3A_534 : vector<16xf32>
        %parallel_loop3A_536 = arith.mulf %get3A_21, %parallel_loop3A_535 : vector<16xf32>
        %parallel_loop3A_537 = arith.mulf %parallel_loop3A_523, %parallel_loop3A_532 : vector<16xf32>
        %parallel_loop3A_538 = arith.mulf %parallel_loop3A_526, %parallel_loop3A_529 : vector<16xf32>
        %parallel_loop3A_539 = arith.subf %parallel_loop3A_537, %parallel_loop3A_538 : vector<16xf32>
        %parallel_loop3A_540 = arith.mulf %get3A_37, %parallel_loop3A_539 : vector<16xf32>
        %parallel_loop3A_541 = arith.addf %parallel_loop3A_536, %parallel_loop3A_540 : vector<16xf32>
        %parallel_loop3A_542 = arith.addf %parallel_loop3A_520, %parallel_loop3A_541 : vector<16xf32>
        %parallel_loop3A_543 = arith.index_cast %parallel_loop3A_399 : i32 to index
        %parallel_loop3A_544 = arith.constant 96 : index
        %parallel_loop3A_545 = tpu.vector_load %arg19[%parallel_loop3A_543, %parallel_loop3A_544] {strides = array<i32>} : memref<32x128xf32, #tpu.memory_space<vmem>>, vector<16xf32>,
        %parallel_loop3A_546 = arith.index_cast %parallel_loop3A_399 : i32 to index
        %parallel_loop3A_547 = arith.constant 96 : index
        %parallel_loop3A_548 = tpu.vector_load %arg20[%parallel_loop3A_546, %parallel_loop3A_547] {strides = array<i32>} : memref<32x128xf32, #tpu.memory_space<vmem>>, vector<16xf32>,
        %parallel_loop3A_549 = arith.index_cast %parallel_loop3A_399 : i32 to index
        %parallel_loop3A_550 = arith.constant 96 : index
        %parallel_loop3A_551 = tpu.vector_load %arg21[%parallel_loop3A_549, %parallel_loop3A_550] {strides = array<i32>} : memref<32x128xf32, #tpu.memory_space<vmem>>, vector<16xf32>,
        %parallel_loop3A_552 = arith.index_cast %parallel_loop3A_399 : i32 to index
        %parallel_loop3A_553 = arith.constant 96 : index
        %parallel_loop3A_554 = tpu.vector_load %arg22[%parallel_loop3A_552, %parallel_loop3A_553] {strides = array<i32>} : memref<32x128xf32, #tpu.memory_space<vmem>>, vector<16xf32>,
        %parallel_loop3A_555 = arith.mulf %parallel_loop3A_545, %parallel_loop3A_551 : vector<16xf32>
        %parallel_loop3A_556 = arith.mulf %parallel_loop3A_548, %parallel_loop3A_554 : vector<16xf32>
        %parallel_loop3A_557 = arith.addf %parallel_loop3A_555, %parallel_loop3A_556 : vector<16xf32>
        %parallel_loop3A_558 = arith.mulf %get3A_23, %parallel_loop3A_557 : vector<16xf32>
        %parallel_loop3A_559 = arith.mulf %parallel_loop3A_545, %parallel_loop3A_554 : vector<16xf32>
        %parallel_loop3A_560 = arith.mulf %parallel_loop3A_548, %parallel_loop3A_551 : vector<16xf32>
        %parallel_loop3A_561 = arith.subf %parallel_loop3A_559, %parallel_loop3A_560 : vector<16xf32>
        %parallel_loop3A_562 = arith.mulf %get3A_39, %parallel_loop3A_561 : vector<16xf32>
        %parallel_loop3A_563 = arith.addf %parallel_loop3A_558, %parallel_loop3A_562 : vector<16xf32>
        %parallel_loop3A_564 = arith.addf %parallel_loop3A_542, %parallel_loop3A_563 : vector<16xf32>
        %parallel_loop3A_565 = arith.index_cast %parallel_loop3A_399 : i32 to index
        %parallel_loop3A_566 = arith.constant 112 : index
        %parallel_loop3A_567 = tpu.vector_load %arg19[%parallel_loop3A_565, %parallel_loop3A_566] {strides = array<i32>} : memref<32x128xf32, #tpu.memory_space<vmem>>, vector<16xf32>,
        %parallel_loop3A_568 = arith.index_cast %parallel_loop3A_399 : i32 to index
        %parallel_loop3A_569 = arith.constant 112 : index
        %parallel_loop3A_570 = tpu.vector_load %arg20[%parallel_loop3A_568, %parallel_loop3A_569] {strides = array<i32>} : memref<32x128xf32, #tpu.memory_space<vmem>>, vector<16xf32>,
        %parallel_loop3A_571 = arith.index_cast %parallel_loop3A_399 : i32 to index
        %parallel_loop3A_572 = arith.constant 112 : index
        %parallel_loop3A_573 = tpu.vector_load %arg21[%parallel_loop3A_571, %parallel_loop3A_572] {strides = array<i32>} : memref<32x128xf32, #tpu.memory_space<vmem>>, vector<16xf32>,
        %parallel_loop3A_574 = arith.index_cast %parallel_loop3A_399 : i32 to index
        %parallel_loop3A_575 = arith.constant 112 : index
        %parallel_loop3A_576 = tpu.vector_load %arg22[%parallel_loop3A_574, %parallel_loop3A_575] {strides = array<i32>} : memref<32x128xf32, #tpu.memory_space<vmem>>, vector<16xf32>,
        %parallel_loop3A_577 = arith.mulf %parallel_loop3A_567, %parallel_loop3A_573 : vector<16xf32>
        %parallel_loop3A_578 = arith.mulf %parallel_loop3A_570, %parallel_loop3A_576 : vector<16xf32>
        %parallel_loop3A_579 = arith.addf %parallel_loop3A_577, %parallel_loop3A_578 : vector<16xf32>
        %parallel_loop3A_580 = arith.mulf %get3A_25, %parallel_loop3A_579 : vector<16xf32>
        %parallel_loop3A_581 = arith.mulf %parallel_loop3A_567, %parallel_loop3A_576 : vector<16xf32>
        %parallel_loop3A_582 = arith.mulf %parallel_loop3A_570, %parallel_loop3A_573 : vector<16xf32>
        %parallel_loop3A_583 = arith.subf %parallel_loop3A_581, %parallel_loop3A_582 : vector<16xf32>
        %parallel_loop3A_584 = arith.mulf %get3A_41, %parallel_loop3A_583 : vector<16xf32>
        %parallel_loop3A_585 = arith.addf %parallel_loop3A_580, %parallel_loop3A_584 : vector<16xf32>
        %parallel_loop3A_586 = arith.addf %parallel_loop3A_564, %parallel_loop3A_585 : vector<16xf32>
        %parallel_loop3A_587 = arith.constant 32 : i32
        %parallel_loop3A_588 = arith.muli %add3A_304, %parallel_loop3A_587 : i32
        %parallel_loop3A_589 = arith.addi %parallel_loop3A_588, %parallel_loop3A_399 : i32
        %parallel_loop3A_590 = arith.constant 16 : i32
        %parallel_loop3A_591 = arith.muli %parallel_loop3A_589, %parallel_loop3A_590 : i32
        %parallel_loop3A_592 = arith.index_cast %parallel_loop3A_591 : i32 to index
        %parallel_loop3A_593 = tpu.vector_load %arg31[%parallel_loop3A_592] {strides = array<i32>} : memref<8192xf32, #tpu.memory_space<vmem>>, vector<16xf32>,
        tpu.vector_store %arg31[%parallel_loop3A_592], %parallel_loop3A_586 {strides = array<i32>} : memref<8192xf32, #tpu.memory_space<vmem>>, vector<16xf32>,
      } {sc.loop_unroll_factor = 2 : i64, sc.parallel_access}
      %add3A_335 = arith.constant 2 : i32
      %add3A_336 = arith.addi %mul3A_274, %add3A_335 : i32
      %add3A_337 = arith.constant 3 : i32
      %add3A_338 = arith.addi %add3A_336, %add3A_337 : i32
      %lt3A_339 = arith.constant 16 : i32
      %lt3A_340 = arith.cmpi slt, %add3A_338, %lt3A_339 : i32
      %convert_element_type3A_341 = arith.extui %lt3A_340 : i1 to i32
      %cond3A_342 = arith.constant 0 : i32
      %cond3A_343 = arith.cmpi ne, %convert_element_type3A_341, %cond3A_342 : i32
      scf.if %cond3A_343 {
        %mul3A_399 = arith.constant 32 : i32
        %mul3A_400 = arith.muli %add3A_338, %mul3A_399 : i32
        %mul3A_401 = arith.constant 32 : i32
        %mul3A_402 = arith.muli %add3A_338, %mul3A_401 : i32
        %dma_start3A_403 = tpu.memref_slice %arg10[%mul3A_400] : memref<512xi32, #tpu.memory_space<vmem>> -> memref<32xi32, #tpu.memory_space<vmem>>
        %dma_start3A_404 = arith.constant 0 : i32
        %dma_start3A_405 = arith.constant 0 : i32
        %dma_start3A_406 = tpu.memref_slice %arg7[%dma_start3A_404, %dma_start3A_405] : memref<14541x128xf32, #tpu.memory_space<hbm>> -> memref<14541x128xf32, #tpu.memory_space<hbm>>
        tpu.enqueue_indirect_dma source(%dma_start3A_406 : memref<14541x128xf32, #tpu.memory_space<hbm>>) target(%arg19 : memref<32x128xf32, #tpu.memory_space<vmem>>) offsets(%dma_start3A_403 : memref<32xi32, #tpu.memory_space<vmem>>) semaphore(%arg34 : memref<!tpu.dma_semaphore, #tpu.memory_space<semaphore_mem>>)
        %dma_start3A_407 = tpu.memref_slice %arg10[%mul3A_400] : memref<512xi32, #tpu.memory_space<vmem>> -> memref<32xi32, #tpu.memory_space<vmem>>
        %dma_start3A_408 = arith.constant 0 : i32
        %dma_start3A_409 = arith.constant 0 : i32
        %dma_start3A_410 = tpu.memref_slice %arg8[%dma_start3A_408, %dma_start3A_409] : memref<14541x128xf32, #tpu.memory_space<hbm>> -> memref<14541x128xf32, #tpu.memory_space<hbm>>
        tpu.enqueue_indirect_dma source(%dma_start3A_410 : memref<14541x128xf32, #tpu.memory_space<hbm>>) target(%arg20 : memref<32x128xf32, #tpu.memory_space<vmem>>) offsets(%dma_start3A_407 : memref<32xi32, #tpu.memory_space<vmem>>) semaphore(%arg34 : memref<!tpu.dma_semaphore, #tpu.memory_space<semaphore_mem>>)
        %dma_start3A_411 = tpu.memref_slice %arg11[%mul3A_402] : memref<512xi32, #tpu.memory_space<vmem>> -> memref<32xi32, #tpu.memory_space<vmem>>
        %dma_start3A_412 = arith.constant 0 : i32
        %dma_start3A_413 = arith.constant 0 : i32
        %dma_start3A_414 = tpu.memref_slice %arg7[%dma_start3A_412, %dma_start3A_413] : memref<14541x128xf32, #tpu.memory_space<hbm>> -> memref<14541x128xf32, #tpu.memory_space<hbm>>
        tpu.enqueue_indirect_dma source(%dma_start3A_414 : memref<14541x128xf32, #tpu.memory_space<hbm>>) target(%arg21 : memref<32x128xf32, #tpu.memory_space<vmem>>) offsets(%dma_start3A_411 : memref<32xi32, #tpu.memory_space<vmem>>) semaphore(%arg34 : memref<!tpu.dma_semaphore, #tpu.memory_space<semaphore_mem>>)
        %dma_start3A_415 = tpu.memref_slice %arg11[%mul3A_402] : memref<512xi32, #tpu.memory_space<vmem>> -> memref<32xi32, #tpu.memory_space<vmem>>
        %dma_start3A_416 = arith.constant 0 : i32
        %dma_start3A_417 = arith.constant 0 : i32
        %dma_start3A_418 = tpu.memref_slice %arg8[%dma_start3A_416, %dma_start3A_417] : memref<14541x128xf32, #tpu.memory_space<hbm>> -> memref<14541x128xf32, #tpu.memory_space<hbm>>
        tpu.enqueue_indirect_dma source(%dma_start3A_418 : memref<14541x128xf32, #tpu.memory_space<hbm>>) target(%arg22 : memref<32x128xf32, #tpu.memory_space<vmem>>) offsets(%dma_start3A_415 : memref<32xi32, #tpu.memory_space<vmem>>) semaphore(%arg34 : memref<!tpu.dma_semaphore, #tpu.memory_space<semaphore_mem>>)
      } else {
      }
      %dma_wait3A_344 = arith.constant 0 : i32
      %dma_wait3A_345 = tpu.memref_slice %arg10[%dma_wait3A_344] : memref<512xi32, #tpu.memory_space<vmem>> -> memref<32xi32, #tpu.memory_space<vmem>>
      %dma_wait3A_346 = arith.constant 0 : i32
      %dma_wait3A_347 = arith.constant 0 : i32
      %dma_wait3A_348 = tpu.memref_slice %arg7[%dma_wait3A_346, %dma_wait3A_347] : memref<14541x128xf32, #tpu.memory_space<hbm>> -> memref<14541x128xf32, #tpu.memory_space<hbm>>
      tpu.wait_indirect_dma semaphore(%arg35 : memref<!tpu.dma_semaphore, #tpu.memory_space<semaphore_mem>>) src(%dma_wait3A_348 : memref<14541x128xf32, #tpu.memory_space<hbm>>) dst(%arg23 : memref<32x128xf32, #tpu.memory_space<vmem>>)
      %dma_wait3A_349 = arith.constant 0 : i32
      %dma_wait3A_350 = tpu.memref_slice %arg10[%dma_wait3A_349] : memref<512xi32, #tpu.memory_space<vmem>> -> memref<32xi32, #tpu.memory_space<vmem>>
      %dma_wait3A_351 = arith.constant 0 : i32
      %dma_wait3A_352 = arith.constant 0 : i32
      %dma_wait3A_353 = tpu.memref_slice %arg7[%dma_wait3A_351, %dma_wait3A_352] : memref<14541x128xf32, #tpu.memory_space<hbm>> -> memref<14541x128xf32, #tpu.memory_space<hbm>>
      tpu.wait_indirect_dma semaphore(%arg35 : memref<!tpu.dma_semaphore, #tpu.memory_space<semaphore_mem>>) src(%dma_wait3A_353 : memref<14541x128xf32, #tpu.memory_space<hbm>>) dst(%arg24 : memref<32x128xf32, #tpu.memory_space<vmem>>)
      %dma_wait3A_354 = arith.constant 0 : i32
      %dma_wait3A_355 = tpu.memref_slice %arg10[%dma_wait3A_354] : memref<512xi32, #tpu.memory_space<vmem>> -> memref<32xi32, #tpu.memory_space<vmem>>
      %dma_wait3A_356 = arith.constant 0 : i32
      %dma_wait3A_357 = arith.constant 0 : i32
      %dma_wait3A_358 = tpu.memref_slice %arg7[%dma_wait3A_356, %dma_wait3A_357] : memref<14541x128xf32, #tpu.memory_space<hbm>> -> memref<14541x128xf32, #tpu.memory_space<hbm>>
      tpu.wait_indirect_dma semaphore(%arg35 : memref<!tpu.dma_semaphore, #tpu.memory_space<semaphore_mem>>) src(%dma_wait3A_358 : memref<14541x128xf32, #tpu.memory_space<hbm>>) dst(%arg25 : memref<32x128xf32, #tpu.memory_space<vmem>>)
      %dma_wait3A_359 = arith.constant 0 : i32
      %dma_wait3A_360 = tpu.memref_slice %arg10[%dma_wait3A_359] : memref<512xi32, #tpu.memory_space<vmem>> -> memref<32xi32, #tpu.memory_space<vmem>>
      %dma_wait3A_361 = arith.constant 0 : i32
      %dma_wait3A_362 = arith.constant 0 : i32
      %dma_wait3A_363 = tpu.memref_slice %arg7[%dma_wait3A_361, %dma_wait3A_362] : memref<14541x128xf32, #tpu.memory_space<hbm>> -> memref<14541x128xf32, #tpu.memory_space<hbm>>
      tpu.wait_indirect_dma semaphore(%arg35 : memref<!tpu.dma_semaphore, #tpu.memory_space<semaphore_mem>>) src(%dma_wait3A_363 : memref<14541x128xf32, #tpu.memory_space<hbm>>) dst(%arg26 : memref<32x128xf32, #tpu.memory_space<vmem>>)
      %parallel_loop3A_364 = arith.constant 0 : i32
      %parallel_loop3A_365 = arith.constant 32 : i32
      %parallel_loop3A_366 = arith.constant 1 : i32
      scf.for %parallel_loop3A_399 = %parallel_loop3A_364 to %parallel_loop3A_365 step %parallel_loop3A_366  : i32 {
        %parallel_loop3A_400 = arith.index_cast %parallel_loop3A_399 : i32 to index
        %parallel_loop3A_401 = arith.constant 0 : index
        %parallel_loop3A_402 = tpu.vector_load %arg23[%parallel_loop3A_400, %parallel_loop3A_401] {strides = array<i32>} : memref<32x128xf32, #tpu.memory_space<vmem>>, vector<16xf32>,
        %parallel_loop3A_403 = arith.index_cast %parallel_loop3A_399 : i32 to index
        %parallel_loop3A_404 = arith.constant 0 : index
        %parallel_loop3A_405 = tpu.vector_load %arg25[%parallel_loop3A_403, %parallel_loop3A_404] {strides = array<i32>} : memref<32x128xf32, #tpu.memory_space<vmem>>, vector<16xf32>,
        %parallel_loop3A_406 = arith.mulf %parallel_loop3A_402, %parallel_loop3A_405 : vector<16xf32>
        %parallel_loop3A_407 = arith.index_cast %parallel_loop3A_399 : i32 to index
        %parallel_loop3A_408 = arith.constant 0 : index
        %parallel_loop3A_409 = tpu.vector_load %arg24[%parallel_loop3A_407, %parallel_loop3A_408] {strides = array<i32>} : memref<32x128xf32, #tpu.memory_space<vmem>>, vector<16xf32>,
        %parallel_loop3A_410 = arith.index_cast %parallel_loop3A_399 : i32 to index
        %parallel_loop3A_411 = arith.constant 0 : index
        %parallel_loop3A_412 = tpu.vector_load %arg26[%parallel_loop3A_410, %parallel_loop3A_411] {strides = array<i32>} : memref<32x128xf32, #tpu.memory_space<vmem>>, vector<16xf32>,
        %parallel_loop3A_413 = arith.mulf %parallel_loop3A_409, %parallel_loop3A_412 : vector<16xf32>
        %parallel_loop3A_414 = arith.addf %parallel_loop3A_406, %parallel_loop3A_413 : vector<16xf32>
        %parallel_loop3A_415 = arith.mulf %get3A_11, %parallel_loop3A_414 : vector<16xf32>
        %parallel_loop3A_416 = arith.index_cast %parallel_loop3A_399 : i32 to index
        %parallel_loop3A_417 = arith.constant 0 : index
        %parallel_loop3A_418 = tpu.vector_load %arg23[%parallel_loop3A_416, %parallel_loop3A_417] {strides = array<i32>} : memref<32x128xf32, #tpu.memory_space<vmem>>, vector<16xf32>,
        %parallel_loop3A_419 = arith.index_cast %parallel_loop3A_399 : i32 to index
        %parallel_loop3A_420 = arith.constant 0 : index
        %parallel_loop3A_421 = tpu.vector_load %arg26[%parallel_loop3A_419, %parallel_loop3A_420] {strides = array<i32>} : memref<32x128xf32, #tpu.memory_space<vmem>>, vector<16xf32>,
        %parallel_loop3A_422 = arith.mulf %parallel_loop3A_418, %parallel_loop3A_421 : vector<16xf32>
        %parallel_loop3A_423 = arith.index_cast %parallel_loop3A_399 : i32 to index
        %parallel_loop3A_424 = arith.constant 0 : index
        %parallel_loop3A_425 = tpu.vector_load %arg24[%parallel_loop3A_423, %parallel_loop3A_424] {strides = array<i32>} : memref<32x128xf32, #tpu.memory_space<vmem>>, vector<16xf32>,
        %parallel_loop3A_426 = arith.index_cast %parallel_loop3A_399 : i32 to index
        %parallel_loop3A_427 = arith.constant 0 : index
        %parallel_loop3A_428 = tpu.vector_load %arg25[%parallel_loop3A_426, %parallel_loop3A_427] {strides = array<i32>} : memref<32x128xf32, #tpu.memory_space<vmem>>, vector<16xf32>,
        %parallel_loop3A_429 = arith.mulf %parallel_loop3A_425, %parallel_loop3A_428 : vector<16xf32>
        %parallel_loop3A_430 = arith.subf %parallel_loop3A_422, %parallel_loop3A_429 : vector<16xf32>
        %parallel_loop3A_431 = arith.mulf %get3A_27, %parallel_loop3A_430 : vector<16xf32>
        %parallel_loop3A_432 = arith.addf %parallel_loop3A_415, %parallel_loop3A_431 : vector<16xf32>
        %parallel_loop3A_433 = arith.index_cast %parallel_loop3A_399 : i32 to index
        %parallel_loop3A_434 = arith.constant 16 : index
        %parallel_loop3A_435 = tpu.vector_load %arg23[%parallel_loop3A_433, %parallel_loop3A_434] {strides = array<i32>} : memref<32x128xf32, #tpu.memory_space<vmem>>, vector<16xf32>,
        %parallel_loop3A_436 = arith.index_cast %parallel_loop3A_399 : i32 to index
        %parallel_loop3A_437 = arith.constant 16 : index
        %parallel_loop3A_438 = tpu.vector_load %arg24[%parallel_loop3A_436, %parallel_loop3A_437] {strides = array<i32>} : memref<32x128xf32, #tpu.memory_space<vmem>>, vector<16xf32>,
        %parallel_loop3A_439 = arith.index_cast %parallel_loop3A_399 : i32 to index
        %parallel_loop3A_440 = arith.constant 16 : index
        %parallel_loop3A_441 = tpu.vector_load %arg25[%parallel_loop3A_439, %parallel_loop3A_440] {strides = array<i32>} : memref<32x128xf32, #tpu.memory_space<vmem>>, vector<16xf32>,
        %parallel_loop3A_442 = arith.index_cast %parallel_loop3A_399 : i32 to index
        %parallel_loop3A_443 = arith.constant 16 : index
        %parallel_loop3A_444 = tpu.vector_load %arg26[%parallel_loop3A_442, %parallel_loop3A_443] {strides = array<i32>} : memref<32x128xf32, #tpu.memory_space<vmem>>, vector<16xf32>,
        %parallel_loop3A_445 = arith.mulf %parallel_loop3A_435, %parallel_loop3A_441 : vector<16xf32>
        %parallel_loop3A_446 = arith.mulf %parallel_loop3A_438, %parallel_loop3A_444 : vector<16xf32>
        %parallel_loop3A_447 = arith.addf %parallel_loop3A_445, %parallel_loop3A_446 : vector<16xf32>
        %parallel_loop3A_448 = arith.mulf %get3A_13, %parallel_loop3A_447 : vector<16xf32>
        %parallel_loop3A_449 = arith.mulf %parallel_loop3A_435, %parallel_loop3A_444 : vector<16xf32>
        %parallel_loop3A_450 = arith.mulf %parallel_loop3A_438, %parallel_loop3A_441 : vector<16xf32>
        %parallel_loop3A_451 = arith.subf %parallel_loop3A_449, %parallel_loop3A_450 : vector<16xf32>
        %parallel_loop3A_452 = arith.mulf %get3A_29, %parallel_loop3A_451 : vector<16xf32>
        %parallel_loop3A_453 = arith.addf %parallel_loop3A_448, %parallel_loop3A_452 : vector<16xf32>
        %parallel_loop3A_454 = arith.addf %parallel_loop3A_432, %parallel_loop3A_453 : vector<16xf32>
        %parallel_loop3A_455 = arith.index_cast %parallel_loop3A_399 : i32 to index
        %parallel_loop3A_456 = arith.constant 32 : index
        %parallel_loop3A_457 = tpu.vector_load %arg23[%parallel_loop3A_455, %parallel_loop3A_456] {strides = array<i32>} : memref<32x128xf32, #tpu.memory_space<vmem>>, vector<16xf32>,
        %parallel_loop3A_458 = arith.index_cast %parallel_loop3A_399 : i32 to index
        %parallel_loop3A_459 = arith.constant 32 : index
        %parallel_loop3A_460 = tpu.vector_load %arg24[%parallel_loop3A_458, %parallel_loop3A_459] {strides = array<i32>} : memref<32x128xf32, #tpu.memory_space<vmem>>, vector<16xf32>,
        %parallel_loop3A_461 = arith.index_cast %parallel_loop3A_399 : i32 to index
        %parallel_loop3A_462 = arith.constant 32 : index
        %parallel_loop3A_463 = tpu.vector_load %arg25[%parallel_loop3A_461, %parallel_loop3A_462] {strides = array<i32>} : memref<32x128xf32, #tpu.memory_space<vmem>>, vector<16xf32>,
        %parallel_loop3A_464 = arith.index_cast %parallel_loop3A_399 : i32 to index
        %parallel_loop3A_465 = arith.constant 32 : index
        %parallel_loop3A_466 = tpu.vector_load %arg26[%parallel_loop3A_464, %parallel_loop3A_465] {strides = array<i32>} : memref<32x128xf32, #tpu.memory_space<vmem>>, vector<16xf32>,
        %parallel_loop3A_467 = arith.mulf %parallel_loop3A_457, %parallel_loop3A_463 : vector<16xf32>
        %parallel_loop3A_468 = arith.mulf %parallel_loop3A_460, %parallel_loop3A_466 : vector<16xf32>
        %parallel_loop3A_469 = arith.addf %parallel_loop3A_467, %parallel_loop3A_468 : vector<16xf32>
        %parallel_loop3A_470 = arith.mulf %get3A_15, %parallel_loop3A_469 : vector<16xf32>
        %parallel_loop3A_471 = arith.mulf %parallel_loop3A_457, %parallel_loop3A_466 : vector<16xf32>
        %parallel_loop3A_472 = arith.mulf %parallel_loop3A_460, %parallel_loop3A_463 : vector<16xf32>
        %parallel_loop3A_473 = arith.subf %parallel_loop3A_471, %parallel_loop3A_472 : vector<16xf32>
        %parallel_loop3A_474 = arith.mulf %get3A_31, %parallel_loop3A_473 : vector<16xf32>
        %parallel_loop3A_475 = arith.addf %parallel_loop3A_470, %parallel_loop3A_474 : vector<16xf32>
        %parallel_loop3A_476 = arith.addf %parallel_loop3A_454, %parallel_loop3A_475 : vector<16xf32>
        %parallel_loop3A_477 = arith.index_cast %parallel_loop3A_399 : i32 to index
        %parallel_loop3A_478 = arith.constant 48 : index
        %parallel_loop3A_479 = tpu.vector_load %arg23[%parallel_loop3A_477, %parallel_loop3A_478] {strides = array<i32>} : memref<32x128xf32, #tpu.memory_space<vmem>>, vector<16xf32>,
        %parallel_loop3A_480 = arith.index_cast %parallel_loop3A_399 : i32 to index
        %parallel_loop3A_481 = arith.constant 48 : index
        %parallel_loop3A_482 = tpu.vector_load %arg24[%parallel_loop3A_480, %parallel_loop3A_481] {strides = array<i32>} : memref<32x128xf32, #tpu.memory_space<vmem>>, vector<16xf32>,
        %parallel_loop3A_483 = arith.index_cast %parallel_loop3A_399 : i32 to index
        %parallel_loop3A_484 = arith.constant 48 : index
        %parallel_loop3A_485 = tpu.vector_load %arg25[%parallel_loop3A_483, %parallel_loop3A_484] {strides = array<i32>} : memref<32x128xf32, #tpu.memory_space<vmem>>, vector<16xf32>,
        %parallel_loop3A_486 = arith.index_cast %parallel_loop3A_399 : i32 to index
        %parallel_loop3A_487 = arith.constant 48 : index
        %parallel_loop3A_488 = tpu.vector_load %arg26[%parallel_loop3A_486, %parallel_loop3A_487] {strides = array<i32>} : memref<32x128xf32, #tpu.memory_space<vmem>>, vector<16xf32>,
        %parallel_loop3A_489 = arith.mulf %parallel_loop3A_479, %parallel_loop3A_485 : vector<16xf32>
        %parallel_loop3A_490 = arith.mulf %parallel_loop3A_482, %parallel_loop3A_488 : vector<16xf32>
        %parallel_loop3A_491 = arith.addf %parallel_loop3A_489, %parallel_loop3A_490 : vector<16xf32>
        %parallel_loop3A_492 = arith.mulf %get3A_17, %parallel_loop3A_491 : vector<16xf32>
        %parallel_loop3A_493 = arith.mulf %parallel_loop3A_479, %parallel_loop3A_488 : vector<16xf32>
        %parallel_loop3A_494 = arith.mulf %parallel_loop3A_482, %parallel_loop3A_485 : vector<16xf32>
        %parallel_loop3A_495 = arith.subf %parallel_loop3A_493, %parallel_loop3A_494 : vector<16xf32>
        %parallel_loop3A_496 = arith.mulf %get3A_33, %parallel_loop3A_495 : vector<16xf32>
        %parallel_loop3A_497 = arith.addf %parallel_loop3A_492, %parallel_loop3A_496 : vector<16xf32>
        %parallel_loop3A_498 = arith.addf %parallel_loop3A_476, %parallel_loop3A_497 : vector<16xf32>
        %parallel_loop3A_499 = arith.index_cast %parallel_loop3A_399 : i32 to index
        %parallel_loop3A_500 = arith.constant 64 : index
        %parallel_loop3A_501 = tpu.vector_load %arg23[%parallel_loop3A_499, %parallel_loop3A_500] {strides = array<i32>} : memref<32x128xf32, #tpu.memory_space<vmem>>, vector<16xf32>,
        %parallel_loop3A_502 = arith.index_cast %parallel_loop3A_399 : i32 to index
        %parallel_loop3A_503 = arith.constant 64 : index
        %parallel_loop3A_504 = tpu.vector_load %arg24[%parallel_loop3A_502, %parallel_loop3A_503] {strides = array<i32>} : memref<32x128xf32, #tpu.memory_space<vmem>>, vector<16xf32>,
        %parallel_loop3A_505 = arith.index_cast %parallel_loop3A_399 : i32 to index
        %parallel_loop3A_506 = arith.constant 64 : index
        %parallel_loop3A_507 = tpu.vector_load %arg25[%parallel_loop3A_505, %parallel_loop3A_506] {strides = array<i32>} : memref<32x128xf32, #tpu.memory_space<vmem>>, vector<16xf32>,
        %parallel_loop3A_508 = arith.index_cast %parallel_loop3A_399 : i32 to index
        %parallel_loop3A_509 = arith.constant 64 : index
        %parallel_loop3A_510 = tpu.vector_load %arg26[%parallel_loop3A_508, %parallel_loop3A_509] {strides = array<i32>} : memref<32x128xf32, #tpu.memory_space<vmem>>, vector<16xf32>,
        %parallel_loop3A_511 = arith.mulf %parallel_loop3A_501, %parallel_loop3A_507 : vector<16xf32>
        %parallel_loop3A_512 = arith.mulf %parallel_loop3A_504, %parallel_loop3A_510 : vector<16xf32>
        %parallel_loop3A_513 = arith.addf %parallel_loop3A_511, %parallel_loop3A_512 : vector<16xf32>
        %parallel_loop3A_514 = arith.mulf %get3A_19, %parallel_loop3A_513 : vector<16xf32>
        %parallel_loop3A_515 = arith.mulf %parallel_loop3A_501, %parallel_loop3A_510 : vector<16xf32>
        %parallel_loop3A_516 = arith.mulf %parallel_loop3A_504, %parallel_loop3A_507 : vector<16xf32>
        %parallel_loop3A_517 = arith.subf %parallel_loop3A_515, %parallel_loop3A_516 : vector<16xf32>
        %parallel_loop3A_518 = arith.mulf %get3A_35, %parallel_loop3A_517 : vector<16xf32>
        %parallel_loop3A_519 = arith.addf %parallel_loop3A_514, %parallel_loop3A_518 : vector<16xf32>
        %parallel_loop3A_520 = arith.addf %parallel_loop3A_498, %parallel_loop3A_519 : vector<16xf32>
        %parallel_loop3A_521 = arith.index_cast %parallel_loop3A_399 : i32 to index
        %parallel_loop3A_522 = arith.constant 80 : index
        %parallel_loop3A_523 = tpu.vector_load %arg23[%parallel_loop3A_521, %parallel_loop3A_522] {strides = array<i32>} : memref<32x128xf32, #tpu.memory_space<vmem>>, vector<16xf32>,
        %parallel_loop3A_524 = arith.index_cast %parallel_loop3A_399 : i32 to index
        %parallel_loop3A_525 = arith.constant 80 : index
        %parallel_loop3A_526 = tpu.vector_load %arg24[%parallel_loop3A_524, %parallel_loop3A_525] {strides = array<i32>} : memref<32x128xf32, #tpu.memory_space<vmem>>, vector<16xf32>,
        %parallel_loop3A_527 = arith.index_cast %parallel_loop3A_399 : i32 to index
        %parallel_loop3A_528 = arith.constant 80 : index
        %parallel_loop3A_529 = tpu.vector_load %arg25[%parallel_loop3A_527, %parallel_loop3A_528] {strides = array<i32>} : memref<32x128xf32, #tpu.memory_space<vmem>>, vector<16xf32>,
        %parallel_loop3A_530 = arith.index_cast %parallel_loop3A_399 : i32 to index
        %parallel_loop3A_531 = arith.constant 80 : index
        %parallel_loop3A_532 = tpu.vector_load %arg26[%parallel_loop3A_530, %parallel_loop3A_531] {strides = array<i32>} : memref<32x128xf32, #tpu.memory_space<vmem>>, vector<16xf32>,
        %parallel_loop3A_533 = arith.mulf %parallel_loop3A_523, %parallel_loop3A_529 : vector<16xf32>
        %parallel_loop3A_534 = arith.mulf %parallel_loop3A_526, %parallel_loop3A_532 : vector<16xf32>
        %parallel_loop3A_535 = arith.addf %parallel_loop3A_533, %parallel_loop3A_534 : vector<16xf32>
        %parallel_loop3A_536 = arith.mulf %get3A_21, %parallel_loop3A_535 : vector<16xf32>
        %parallel_loop3A_537 = arith.mulf %parallel_loop3A_523, %parallel_loop3A_532 : vector<16xf32>
        %parallel_loop3A_538 = arith.mulf %parallel_loop3A_526, %parallel_loop3A_529 : vector<16xf32>
        %parallel_loop3A_539 = arith.subf %parallel_loop3A_537, %parallel_loop3A_538 : vector<16xf32>
        %parallel_loop3A_540 = arith.mulf %get3A_37, %parallel_loop3A_539 : vector<16xf32>
        %parallel_loop3A_541 = arith.addf %parallel_loop3A_536, %parallel_loop3A_540 : vector<16xf32>
        %parallel_loop3A_542 = arith.addf %parallel_loop3A_520, %parallel_loop3A_541 : vector<16xf32>
        %parallel_loop3A_543 = arith.index_cast %parallel_loop3A_399 : i32 to index
        %parallel_loop3A_544 = arith.constant 96 : index
        %parallel_loop3A_545 = tpu.vector_load %arg23[%parallel_loop3A_543, %parallel_loop3A_544] {strides = array<i32>} : memref<32x128xf32, #tpu.memory_space<vmem>>, vector<16xf32>,
        %parallel_loop3A_546 = arith.index_cast %parallel_loop3A_399 : i32 to index
        %parallel_loop3A_547 = arith.constant 96 : index
        %parallel_loop3A_548 = tpu.vector_load %arg24[%parallel_loop3A_546, %parallel_loop3A_547] {strides = array<i32>} : memref<32x128xf32, #tpu.memory_space<vmem>>, vector<16xf32>,
        %parallel_loop3A_549 = arith.index_cast %parallel_loop3A_399 : i32 to index
        %parallel_loop3A_550 = arith.constant 96 : index
        %parallel_loop3A_551 = tpu.vector_load %arg25[%parallel_loop3A_549, %parallel_loop3A_550] {strides = array<i32>} : memref<32x128xf32, #tpu.memory_space<vmem>>, vector<16xf32>,
        %parallel_loop3A_552 = arith.index_cast %parallel_loop3A_399 : i32 to index
        %parallel_loop3A_553 = arith.constant 96 : index
        %parallel_loop3A_554 = tpu.vector_load %arg26[%parallel_loop3A_552, %parallel_loop3A_553] {strides = array<i32>} : memref<32x128xf32, #tpu.memory_space<vmem>>, vector<16xf32>,
        %parallel_loop3A_555 = arith.mulf %parallel_loop3A_545, %parallel_loop3A_551 : vector<16xf32>
        %parallel_loop3A_556 = arith.mulf %parallel_loop3A_548, %parallel_loop3A_554 : vector<16xf32>
        %parallel_loop3A_557 = arith.addf %parallel_loop3A_555, %parallel_loop3A_556 : vector<16xf32>
        %parallel_loop3A_558 = arith.mulf %get3A_23, %parallel_loop3A_557 : vector<16xf32>
        %parallel_loop3A_559 = arith.mulf %parallel_loop3A_545, %parallel_loop3A_554 : vector<16xf32>
        %parallel_loop3A_560 = arith.mulf %parallel_loop3A_548, %parallel_loop3A_551 : vector<16xf32>
        %parallel_loop3A_561 = arith.subf %parallel_loop3A_559, %parallel_loop3A_560 : vector<16xf32>
        %parallel_loop3A_562 = arith.mulf %get3A_39, %parallel_loop3A_561 : vector<16xf32>
        %parallel_loop3A_563 = arith.addf %parallel_loop3A_558, %parallel_loop3A_562 : vector<16xf32>
        %parallel_loop3A_564 = arith.addf %parallel_loop3A_542, %parallel_loop3A_563 : vector<16xf32>
        %parallel_loop3A_565 = arith.index_cast %parallel_loop3A_399 : i32 to index
        %parallel_loop3A_566 = arith.constant 112 : index
        %parallel_loop3A_567 = tpu.vector_load %arg23[%parallel_loop3A_565, %parallel_loop3A_566] {strides = array<i32>} : memref<32x128xf32, #tpu.memory_space<vmem>>, vector<16xf32>,
        %parallel_loop3A_568 = arith.index_cast %parallel_loop3A_399 : i32 to index
        %parallel_loop3A_569 = arith.constant 112 : index
        %parallel_loop3A_570 = tpu.vector_load %arg24[%parallel_loop3A_568, %parallel_loop3A_569] {strides = array<i32>} : memref<32x128xf32, #tpu.memory_space<vmem>>, vector<16xf32>,
        %parallel_loop3A_571 = arith.index_cast %parallel_loop3A_399 : i32 to index
        %parallel_loop3A_572 = arith.constant 112 : index
        %parallel_loop3A_573 = tpu.vector_load %arg25[%parallel_loop3A_571, %parallel_loop3A_572] {strides = array<i32>} : memref<32x128xf32, #tpu.memory_space<vmem>>, vector<16xf32>,
        %parallel_loop3A_574 = arith.index_cast %parallel_loop3A_399 : i32 to index
        %parallel_loop3A_575 = arith.constant 112 : index
        %parallel_loop3A_576 = tpu.vector_load %arg26[%parallel_loop3A_574, %parallel_loop3A_575] {strides = array<i32>} : memref<32x128xf32, #tpu.memory_space<vmem>>, vector<16xf32>,
        %parallel_loop3A_577 = arith.mulf %parallel_loop3A_567, %parallel_loop3A_573 : vector<16xf32>
        %parallel_loop3A_578 = arith.mulf %parallel_loop3A_570, %parallel_loop3A_576 : vector<16xf32>
        %parallel_loop3A_579 = arith.addf %parallel_loop3A_577, %parallel_loop3A_578 : vector<16xf32>
        %parallel_loop3A_580 = arith.mulf %get3A_25, %parallel_loop3A_579 : vector<16xf32>
        %parallel_loop3A_581 = arith.mulf %parallel_loop3A_567, %parallel_loop3A_576 : vector<16xf32>
        %parallel_loop3A_582 = arith.mulf %parallel_loop3A_570, %parallel_loop3A_573 : vector<16xf32>
        %parallel_loop3A_583 = arith.subf %parallel_loop3A_581, %parallel_loop3A_582 : vector<16xf32>
        %parallel_loop3A_584 = arith.mulf %get3A_41, %parallel_loop3A_583 : vector<16xf32>
        %parallel_loop3A_585 = arith.addf %parallel_loop3A_580, %parallel_loop3A_584 : vector<16xf32>
        %parallel_loop3A_586 = arith.addf %parallel_loop3A_564, %parallel_loop3A_585 : vector<16xf32>
        %parallel_loop3A_587 = arith.constant 32 : i32
        %parallel_loop3A_588 = arith.muli %add3A_336, %parallel_loop3A_587 : i32
        %parallel_loop3A_589 = arith.addi %parallel_loop3A_588, %parallel_loop3A_399 : i32
        %parallel_loop3A_590 = arith.constant 16 : i32
        %parallel_loop3A_591 = arith.muli %parallel_loop3A_589, %parallel_loop3A_590 : i32
        %parallel_loop3A_592 = arith.index_cast %parallel_loop3A_591 : i32 to index
        %parallel_loop3A_593 = tpu.vector_load %arg31[%parallel_loop3A_592] {strides = array<i32>} : memref<8192xf32, #tpu.memory_space<vmem>>, vector<16xf32>,
        tpu.vector_store %arg31[%parallel_loop3A_592], %parallel_loop3A_586 {strides = array<i32>} : memref<8192xf32, #tpu.memory_space<vmem>>, vector<16xf32>,
      } {sc.loop_unroll_factor = 2 : i64, sc.parallel_access}
      %add3A_367 = arith.constant 3 : i32
      %add3A_368 = arith.addi %mul3A_274, %add3A_367 : i32
      %add3A_369 = arith.constant 3 : i32
      %add3A_370 = arith.addi %add3A_368, %add3A_369 : i32
      %lt3A_371 = arith.constant 16 : i32
      %lt3A_372 = arith.cmpi slt, %add3A_370, %lt3A_371 : i32
      %convert_element_type3A_373 = arith.extui %lt3A_372 : i1 to i32
      %cond3A_374 = arith.constant 0 : i32
      %cond3A_375 = arith.cmpi ne, %convert_element_type3A_373, %cond3A_374 : i32
      scf.if %cond3A_375 {
        %mul3A_399 = arith.constant 32 : i32
        %mul3A_400 = arith.muli %add3A_370, %mul3A_399 : i32
        %mul3A_401 = arith.constant 32 : i32
        %mul3A_402 = arith.muli %add3A_370, %mul3A_401 : i32
        %dma_start3A_403 = tpu.memref_slice %arg10[%mul3A_400] : memref<512xi32, #tpu.memory_space<vmem>> -> memref<32xi32, #tpu.memory_space<vmem>>
        %dma_start3A_404 = arith.constant 0 : i32
        %dma_start3A_405 = arith.constant 0 : i32
        %dma_start3A_406 = tpu.memref_slice %arg7[%dma_start3A_404, %dma_start3A_405] : memref<14541x128xf32, #tpu.memory_space<hbm>> -> memref<14541x128xf32, #tpu.memory_space<hbm>>
        tpu.enqueue_indirect_dma source(%dma_start3A_406 : memref<14541x128xf32, #tpu.memory_space<hbm>>) target(%arg23 : memref<32x128xf32, #tpu.memory_space<vmem>>) offsets(%dma_start3A_403 : memref<32xi32, #tpu.memory_space<vmem>>) semaphore(%arg35 : memref<!tpu.dma_semaphore, #tpu.memory_space<semaphore_mem>>)
        %dma_start3A_407 = tpu.memref_slice %arg10[%mul3A_400] : memref<512xi32, #tpu.memory_space<vmem>> -> memref<32xi32, #tpu.memory_space<vmem>>
        %dma_start3A_408 = arith.constant 0 : i32
        %dma_start3A_409 = arith.constant 0 : i32
        %dma_start3A_410 = tpu.memref_slice %arg8[%dma_start3A_408, %dma_start3A_409] : memref<14541x128xf32, #tpu.memory_space<hbm>> -> memref<14541x128xf32, #tpu.memory_space<hbm>>
        tpu.enqueue_indirect_dma source(%dma_start3A_410 : memref<14541x128xf32, #tpu.memory_space<hbm>>) target(%arg24 : memref<32x128xf32, #tpu.memory_space<vmem>>) offsets(%dma_start3A_407 : memref<32xi32, #tpu.memory_space<vmem>>) semaphore(%arg35 : memref<!tpu.dma_semaphore, #tpu.memory_space<semaphore_mem>>)
        %dma_start3A_411 = tpu.memref_slice %arg11[%mul3A_402] : memref<512xi32, #tpu.memory_space<vmem>> -> memref<32xi32, #tpu.memory_space<vmem>>
        %dma_start3A_412 = arith.constant 0 : i32
        %dma_start3A_413 = arith.constant 0 : i32
        %dma_start3A_414 = tpu.memref_slice %arg7[%dma_start3A_412, %dma_start3A_413] : memref<14541x128xf32, #tpu.memory_space<hbm>> -> memref<14541x128xf32, #tpu.memory_space<hbm>>
        tpu.enqueue_indirect_dma source(%dma_start3A_414 : memref<14541x128xf32, #tpu.memory_space<hbm>>) target(%arg25 : memref<32x128xf32, #tpu.memory_space<vmem>>) offsets(%dma_start3A_411 : memref<32xi32, #tpu.memory_space<vmem>>) semaphore(%arg35 : memref<!tpu.dma_semaphore, #tpu.memory_space<semaphore_mem>>)
        %dma_start3A_415 = tpu.memref_slice %arg11[%mul3A_402] : memref<512xi32, #tpu.memory_space<vmem>> -> memref<32xi32, #tpu.memory_space<vmem>>
        %dma_start3A_416 = arith.constant 0 : i32
        %dma_start3A_417 = arith.constant 0 : i32
        %dma_start3A_418 = tpu.memref_slice %arg8[%dma_start3A_416, %dma_start3A_417] : memref<14541x128xf32, #tpu.memory_space<hbm>> -> memref<14541x128xf32, #tpu.memory_space<hbm>>
        tpu.enqueue_indirect_dma source(%dma_start3A_418 : memref<14541x128xf32, #tpu.memory_space<hbm>>) target(%arg26 : memref<32x128xf32, #tpu.memory_space<vmem>>) offsets(%dma_start3A_415 : memref<32xi32, #tpu.memory_space<vmem>>) semaphore(%arg35 : memref<!tpu.dma_semaphore, #tpu.memory_space<semaphore_mem>>)
      } else {
      }
      %dma_wait3A_376 = arith.constant 0 : i32
      %dma_wait3A_377 = tpu.memref_slice %arg10[%dma_wait3A_376] : memref<512xi32, #tpu.memory_space<vmem>> -> memref<32xi32, #tpu.memory_space<vmem>>
      %dma_wait3A_378 = arith.constant 0 : i32
      %dma_wait3A_379 = arith.constant 0 : i32
      %dma_wait3A_380 = tpu.memref_slice %arg7[%dma_wait3A_378, %dma_wait3A_379] : memref<14541x128xf32, #tpu.memory_space<hbm>> -> memref<14541x128xf32, #tpu.memory_space<hbm>>
      tpu.wait_indirect_dma semaphore(%arg36 : memref<!tpu.dma_semaphore, #tpu.memory_space<semaphore_mem>>) src(%dma_wait3A_380 : memref<14541x128xf32, #tpu.memory_space<hbm>>) dst(%arg27 : memref<32x128xf32, #tpu.memory_space<vmem>>)
      %dma_wait3A_381 = arith.constant 0 : i32
      %dma_wait3A_382 = tpu.memref_slice %arg10[%dma_wait3A_381] : memref<512xi32, #tpu.memory_space<vmem>> -> memref<32xi32, #tpu.memory_space<vmem>>
      %dma_wait3A_383 = arith.constant 0 : i32
      %dma_wait3A_384 = arith.constant 0 : i32
      %dma_wait3A_385 = tpu.memref_slice %arg7[%dma_wait3A_383, %dma_wait3A_384] : memref<14541x128xf32, #tpu.memory_space<hbm>> -> memref<14541x128xf32, #tpu.memory_space<hbm>>
      tpu.wait_indirect_dma semaphore(%arg36 : memref<!tpu.dma_semaphore, #tpu.memory_space<semaphore_mem>>) src(%dma_wait3A_385 : memref<14541x128xf32, #tpu.memory_space<hbm>>) dst(%arg28 : memref<32x128xf32, #tpu.memory_space<vmem>>)
      %dma_wait3A_386 = arith.constant 0 : i32
      %dma_wait3A_387 = tpu.memref_slice %arg10[%dma_wait3A_386] : memref<512xi32, #tpu.memory_space<vmem>> -> memref<32xi32, #tpu.memory_space<vmem>>
      %dma_wait3A_388 = arith.constant 0 : i32
      %dma_wait3A_389 = arith.constant 0 : i32
      %dma_wait3A_390 = tpu.memref_slice %arg7[%dma_wait3A_388, %dma_wait3A_389] : memref<14541x128xf32, #tpu.memory_space<hbm>> -> memref<14541x128xf32, #tpu.memory_space<hbm>>
      tpu.wait_indirect_dma semaphore(%arg36 : memref<!tpu.dma_semaphore, #tpu.memory_space<semaphore_mem>>) src(%dma_wait3A_390 : memref<14541x128xf32, #tpu.memory_space<hbm>>) dst(%arg29 : memref<32x128xf32, #tpu.memory_space<vmem>>)
      %dma_wait3A_391 = arith.constant 0 : i32
      %dma_wait3A_392 = tpu.memref_slice %arg10[%dma_wait3A_391] : memref<512xi32, #tpu.memory_space<vmem>> -> memref<32xi32, #tpu.memory_space<vmem>>
      %dma_wait3A_393 = arith.constant 0 : i32
      %dma_wait3A_394 = arith.constant 0 : i32
      %dma_wait3A_395 = tpu.memref_slice %arg7[%dma_wait3A_393, %dma_wait3A_394] : memref<14541x128xf32, #tpu.memory_space<hbm>> -> memref<14541x128xf32, #tpu.memory_space<hbm>>
      tpu.wait_indirect_dma semaphore(%arg36 : memref<!tpu.dma_semaphore, #tpu.memory_space<semaphore_mem>>) src(%dma_wait3A_395 : memref<14541x128xf32, #tpu.memory_space<hbm>>) dst(%arg30 : memref<32x128xf32, #tpu.memory_space<vmem>>)
      %parallel_loop3A_396 = arith.constant 0 : i32
      %parallel_loop3A_397 = arith.constant 32 : i32
      %parallel_loop3A_398 = arith.constant 1 : i32
      scf.for %parallel_loop3A_399 = %parallel_loop3A_396 to %parallel_loop3A_397 step %parallel_loop3A_398  : i32 {
        %parallel_loop3A_400 = arith.index_cast %parallel_loop3A_399 : i32 to index
        %parallel_loop3A_401 = arith.constant 0 : index
        %parallel_loop3A_402 = tpu.vector_load %arg27[%parallel_loop3A_400, %parallel_loop3A_401] {strides = array<i32>} : memref<32x128xf32, #tpu.memory_space<vmem>>, vector<16xf32>,
        %parallel_loop3A_403 = arith.index_cast %parallel_loop3A_399 : i32 to index
        %parallel_loop3A_404 = arith.constant 0 : index
        %parallel_loop3A_405 = tpu.vector_load %arg29[%parallel_loop3A_403, %parallel_loop3A_404] {strides = array<i32>} : memref<32x128xf32, #tpu.memory_space<vmem>>, vector<16xf32>,
        %parallel_loop3A_406 = arith.mulf %parallel_loop3A_402, %parallel_loop3A_405 : vector<16xf32>
        %parallel_loop3A_407 = arith.index_cast %parallel_loop3A_399 : i32 to index
        %parallel_loop3A_408 = arith.constant 0 : index
        %parallel_loop3A_409 = tpu.vector_load %arg28[%parallel_loop3A_407, %parallel_loop3A_408] {strides = array<i32>} : memref<32x128xf32, #tpu.memory_space<vmem>>, vector<16xf32>,
        %parallel_loop3A_410 = arith.index_cast %parallel_loop3A_399 : i32 to index
        %parallel_loop3A_411 = arith.constant 0 : index
        %parallel_loop3A_412 = tpu.vector_load %arg30[%parallel_loop3A_410, %parallel_loop3A_411] {strides = array<i32>} : memref<32x128xf32, #tpu.memory_space<vmem>>, vector<16xf32>,
        %parallel_loop3A_413 = arith.mulf %parallel_loop3A_409, %parallel_loop3A_412 : vector<16xf32>
        %parallel_loop3A_414 = arith.addf %parallel_loop3A_406, %parallel_loop3A_413 : vector<16xf32>
        %parallel_loop3A_415 = arith.mulf %get3A_11, %parallel_loop3A_414 : vector<16xf32>
        %parallel_loop3A_416 = arith.index_cast %parallel_loop3A_399 : i32 to index
        %parallel_loop3A_417 = arith.constant 0 : index
        %parallel_loop3A_418 = tpu.vector_load %arg27[%parallel_loop3A_416, %parallel_loop3A_417] {strides = array<i32>} : memref<32x128xf32, #tpu.memory_space<vmem>>, vector<16xf32>,
        %parallel_loop3A_419 = arith.index_cast %parallel_loop3A_399 : i32 to index
        %parallel_loop3A_420 = arith.constant 0 : index
        %parallel_loop3A_421 = tpu.vector_load %arg30[%parallel_loop3A_419, %parallel_loop3A_420] {strides = array<i32>} : memref<32x128xf32, #tpu.memory_space<vmem>>, vector<16xf32>,
        %parallel_loop3A_422 = arith.mulf %parallel_loop3A_418, %parallel_loop3A_421 : vector<16xf32>
        %parallel_loop3A_423 = arith.index_cast %parallel_loop3A_399 : i32 to index
        %parallel_loop3A_424 = arith.constant 0 : index
        %parallel_loop3A_425 = tpu.vector_load %arg28[%parallel_loop3A_423, %parallel_loop3A_424] {strides = array<i32>} : memref<32x128xf32, #tpu.memory_space<vmem>>, vector<16xf32>,
        %parallel_loop3A_426 = arith.index_cast %parallel_loop3A_399 : i32 to index
        %parallel_loop3A_427 = arith.constant 0 : index
        %parallel_loop3A_428 = tpu.vector_load %arg29[%parallel_loop3A_426, %parallel_loop3A_427] {strides = array<i32>} : memref<32x128xf32, #tpu.memory_space<vmem>>, vector<16xf32>,
        %parallel_loop3A_429 = arith.mulf %parallel_loop3A_425, %parallel_loop3A_428 : vector<16xf32>
        %parallel_loop3A_430 = arith.subf %parallel_loop3A_422, %parallel_loop3A_429 : vector<16xf32>
        %parallel_loop3A_431 = arith.mulf %get3A_27, %parallel_loop3A_430 : vector<16xf32>
        %parallel_loop3A_432 = arith.addf %parallel_loop3A_415, %parallel_loop3A_431 : vector<16xf32>
        %parallel_loop3A_433 = arith.index_cast %parallel_loop3A_399 : i32 to index
        %parallel_loop3A_434 = arith.constant 16 : index
        %parallel_loop3A_435 = tpu.vector_load %arg27[%parallel_loop3A_433, %parallel_loop3A_434] {strides = array<i32>} : memref<32x128xf32, #tpu.memory_space<vmem>>, vector<16xf32>,
        %parallel_loop3A_436 = arith.index_cast %parallel_loop3A_399 : i32 to index
        %parallel_loop3A_437 = arith.constant 16 : index
        %parallel_loop3A_438 = tpu.vector_load %arg28[%parallel_loop3A_436, %parallel_loop3A_437] {strides = array<i32>} : memref<32x128xf32, #tpu.memory_space<vmem>>, vector<16xf32>,
        %parallel_loop3A_439 = arith.index_cast %parallel_loop3A_399 : i32 to index
        %parallel_loop3A_440 = arith.constant 16 : index
        %parallel_loop3A_441 = tpu.vector_load %arg29[%parallel_loop3A_439, %parallel_loop3A_440] {strides = array<i32>} : memref<32x128xf32, #tpu.memory_space<vmem>>, vector<16xf32>,
        %parallel_loop3A_442 = arith.index_cast %parallel_loop3A_399 : i32 to index
        %parallel_loop3A_443 = arith.constant 16 : index
        %parallel_loop3A_444 = tpu.vector_load %arg30[%parallel_loop3A_442, %parallel_loop3A_443] {strides = array<i32>} : memref<32x128xf32, #tpu.memory_space<vmem>>, vector<16xf32>,
        %parallel_loop3A_445 = arith.mulf %parallel_loop3A_435, %parallel_loop3A_441 : vector<16xf32>
        %parallel_loop3A_446 = arith.mulf %parallel_loop3A_438, %parallel_loop3A_444 : vector<16xf32>
        %parallel_loop3A_447 = arith.addf %parallel_loop3A_445, %parallel_loop3A_446 : vector<16xf32>
        %parallel_loop3A_448 = arith.mulf %get3A_13, %parallel_loop3A_447 : vector<16xf32>
        %parallel_loop3A_449 = arith.mulf %parallel_loop3A_435, %parallel_loop3A_444 : vector<16xf32>
        %parallel_loop3A_450 = arith.mulf %parallel_loop3A_438, %parallel_loop3A_441 : vector<16xf32>
        %parallel_loop3A_451 = arith.subf %parallel_loop3A_449, %parallel_loop3A_450 : vector<16xf32>
        %parallel_loop3A_452 = arith.mulf %get3A_29, %parallel_loop3A_451 : vector<16xf32>
        %parallel_loop3A_453 = arith.addf %parallel_loop3A_448, %parallel_loop3A_452 : vector<16xf32>
        %parallel_loop3A_454 = arith.addf %parallel_loop3A_432, %parallel_loop3A_453 : vector<16xf32>
        %parallel_loop3A_455 = arith.index_cast %parallel_loop3A_399 : i32 to index
        %parallel_loop3A_456 = arith.constant 32 : index
        %parallel_loop3A_457 = tpu.vector_load %arg27[%parallel_loop3A_455, %parallel_loop3A_456] {strides = array<i32>} : memref<32x128xf32, #tpu.memory_space<vmem>>, vector<16xf32>,
        %parallel_loop3A_458 = arith.index_cast %parallel_loop3A_399 : i32 to index
        %parallel_loop3A_459 = arith.constant 32 : index
        %parallel_loop3A_460 = tpu.vector_load %arg28[%parallel_loop3A_458, %parallel_loop3A_459] {strides = array<i32>} : memref<32x128xf32, #tpu.memory_space<vmem>>, vector<16xf32>,
        %parallel_loop3A_461 = arith.index_cast %parallel_loop3A_399 : i32 to index
        %parallel_loop3A_462 = arith.constant 32 : index
        %parallel_loop3A_463 = tpu.vector_load %arg29[%parallel_loop3A_461, %parallel_loop3A_462] {strides = array<i32>} : memref<32x128xf32, #tpu.memory_space<vmem>>, vector<16xf32>,
        %parallel_loop3A_464 = arith.index_cast %parallel_loop3A_399 : i32 to index
        %parallel_loop3A_465 = arith.constant 32 : index
        %parallel_loop3A_466 = tpu.vector_load %arg30[%parallel_loop3A_464, %parallel_loop3A_465] {strides = array<i32>} : memref<32x128xf32, #tpu.memory_space<vmem>>, vector<16xf32>,
        %parallel_loop3A_467 = arith.mulf %parallel_loop3A_457, %parallel_loop3A_463 : vector<16xf32>
        %parallel_loop3A_468 = arith.mulf %parallel_loop3A_460, %parallel_loop3A_466 : vector<16xf32>
        %parallel_loop3A_469 = arith.addf %parallel_loop3A_467, %parallel_loop3A_468 : vector<16xf32>
        %parallel_loop3A_470 = arith.mulf %get3A_15, %parallel_loop3A_469 : vector<16xf32>
        %parallel_loop3A_471 = arith.mulf %parallel_loop3A_457, %parallel_loop3A_466 : vector<16xf32>
        %parallel_loop3A_472 = arith.mulf %parallel_loop3A_460, %parallel_loop3A_463 : vector<16xf32>
        %parallel_loop3A_473 = arith.subf %parallel_loop3A_471, %parallel_loop3A_472 : vector<16xf32>
        %parallel_loop3A_474 = arith.mulf %get3A_31, %parallel_loop3A_473 : vector<16xf32>
        %parallel_loop3A_475 = arith.addf %parallel_loop3A_470, %parallel_loop3A_474 : vector<16xf32>
        %parallel_loop3A_476 = arith.addf %parallel_loop3A_454, %parallel_loop3A_475 : vector<16xf32>
        %parallel_loop3A_477 = arith.index_cast %parallel_loop3A_399 : i32 to index
        %parallel_loop3A_478 = arith.constant 48 : index
        %parallel_loop3A_479 = tpu.vector_load %arg27[%parallel_loop3A_477, %parallel_loop3A_478] {strides = array<i32>} : memref<32x128xf32, #tpu.memory_space<vmem>>, vector<16xf32>,
        %parallel_loop3A_480 = arith.index_cast %parallel_loop3A_399 : i32 to index
        %parallel_loop3A_481 = arith.constant 48 : index
        %parallel_loop3A_482 = tpu.vector_load %arg28[%parallel_loop3A_480, %parallel_loop3A_481] {strides = array<i32>} : memref<32x128xf32, #tpu.memory_space<vmem>>, vector<16xf32>,
        %parallel_loop3A_483 = arith.index_cast %parallel_loop3A_399 : i32 to index
        %parallel_loop3A_484 = arith.constant 48 : index
        %parallel_loop3A_485 = tpu.vector_load %arg29[%parallel_loop3A_483, %parallel_loop3A_484] {strides = array<i32>} : memref<32x128xf32, #tpu.memory_space<vmem>>, vector<16xf32>,
        %parallel_loop3A_486 = arith.index_cast %parallel_loop3A_399 : i32 to index
        %parallel_loop3A_487 = arith.constant 48 : index
        %parallel_loop3A_488 = tpu.vector_load %arg30[%parallel_loop3A_486, %parallel_loop3A_487] {strides = array<i32>} : memref<32x128xf32, #tpu.memory_space<vmem>>, vector<16xf32>,
        %parallel_loop3A_489 = arith.mulf %parallel_loop3A_479, %parallel_loop3A_485 : vector<16xf32>
        %parallel_loop3A_490 = arith.mulf %parallel_loop3A_482, %parallel_loop3A_488 : vector<16xf32>
        %parallel_loop3A_491 = arith.addf %parallel_loop3A_489, %parallel_loop3A_490 : vector<16xf32>
        %parallel_loop3A_492 = arith.mulf %get3A_17, %parallel_loop3A_491 : vector<16xf32>
        %parallel_loop3A_493 = arith.mulf %parallel_loop3A_479, %parallel_loop3A_488 : vector<16xf32>
        %parallel_loop3A_494 = arith.mulf %parallel_loop3A_482, %parallel_loop3A_485 : vector<16xf32>
        %parallel_loop3A_495 = arith.subf %parallel_loop3A_493, %parallel_loop3A_494 : vector<16xf32>
        %parallel_loop3A_496 = arith.mulf %get3A_33, %parallel_loop3A_495 : vector<16xf32>
        %parallel_loop3A_497 = arith.addf %parallel_loop3A_492, %parallel_loop3A_496 : vector<16xf32>
        %parallel_loop3A_498 = arith.addf %parallel_loop3A_476, %parallel_loop3A_497 : vector<16xf32>
        %parallel_loop3A_499 = arith.index_cast %parallel_loop3A_399 : i32 to index
        %parallel_loop3A_500 = arith.constant 64 : index
        %parallel_loop3A_501 = tpu.vector_load %arg27[%parallel_loop3A_499, %parallel_loop3A_500] {strides = array<i32>} : memref<32x128xf32, #tpu.memory_space<vmem>>, vector<16xf32>,
        %parallel_loop3A_502 = arith.index_cast %parallel_loop3A_399 : i32 to index
        %parallel_loop3A_503 = arith.constant 64 : index
        %parallel_loop3A_504 = tpu.vector_load %arg28[%parallel_loop3A_502, %parallel_loop3A_503] {strides = array<i32>} : memref<32x128xf32, #tpu.memory_space<vmem>>, vector<16xf32>,
        %parallel_loop3A_505 = arith.index_cast %parallel_loop3A_399 : i32 to index
        %parallel_loop3A_506 = arith.constant 64 : index
        %parallel_loop3A_507 = tpu.vector_load %arg29[%parallel_loop3A_505, %parallel_loop3A_506] {strides = array<i32>} : memref<32x128xf32, #tpu.memory_space<vmem>>, vector<16xf32>,
        %parallel_loop3A_508 = arith.index_cast %parallel_loop3A_399 : i32 to index
        %parallel_loop3A_509 = arith.constant 64 : index
        %parallel_loop3A_510 = tpu.vector_load %arg30[%parallel_loop3A_508, %parallel_loop3A_509] {strides = array<i32>} : memref<32x128xf32, #tpu.memory_space<vmem>>, vector<16xf32>,
        %parallel_loop3A_511 = arith.mulf %parallel_loop3A_501, %parallel_loop3A_507 : vector<16xf32>
        %parallel_loop3A_512 = arith.mulf %parallel_loop3A_504, %parallel_loop3A_510 : vector<16xf32>
        %parallel_loop3A_513 = arith.addf %parallel_loop3A_511, %parallel_loop3A_512 : vector<16xf32>
        %parallel_loop3A_514 = arith.mulf %get3A_19, %parallel_loop3A_513 : vector<16xf32>
        %parallel_loop3A_515 = arith.mulf %parallel_loop3A_501, %parallel_loop3A_510 : vector<16xf32>
        %parallel_loop3A_516 = arith.mulf %parallel_loop3A_504, %parallel_loop3A_507 : vector<16xf32>
        %parallel_loop3A_517 = arith.subf %parallel_loop3A_515, %parallel_loop3A_516 : vector<16xf32>
        %parallel_loop3A_518 = arith.mulf %get3A_35, %parallel_loop3A_517 : vector<16xf32>
        %parallel_loop3A_519 = arith.addf %parallel_loop3A_514, %parallel_loop3A_518 : vector<16xf32>
        %parallel_loop3A_520 = arith.addf %parallel_loop3A_498, %parallel_loop3A_519 : vector<16xf32>
        %parallel_loop3A_521 = arith.index_cast %parallel_loop3A_399 : i32 to index
        %parallel_loop3A_522 = arith.constant 80 : index
        %parallel_loop3A_523 = tpu.vector_load %arg27[%parallel_loop3A_521, %parallel_loop3A_522] {strides = array<i32>} : memref<32x128xf32, #tpu.memory_space<vmem>>, vector<16xf32>,
        %parallel_loop3A_524 = arith.index_cast %parallel_loop3A_399 : i32 to index
        %parallel_loop3A_525 = arith.constant 80 : index
        %parallel_loop3A_526 = tpu.vector_load %arg28[%parallel_loop3A_524, %parallel_loop3A_525] {strides = array<i32>} : memref<32x128xf32, #tpu.memory_space<vmem>>, vector<16xf32>,
        %parallel_loop3A_527 = arith.index_cast %parallel_loop3A_399 : i32 to index
        %parallel_loop3A_528 = arith.constant 80 : index
        %parallel_loop3A_529 = tpu.vector_load %arg29[%parallel_loop3A_527, %parallel_loop3A_528] {strides = array<i32>} : memref<32x128xf32, #tpu.memory_space<vmem>>, vector<16xf32>,
        %parallel_loop3A_530 = arith.index_cast %parallel_loop3A_399 : i32 to index
        %parallel_loop3A_531 = arith.constant 80 : index
        %parallel_loop3A_532 = tpu.vector_load %arg30[%parallel_loop3A_530, %parallel_loop3A_531] {strides = array<i32>} : memref<32x128xf32, #tpu.memory_space<vmem>>, vector<16xf32>,
        %parallel_loop3A_533 = arith.mulf %parallel_loop3A_523, %parallel_loop3A_529 : vector<16xf32>
        %parallel_loop3A_534 = arith.mulf %parallel_loop3A_526, %parallel_loop3A_532 : vector<16xf32>
        %parallel_loop3A_535 = arith.addf %parallel_loop3A_533, %parallel_loop3A_534 : vector<16xf32>
        %parallel_loop3A_536 = arith.mulf %get3A_21, %parallel_loop3A_535 : vector<16xf32>
        %parallel_loop3A_537 = arith.mulf %parallel_loop3A_523, %parallel_loop3A_532 : vector<16xf32>
        %parallel_loop3A_538 = arith.mulf %parallel_loop3A_526, %parallel_loop3A_529 : vector<16xf32>
        %parallel_loop3A_539 = arith.subf %parallel_loop3A_537, %parallel_loop3A_538 : vector<16xf32>
        %parallel_loop3A_540 = arith.mulf %get3A_37, %parallel_loop3A_539 : vector<16xf32>
        %parallel_loop3A_541 = arith.addf %parallel_loop3A_536, %parallel_loop3A_540 : vector<16xf32>
        %parallel_loop3A_542 = arith.addf %parallel_loop3A_520, %parallel_loop3A_541 : vector<16xf32>
        %parallel_loop3A_543 = arith.index_cast %parallel_loop3A_399 : i32 to index
        %parallel_loop3A_544 = arith.constant 96 : index
        %parallel_loop3A_545 = tpu.vector_load %arg27[%parallel_loop3A_543, %parallel_loop3A_544] {strides = array<i32>} : memref<32x128xf32, #tpu.memory_space<vmem>>, vector<16xf32>,
        %parallel_loop3A_546 = arith.index_cast %parallel_loop3A_399 : i32 to index
        %parallel_loop3A_547 = arith.constant 96 : index
        %parallel_loop3A_548 = tpu.vector_load %arg28[%parallel_loop3A_546, %parallel_loop3A_547] {strides = array<i32>} : memref<32x128xf32, #tpu.memory_space<vmem>>, vector<16xf32>,
        %parallel_loop3A_549 = arith.index_cast %parallel_loop3A_399 : i32 to index
        %parallel_loop3A_550 = arith.constant 96 : index
        %parallel_loop3A_551 = tpu.vector_load %arg29[%parallel_loop3A_549, %parallel_loop3A_550] {strides = array<i32>} : memref<32x128xf32, #tpu.memory_space<vmem>>, vector<16xf32>,
        %parallel_loop3A_552 = arith.index_cast %parallel_loop3A_399 : i32 to index
        %parallel_loop3A_553 = arith.constant 96 : index
        %parallel_loop3A_554 = tpu.vector_load %arg30[%parallel_loop3A_552, %parallel_loop3A_553] {strides = array<i32>} : memref<32x128xf32, #tpu.memory_space<vmem>>, vector<16xf32>,
        %parallel_loop3A_555 = arith.mulf %parallel_loop3A_545, %parallel_loop3A_551 : vector<16xf32>
        %parallel_loop3A_556 = arith.mulf %parallel_loop3A_548, %parallel_loop3A_554 : vector<16xf32>
        %parallel_loop3A_557 = arith.addf %parallel_loop3A_555, %parallel_loop3A_556 : vector<16xf32>
        %parallel_loop3A_558 = arith.mulf %get3A_23, %parallel_loop3A_557 : vector<16xf32>
        %parallel_loop3A_559 = arith.mulf %parallel_loop3A_545, %parallel_loop3A_554 : vector<16xf32>
        %parallel_loop3A_560 = arith.mulf %parallel_loop3A_548, %parallel_loop3A_551 : vector<16xf32>
        %parallel_loop3A_561 = arith.subf %parallel_loop3A_559, %parallel_loop3A_560 : vector<16xf32>
        %parallel_loop3A_562 = arith.mulf %get3A_39, %parallel_loop3A_561 : vector<16xf32>
        %parallel_loop3A_563 = arith.addf %parallel_loop3A_558, %parallel_loop3A_562 : vector<16xf32>
        %parallel_loop3A_564 = arith.addf %parallel_loop3A_542, %parallel_loop3A_563 : vector<16xf32>
        %parallel_loop3A_565 = arith.index_cast %parallel_loop3A_399 : i32 to index
        %parallel_loop3A_566 = arith.constant 112 : index
        %parallel_loop3A_567 = tpu.vector_load %arg27[%parallel_loop3A_565, %parallel_loop3A_566] {strides = array<i32>} : memref<32x128xf32, #tpu.memory_space<vmem>>, vector<16xf32>,
        %parallel_loop3A_568 = arith.index_cast %parallel_loop3A_399 : i32 to index
        %parallel_loop3A_569 = arith.constant 112 : index
        %parallel_loop3A_570 = tpu.vector_load %arg28[%parallel_loop3A_568, %parallel_loop3A_569] {strides = array<i32>} : memref<32x128xf32, #tpu.memory_space<vmem>>, vector<16xf32>,
        %parallel_loop3A_571 = arith.index_cast %parallel_loop3A_399 : i32 to index
        %parallel_loop3A_572 = arith.constant 112 : index
        %parallel_loop3A_573 = tpu.vector_load %arg29[%parallel_loop3A_571, %parallel_loop3A_572] {strides = array<i32>} : memref<32x128xf32, #tpu.memory_space<vmem>>, vector<16xf32>,
        %parallel_loop3A_574 = arith.index_cast %parallel_loop3A_399 : i32 to index
        %parallel_loop3A_575 = arith.constant 112 : index
        %parallel_loop3A_576 = tpu.vector_load %arg30[%parallel_loop3A_574, %parallel_loop3A_575] {strides = array<i32>} : memref<32x128xf32, #tpu.memory_space<vmem>>, vector<16xf32>,
        %parallel_loop3A_577 = arith.mulf %parallel_loop3A_567, %parallel_loop3A_573 : vector<16xf32>
        %parallel_loop3A_578 = arith.mulf %parallel_loop3A_570, %parallel_loop3A_576 : vector<16xf32>
        %parallel_loop3A_579 = arith.addf %parallel_loop3A_577, %parallel_loop3A_578 : vector<16xf32>
        %parallel_loop3A_580 = arith.mulf %get3A_25, %parallel_loop3A_579 : vector<16xf32>
        %parallel_loop3A_581 = arith.mulf %parallel_loop3A_567, %parallel_loop3A_576 : vector<16xf32>
        %parallel_loop3A_582 = arith.mulf %parallel_loop3A_570, %parallel_loop3A_573 : vector<16xf32>
        %parallel_loop3A_583 = arith.subf %parallel_loop3A_581, %parallel_loop3A_582 : vector<16xf32>
        %parallel_loop3A_584 = arith.mulf %get3A_41, %parallel_loop3A_583 : vector<16xf32>
        %parallel_loop3A_585 = arith.addf %parallel_loop3A_580, %parallel_loop3A_584 : vector<16xf32>
        %parallel_loop3A_586 = arith.addf %parallel_loop3A_564, %parallel_loop3A_585 : vector<16xf32>
        %parallel_loop3A_587 = arith.constant 32 : i32
        %parallel_loop3A_588 = arith.muli %add3A_368, %parallel_loop3A_587 : i32
        %parallel_loop3A_589 = arith.addi %parallel_loop3A_588, %parallel_loop3A_399 : i32
        %parallel_loop3A_590 = arith.constant 16 : i32
        %parallel_loop3A_591 = arith.muli %parallel_loop3A_589, %parallel_loop3A_590 : i32
        %parallel_loop3A_592 = arith.index_cast %parallel_loop3A_591 : i32 to index
        %parallel_loop3A_593 = tpu.vector_load %arg31[%parallel_loop3A_592] {strides = array<i32>} : memref<8192xf32, #tpu.memory_space<vmem>>, vector<16xf32>,
        tpu.vector_store %arg31[%parallel_loop3A_592], %parallel_loop3A_586 {strides = array<i32>} : memref<8192xf32, #tpu.memory_space<vmem>>, vector<16xf32>,
      } {sc.loop_unroll_factor = 2 : i64, sc.parallel_access}
    }
    %scan3A_106 = arith.constant 4 : i32
    %iota3A = tpu.iota {dimensions = array<i32: 0>} : vector<16xi32>
    %mul3A_107 = arith.constant 16 : i32
    %mul3A_108 = vector.broadcast %mul3A_107 : i32 to vector<16xi32>
    %mul3A_109 = arith.muli %iota3A, %mul3A_108 : vector<16xi32>
    %add3A_110 = arith.constant 0 : i32
    %add3A_111 = vector.broadcast %add3A_110 : i32 to vector<16xi32>
    %add3A_112 = arith.addi %iota3A, %add3A_111 : vector<16xi32>
    %and3A = arith.constant 15 : i32
    %and3A_113 = vector.broadcast %and3A : i32 to vector<16xi32>
    %and3A_114 = arith.andi %add3A_112, %and3A_113 : vector<16xi32>
    %add3A_115 = arith.addi %mul3A_109, %and3A_114 : vector<16xi32>
    %mul3A_116 = arith.constant 16 : i32
    %mul3A_117 = vector.broadcast %mul3A_116 : i32 to vector<16xi32>
    %mul3A_118 = arith.muli %iota3A, %mul3A_117 : vector<16xi32>
    %add3A_119 = arith.constant 1 : i32
    %add3A_120 = vector.broadcast %add3A_119 : i32 to vector<16xi32>
    %add3A_121 = arith.addi %iota3A, %add3A_120 : vector<16xi32>
    %and3A_122 = arith.constant 15 : i32
    %and3A_123 = vector.broadcast %and3A_122 : i32 to vector<16xi32>
    %and3A_124 = arith.andi %add3A_121, %and3A_123 : vector<16xi32>
    %add3A_125 = arith.addi %mul3A_118, %and3A_124 : vector<16xi32>
    %mul3A_126 = arith.constant 16 : i32
    %mul3A_127 = vector.broadcast %mul3A_126 : i32 to vector<16xi32>
    %mul3A_128 = arith.muli %iota3A, %mul3A_127 : vector<16xi32>
    %add3A_129 = arith.constant 2 : i32
    %add3A_130 = vector.broadcast %add3A_129 : i32 to vector<16xi32>
    %add3A_131 = arith.addi %iota3A, %add3A_130 : vector<16xi32>
    %and3A_132 = arith.constant 15 : i32
    %and3A_133 = vector.broadcast %and3A_132 : i32 to vector<16xi32>
    %and3A_134 = arith.andi %add3A_131, %and3A_133 : vector<16xi32>
    %add3A_135 = arith.addi %mul3A_128, %and3A_134 : vector<16xi32>
    %mul3A_136 = arith.constant 16 : i32
    %mul3A_137 = vector.broadcast %mul3A_136 : i32 to vector<16xi32>
    %mul3A_138 = arith.muli %iota3A, %mul3A_137 : vector<16xi32>
    %add3A_139 = arith.constant 3 : i32
    %add3A_140 = vector.broadcast %add3A_139 : i32 to vector<16xi32>
    %add3A_141 = arith.addi %iota3A, %add3A_140 : vector<16xi32>
    %and3A_142 = arith.constant 15 : i32
    %and3A_143 = vector.broadcast %and3A_142 : i32 to vector<16xi32>
    %and3A_144 = arith.andi %add3A_141, %and3A_143 : vector<16xi32>
    %add3A_145 = arith.addi %mul3A_138, %and3A_144 : vector<16xi32>
    %mul3A_146 = arith.constant 16 : i32
    %mul3A_147 = vector.broadcast %mul3A_146 : i32 to vector<16xi32>
    %mul3A_148 = arith.muli %iota3A, %mul3A_147 : vector<16xi32>
    %add3A_149 = arith.constant 4 : i32
    %add3A_150 = vector.broadcast %add3A_149 : i32 to vector<16xi32>
    %add3A_151 = arith.addi %iota3A, %add3A_150 : vector<16xi32>
    %and3A_152 = arith.constant 15 : i32
    %and3A_153 = vector.broadcast %and3A_152 : i32 to vector<16xi32>
    %and3A_154 = arith.andi %add3A_151, %and3A_153 : vector<16xi32>
    %add3A_155 = arith.addi %mul3A_148, %and3A_154 : vector<16xi32>
    %mul3A_156 = arith.constant 16 : i32
    %mul3A_157 = vector.broadcast %mul3A_156 : i32 to vector<16xi32>
    %mul3A_158 = arith.muli %iota3A, %mul3A_157 : vector<16xi32>
    %add3A_159 = arith.constant 5 : i32
    %add3A_160 = vector.broadcast %add3A_159 : i32 to vector<16xi32>
    %add3A_161 = arith.addi %iota3A, %add3A_160 : vector<16xi32>
    %and3A_162 = arith.constant 15 : i32
    %and3A_163 = vector.broadcast %and3A_162 : i32 to vector<16xi32>
    %and3A_164 = arith.andi %add3A_161, %and3A_163 : vector<16xi32>
    %add3A_165 = arith.addi %mul3A_158, %and3A_164 : vector<16xi32>
    %mul3A_166 = arith.constant 16 : i32
    %mul3A_167 = vector.broadcast %mul3A_166 : i32 to vector<16xi32>
    %mul3A_168 = arith.muli %iota3A, %mul3A_167 : vector<16xi32>
    %add3A_169 = arith.constant 6 : i32
    %add3A_170 = vector.broadcast %add3A_169 : i32 to vector<16xi32>
    %add3A_171 = arith.addi %iota3A, %add3A_170 : vector<16xi32>
    %and3A_172 = arith.constant 15 : i32
    %and3A_173 = vector.broadcast %and3A_172 : i32 to vector<16xi32>
    %and3A_174 = arith.andi %add3A_171, %and3A_173 : vector<16xi32>
    %add3A_175 = arith.addi %mul3A_168, %and3A_174 : vector<16xi32>
    %mul3A_176 = arith.constant 16 : i32
    %mul3A_177 = vector.broadcast %mul3A_176 : i32 to vector<16xi32>
    %mul3A_178 = arith.muli %iota3A, %mul3A_177 : vector<16xi32>
    %add3A_179 = arith.constant 7 : i32
    %add3A_180 = vector.broadcast %add3A_179 : i32 to vector<16xi32>
    %add3A_181 = arith.addi %iota3A, %add3A_180 : vector<16xi32>
    %and3A_182 = arith.constant 15 : i32
    %and3A_183 = vector.broadcast %and3A_182 : i32 to vector<16xi32>
    %and3A_184 = arith.andi %add3A_181, %and3A_183 : vector<16xi32>
    %add3A_185 = arith.addi %mul3A_178, %and3A_184 : vector<16xi32>
    %mul3A_186 = arith.constant 16 : i32
    %mul3A_187 = vector.broadcast %mul3A_186 : i32 to vector<16xi32>
    %mul3A_188 = arith.muli %iota3A, %mul3A_187 : vector<16xi32>
    %add3A_189 = arith.constant 8 : i32
    %add3A_190 = vector.broadcast %add3A_189 : i32 to vector<16xi32>
    %add3A_191 = arith.addi %iota3A, %add3A_190 : vector<16xi32>
    %and3A_192 = arith.constant 15 : i32
    %and3A_193 = vector.broadcast %and3A_192 : i32 to vector<16xi32>
    %and3A_194 = arith.andi %add3A_191, %and3A_193 : vector<16xi32>
    %add3A_195 = arith.addi %mul3A_188, %and3A_194 : vector<16xi32>
    %mul3A_196 = arith.constant 16 : i32
    %mul3A_197 = vector.broadcast %mul3A_196 : i32 to vector<16xi32>
    %mul3A_198 = arith.muli %iota3A, %mul3A_197 : vector<16xi32>
    %add3A_199 = arith.constant 9 : i32
    %add3A_200 = vector.broadcast %add3A_199 : i32 to vector<16xi32>
    %add3A_201 = arith.addi %iota3A, %add3A_200 : vector<16xi32>
    %and3A_202 = arith.constant 15 : i32
    %and3A_203 = vector.broadcast %and3A_202 : i32 to vector<16xi32>
    %and3A_204 = arith.andi %add3A_201, %and3A_203 : vector<16xi32>
    %add3A_205 = arith.addi %mul3A_198, %and3A_204 : vector<16xi32>
    %mul3A_206 = arith.constant 16 : i32
    %mul3A_207 = vector.broadcast %mul3A_206 : i32 to vector<16xi32>
    %mul3A_208 = arith.muli %iota3A, %mul3A_207 : vector<16xi32>
    %add3A_209 = arith.constant 10 : i32
    %add3A_210 = vector.broadcast %add3A_209 : i32 to vector<16xi32>
    %add3A_211 = arith.addi %iota3A, %add3A_210 : vector<16xi32>
    %and3A_212 = arith.constant 15 : i32
    %and3A_213 = vector.broadcast %and3A_212 : i32 to vector<16xi32>
    %and3A_214 = arith.andi %add3A_211, %and3A_213 : vector<16xi32>
    %add3A_215 = arith.addi %mul3A_208, %and3A_214 : vector<16xi32>
    %mul3A_216 = arith.constant 16 : i32
    %mul3A_217 = vector.broadcast %mul3A_216 : i32 to vector<16xi32>
    %mul3A_218 = arith.muli %iota3A, %mul3A_217 : vector<16xi32>
    %add3A_219 = arith.constant 11 : i32
    %add3A_220 = vector.broadcast %add3A_219 : i32 to vector<16xi32>
    %add3A_221 = arith.addi %iota3A, %add3A_220 : vector<16xi32>
    %and3A_222 = arith.constant 15 : i32
    %and3A_223 = vector.broadcast %and3A_222 : i32 to vector<16xi32>
    %and3A_224 = arith.andi %add3A_221, %and3A_223 : vector<16xi32>
    %add3A_225 = arith.addi %mul3A_218, %and3A_224 : vector<16xi32>
    %mul3A_226 = arith.constant 16 : i32
    %mul3A_227 = vector.broadcast %mul3A_226 : i32 to vector<16xi32>
    %mul3A_228 = arith.muli %iota3A, %mul3A_227 : vector<16xi32>
    %add3A_229 = arith.constant 12 : i32
    %add3A_230 = vector.broadcast %add3A_229 : i32 to vector<16xi32>
    %add3A_231 = arith.addi %iota3A, %add3A_230 : vector<16xi32>
    %and3A_232 = arith.constant 15 : i32
    %and3A_233 = vector.broadcast %and3A_232 : i32 to vector<16xi32>
    %and3A_234 = arith.andi %add3A_231, %and3A_233 : vector<16xi32>
    %add3A_235 = arith.addi %mul3A_228, %and3A_234 : vector<16xi32>
    %mul3A_236 = arith.constant 16 : i32
    %mul3A_237 = vector.broadcast %mul3A_236 : i32 to vector<16xi32>
    %mul3A_238 = arith.muli %iota3A, %mul3A_237 : vector<16xi32>
    %add3A_239 = arith.constant 13 : i32
    %add3A_240 = vector.broadcast %add3A_239 : i32 to vector<16xi32>
    %add3A_241 = arith.addi %iota3A, %add3A_240 : vector<16xi32>
    %and3A_242 = arith.constant 15 : i32
    %and3A_243 = vector.broadcast %and3A_242 : i32 to vector<16xi32>
    %and3A_244 = arith.andi %add3A_241, %and3A_243 : vector<16xi32>
    %add3A_245 = arith.addi %mul3A_238, %and3A_244 : vector<16xi32>
    %mul3A_246 = arith.constant 16 : i32
    %mul3A_247 = vector.broadcast %mul3A_246 : i32 to vector<16xi32>
    %mul3A_248 = arith.muli %iota3A, %mul3A_247 : vector<16xi32>
    %add3A_249 = arith.constant 14 : i32
    %add3A_250 = vector.broadcast %add3A_249 : i32 to vector<16xi32>
    %add3A_251 = arith.addi %iota3A, %add3A_250 : vector<16xi32>
    %and3A_252 = arith.constant 15 : i32
    %and3A_253 = vector.broadcast %and3A_252 : i32 to vector<16xi32>
    %and3A_254 = arith.andi %add3A_251, %and3A_253 : vector<16xi32>
    %add3A_255 = arith.addi %mul3A_248, %and3A_254 : vector<16xi32>
    %mul3A_256 = arith.constant 16 : i32
    %mul3A_257 = vector.broadcast %mul3A_256 : i32 to vector<16xi32>
    %mul3A_258 = arith.muli %iota3A, %mul3A_257 : vector<16xi32>
    %add3A_259 = arith.constant 15 : i32
    %add3A_260 = vector.broadcast %add3A_259 : i32 to vector<16xi32>
    %add3A_261 = arith.addi %iota3A, %add3A_260 : vector<16xi32>
    %and3A_262 = arith.constant 15 : i32
    %and3A_263 = vector.broadcast %and3A_262 : i32 to vector<16xi32>
    %and3A_264 = arith.andi %add3A_261, %and3A_263 : vector<16xi32>
    %add3A_265 = arith.addi %mul3A_258, %and3A_264 : vector<16xi32>
    %scan3A_266 = arith.constant 0 : i32
    %scan3A_267 = arith.constant 0 : i32
    %scan3A_268 = arith.constant 32 : i32
    %scan3A_269 = arith.addi %scan3A_267, %scan3A_268 : i32
    %scan3A_270 = arith.constant 1 : i32
    scf.for %scan3A_272 = %scan3A_267 to %scan3A_269 step %scan3A_270  : i32 {
      %mul3A_273 = arith.constant 256 : i32
      %mul3A_274 = arith.muli %scan3A_272, %mul3A_273 : i32
      %add3A_275 = vector.broadcast %mul3A_274 : i32 to vector<16xi32>
      %add3A_276 = arith.addi %add3A_275, %add3A_115 : vector<16xi32>
      %gather3A = tpu.vector_load_idx %arg31[%add3A_276] : memref<8192xf32, #tpu.memory_space<vmem>>[vector<16xi32>], vector<16xf32>,
      %add3A_277 = vector.broadcast %mul3A_274 : i32 to vector<16xi32>
      %add3A_278 = arith.addi %add3A_277, %add3A_125 : vector<16xi32>
      %gather3A_279 = tpu.vector_load_idx %arg31[%add3A_278] : memref<8192xf32, #tpu.memory_space<vmem>>[vector<16xi32>], vector<16xf32>,
      %add3A_280 = arith.addf %gather3A, %gather3A_279 : vector<16xf32>
      %add3A_281 = vector.broadcast %mul3A_274 : i32 to vector<16xi32>
      %add3A_282 = arith.addi %add3A_281, %add3A_135 : vector<16xi32>
      %gather3A_283 = tpu.vector_load_idx %arg31[%add3A_282] : memref<8192xf32, #tpu.memory_space<vmem>>[vector<16xi32>], vector<16xf32>,
      %add3A_284 = arith.addf %add3A_280, %gather3A_283 : vector<16xf32>
      %add3A_285 = vector.broadcast %mul3A_274 : i32 to vector<16xi32>
      %add3A_286 = arith.addi %add3A_285, %add3A_145 : vector<16xi32>
      %gather3A_287 = tpu.vector_load_idx %arg31[%add3A_286] : memref<8192xf32, #tpu.memory_space<vmem>>[vector<16xi32>], vector<16xf32>,
      %add3A_288 = arith.addf %add3A_284, %gather3A_287 : vector<16xf32>
      %add3A_289 = vector.broadcast %mul3A_274 : i32 to vector<16xi32>
      %add3A_290 = arith.addi %add3A_289, %add3A_155 : vector<16xi32>
      %gather3A_291 = tpu.vector_load_idx %arg31[%add3A_290] : memref<8192xf32, #tpu.memory_space<vmem>>[vector<16xi32>], vector<16xf32>,
      %add3A_292 = arith.addf %add3A_288, %gather3A_291 : vector<16xf32>
      %add3A_293 = vector.broadcast %mul3A_274 : i32 to vector<16xi32>
      %add3A_294 = arith.addi %add3A_293, %add3A_165 : vector<16xi32>
      %gather3A_295 = tpu.vector_load_idx %arg31[%add3A_294] : memref<8192xf32, #tpu.memory_space<vmem>>[vector<16xi32>], vector<16xf32>,
      %add3A_296 = arith.addf %add3A_292, %gather3A_295 : vector<16xf32>
      %add3A_297 = vector.broadcast %mul3A_274 : i32 to vector<16xi32>
      %add3A_298 = arith.addi %add3A_297, %add3A_175 : vector<16xi32>
      %gather3A_299 = tpu.vector_load_idx %arg31[%add3A_298] : memref<8192xf32, #tpu.memory_space<vmem>>[vector<16xi32>], vector<16xf32>,
      %add3A_300 = arith.addf %add3A_296, %gather3A_299 : vector<16xf32>
      %add3A_301 = vector.broadcast %mul3A_274 : i32 to vector<16xi32>
      %add3A_302 = arith.addi %add3A_301, %add3A_185 : vector<16xi32>
      %gather3A_303 = tpu.vector_load_idx %arg31[%add3A_302] : memref<8192xf32, #tpu.memory_space<vmem>>[vector<16xi32>], vector<16xf32>,
      %add3A_304 = arith.addf %add3A_300, %gather3A_303 : vector<16xf32>
      %add3A_305 = vector.broadcast %mul3A_274 : i32 to vector<16xi32>
      %add3A_306 = arith.addi %add3A_305, %add3A_195 : vector<16xi32>
      %gather3A_307 = tpu.vector_load_idx %arg31[%add3A_306] : memref<8192xf32, #tpu.memory_space<vmem>>[vector<16xi32>], vector<16xf32>,
      %add3A_308 = arith.addf %add3A_304, %gather3A_307 : vector<16xf32>
      %add3A_309 = vector.broadcast %mul3A_274 : i32 to vector<16xi32>
      %add3A_310 = arith.addi %add3A_309, %add3A_205 : vector<16xi32>
      %gather3A_311 = tpu.vector_load_idx %arg31[%add3A_310] : memref<8192xf32, #tpu.memory_space<vmem>>[vector<16xi32>], vector<16xf32>,
      %add3A_312 = arith.addf %add3A_308, %gather3A_311 : vector<16xf32>
      %add3A_313 = vector.broadcast %mul3A_274 : i32 to vector<16xi32>
      %add3A_314 = arith.addi %add3A_313, %add3A_215 : vector<16xi32>
      %gather3A_315 = tpu.vector_load_idx %arg31[%add3A_314] : memref<8192xf32, #tpu.memory_space<vmem>>[vector<16xi32>], vector<16xf32>,
      %add3A_316 = arith.addf %add3A_312, %gather3A_315 : vector<16xf32>
      %add3A_317 = vector.broadcast %mul3A_274 : i32 to vector<16xi32>
      %add3A_318 = arith.addi %add3A_317, %add3A_225 : vector<16xi32>
      %gather3A_319 = tpu.vector_load_idx %arg31[%add3A_318] : memref<8192xf32, #tpu.memory_space<vmem>>[vector<16xi32>], vector<16xf32>,
      %add3A_320 = arith.addf %add3A_316, %gather3A_319 : vector<16xf32>
      %add3A_321 = vector.broadcast %mul3A_274 : i32 to vector<16xi32>
      %add3A_322 = arith.addi %add3A_321, %add3A_235 : vector<16xi32>
      %gather3A_323 = tpu.vector_load_idx %arg31[%add3A_322] : memref<8192xf32, #tpu.memory_space<vmem>>[vector<16xi32>], vector<16xf32>,
      %add3A_324 = arith.addf %add3A_320, %gather3A_323 : vector<16xf32>
      %add3A_325 = vector.broadcast %mul3A_274 : i32 to vector<16xi32>
      %add3A_326 = arith.addi %add3A_325, %add3A_245 : vector<16xi32>
      %gather3A_327 = tpu.vector_load_idx %arg31[%add3A_326] : memref<8192xf32, #tpu.memory_space<vmem>>[vector<16xi32>], vector<16xf32>,
      %add3A_328 = arith.addf %add3A_324, %gather3A_327 : vector<16xf32>
      %add3A_329 = vector.broadcast %mul3A_274 : i32 to vector<16xi32>
      %add3A_330 = arith.addi %add3A_329, %add3A_255 : vector<16xi32>
      %gather3A_331 = tpu.vector_load_idx %arg31[%add3A_330] : memref<8192xf32, #tpu.memory_space<vmem>>[vector<16xi32>], vector<16xf32>,
      %add3A_332 = arith.addf %add3A_328, %gather3A_331 : vector<16xf32>
      %add3A_333 = vector.broadcast %mul3A_274 : i32 to vector<16xi32>
      %add3A_334 = arith.addi %add3A_333, %add3A_265 : vector<16xi32>
      %gather3A_335 = tpu.vector_load_idx %arg31[%add3A_334] : memref<8192xf32, #tpu.memory_space<vmem>>[vector<16xi32>], vector<16xf32>,
      %add3A_336 = arith.addf %add3A_332, %gather3A_335 : vector<16xf32>
      %mul3A_337 = arith.constant 16 : i32
      %mul3A_338 = arith.muli %scan3A_272, %mul3A_337 : i32
      %swap3A = arith.index_cast %mul3A_338 : i32 to index
      %swap3A_339 = tpu.vector_load %arg32[%swap3A] {strides = array<i32>} : memref<512xf32, #tpu.memory_space<vmem>>, vector<16xf32>,
      tpu.vector_store %arg32[%swap3A], %add3A_336 {strides = array<i32>} : memref<512xf32, #tpu.memory_space<vmem>>, vector<16xf32>,
    }
    %scan3A_271 = arith.constant 32 : i32
    "tpu.region"() ({
      %run_scoped3A = tpu.sem_alloc : memref<!tpu.dma_semaphore, #tpu.memory_space<semaphore_mem>>
      %dma_start3A_272 = tpu.memref_slice %arg9[%mul3A_2] : memref<16384xf32, #tpu.memory_space<hbm>> -> memref<512xf32, #tpu.memory_space<hbm>>
      %dma_start3A_273 = tpu.memref_slice %arg9[%mul3A_2] : memref<16384xf32, #tpu.memory_space<hbm>> -> memref<512xf32, #tpu.memory_space<hbm>>
      tpu.enqueue_dma source(%arg32 : memref<512xf32, #tpu.memory_space<vmem>>) target(%dma_start3A_273 : memref<512xf32, #tpu.memory_space<hbm>>) target_semaphore(%run_scoped3A : memref<!tpu.dma_semaphore, #tpu.memory_space<semaphore_mem>>)
      %dma_wait3A_274 = tpu.memref_slice %arg9[%mul3A_2] : memref<16384xf32, #tpu.memory_space<hbm>> -> memref<512xf32, #tpu.memory_space<hbm>>
      %dma_wait3A_275 = tpu.memref_slice %arg9[%mul3A_2] : memref<16384xf32, #tpu.memory_space<hbm>> -> memref<512xf32, #tpu.memory_space<hbm>>
      tpu.wait_dma2 semaphore(%run_scoped3A : memref<!tpu.dma_semaphore, #tpu.memory_space<semaphore_mem>>) src(%arg32 : memref<512xf32, #tpu.memory_space<vmem>>) dst(%dma_wait3A_275 : memref<512xf32, #tpu.memory_space<hbm>>)
      tpu.yield
    }) : () -> ()
    return
  }
}

</mosaic_0001>

<sc_bundles>
// kernel: _complex_score.3.cloned.1.call-start
scs
__scs_entry_jumppad:
0x0: {  	(pc) =	sbr.rel $0x88, $3  }
0x1: {  	(tag) =	ssettag $0x0;
	lr =	simm.s32 $0x1  }
0x2: {  	[smem:$0x3F9A] =	sst lr;
	_ =	strace $0xD0000000  }
0x3: {  	_ = 	snop  }
0x4: {  	_ = 	snop  }
0x5: {  	_ = 	snop  }
0x6: {  	_ = 	snop  }
0x7: {  	_ = 	snop  }
__scs_overlays_trampoline_lowered:
0x8: {  	[smem:$0x3FA9] =	sst s0  }
0x9: {  	[smem:$0x3FAA] =	sst s1  }
0xa: {  	[smem:$0x3FAB] =	sst s2  }
0xb: {  	[smem:$0x3FAC] =	sst s3  }
0xc: {  	[smem:$0x3FAD] =	sst s4  }
0xd: {  	[smem:$0x3FAE] =	sst s5  }
0xe: {  	[smem:$0x3FAF] =	sst s6  }
0xf: {  	[smem:$0x3FB0] =	sst s7  }
0x10: {  	[smem:$0x3FB1] =	sst s8  }
0x11: {  	[smem:$0x3FB2] =	sst s9;
	s0 =	simm.s32 @!p0 $0x0  }
0x12: {  	s1 =	sld [smem:$0x3F98];
	s0 =	simm.s32 @p0 $0x1  }
0x13: {  	[smem:$0x3FB3] =	sst s0;
	s0 =	simm.s32 @!p1 $0x0  }
0x14: {  	s2 =	sld [smem:$0x3F97];
	s0 =	simm.s32 @p1 $0x1  }
0x15: {  	[smem:$0x3FB4] =	sst s0;
	s0 =	simm.s32 @!p2 $0x0  }
0x16: {  	s3 =	sld [smem:$0x3FDB];
	s0 =	simm.s32 @p2 $0x1  }
0x17: {  	s4 =	simm.s32 $0x1BF5;
	[smem:$0x3FB6] =	sst s0  }
0x18: {  	s0 =	sld [smem:$0x3F99];
	_ =	swait.ge [sflag:s4], $0x0  }
0x19: {  	s7 =	sld [smem:$0x3F9A]  }
0x1a: {  	s8 =	sadd.s32 $0xFFFFE003, lr  }
0x1b: {  	s9 =	sadd.s32 $0xFFFFFEF7, lr;
	s5 =	simm.s32 $0xFFFFFFFF;
	p2 =	slt.u32 s8, $0xFFFFF086  }
0x1c: {  	p1 =	slt.u32 s9, $0xF7A;
	s5 =	simm.s32 @!p2 $0x0  }
0x1d: {  	s5 =	simm.s32 @p1 $0x1;
	p0 =	seq.s32 s7, s2  }
0x1e: {  	s7 =	smul.u32 @!p0 $0xF7A, s2;
	p2 =	seq.s32 @!p0 s5, $0x0  }
0x1f: {  	s9 =	smul.u32 $0xF7A, s1;
	s8 =	simm.s32 @!p0 $0x1BF5;
	p2 =	por !p2, p0  }
0x20: {  	[sflag:s8] =	ssyncset.s32 @!p0 $0xFFFFF086;
	s6 =	sadd.s32 @!p0 s3, s7;
	s7 =	simm.s32 @!p0 $0x108  }
0x21: {  	s3 =	sadd.s32 s3, s9;
	s6 =	sadd.s32 @!p0 $0x88, s6;
	s7 =	simm.s32 @p2 $0x1082  }
0x22: {  	[simem:s7], [sflag:s8] =	dma.local @!p0 [hbm:s6], $0xF7A  }
0x23: {  	s9 =	sor.u32 $0xD0000000, s2;
	s6 =	simm.s32 $0x108;
	_ =	swait.ge @!p0 [sflag:s8], $0x0  }
0x24: {  	s3 =	sadd.s32 $0x88, s3;
	s6 =	simm.s32 @!p1 $0x1082;
	[sflag:s4] =	ssyncset.s32 $0xFFFFF086  }
0x25: {  	[simem:s6], [sflag:s4] =	dma.local [hbm:s3], $0xF7A  }
0x26: {  	[smem:$0x3F9A] =	sst s1;
	(tag) =	ssettag s2;
	_ =	strace s9  }
0x27: {  	s1 =	sld [smem:$0x3FAA]  }
0x28: {  	s2 =	sld [smem:$0x3FAB]  }
0x29: {  	s4 =	sld [smem:$0x3FAD]  }
0x2a: {  	p0 =	seq.s32 s5, $0x0;
	s5 =	sld [smem:$0x3FAE]  }
0x2b: {  	s6 =	sld [smem:$0x3FAF]  }
0x2c: {  	s7 =	sld [smem:$0x3FB0]  }
0x2d: {  	s3 =	simm.s32 $0x108;
	s8 =	sld [smem:$0x3FB1]  }
0x2e: {  	s3 =	simm.s32 @!p0 $0x1082;
	s9 =	sld [smem:$0x3FB2]  }
0x2f: {  	lr =	sadd.s32 s0, s3;
	s0 =	sld [smem:$0x3FA9]  }
0x30: {  	s3 =	sld [smem:$0x3FAC]  }
0x31: {  	[smem:$0x3FB5] =	sst s10  }
0x32: {  	s10 =	sld [smem:$0x3FB3];
	_ =	sdelay $0x3  }
0x33: {  	p0 =	seq.s32 s10, $0x1;
	s10 =	sld [smem:$0x3FB5];
	_ =	sdelay $0x3  }
0x34: {  	[smem:$0x3FB5] =	sst s10  }
0x35: {  	s10 =	sld [smem:$0x3FB4];
	_ =	sdelay $0x3  }
0x36: {  	p1 =	seq.s32 s10, $0x1;
	s10 =	sld [smem:$0x3FB5];
	_ =	sdelay $0x3  }
0x37: {  	[smem:$0x3FB5] =	sst s10  }
0x38: {  	s10 =	sld [smem:$0x3FB6]  }
0x39: {  	_ = 	snop;
	(pc) =	sbr.ind lr, $3  }
0x3a: {  	_ = 	snop  }
0x3b: {  	_ = 	snop  }
0x3c: {  	p2 =	seq.s32 s10, $0x1;
	s10 =	sld [smem:$0x3FB5]  }
0x3d: {  	_ =	shalt  }
0x3e: {  	_ =	shalt  }
0x3f: {  	_ =	shalt  }
0x40: {  	_ =	shalt  }
0x41: {  	_ =	shalt  }
0x42: {  	_ =	shalt  }
0x43: {  	_ =	shalt  }
0x44: {  	_ =	shalt  }
0x45: {  	_ =	shalt  }
0x46: {  	_ =	shalt  }
0x47: {  	_ =	shalt  }
0x48: {  	_ =	shalt  }
0x49: {  	_ =	shalt  }
0x4a: {  	_ =	shalt  }
0x4b: {  	_ =	shalt  }
0x4c: {  	_ =	shalt  }
0x4d: {  	_ =	shalt  }
0x4e: {  	_ =	shalt  }
0x4f: {  	_ =	shalt  }
0x50: {  	_ =	shalt  }
0x51: {  	_ =	shalt  }
0x52: {  	_ =	shalt  }
0x53: {  	_ =	shalt  }
0x54: {  	_ =	shalt  }
0x55: {  	_ =	shalt  }
0x56: {  	_ =	shalt  }
0x57: {  	_ =	shalt  }
0x58: {  	_ =	shalt  }
0x59: {  	_ =	shalt  }
0x5a: {  	_ =	shalt  }
0x5b: {  	_ =	shalt  }
0x5c: {  	_ =	shalt  }
0x5d: {  	_ =	shalt  }
0x5e: {  	_ =	shalt  }
0x5f: {  	_ =	shalt  }
0x60: {  	_ =	shalt  }
0x61: {  	_ =	shalt  }
0x62: {  	_ =	shalt  }
0x63: {  	_ =	shalt  }
0x64: {  	_ =	shalt  }
0x65: {  	_ =	shalt  }
0x66: {  	_ =	shalt  }
0x67: {  	_ =	shalt  }
0x68: {  	_ =	shalt  }
0x69: {  	_ =	shalt  }
0x6a: {  	_ =	shalt  }
0x6b: {  	_ =	shalt  }
0x6c: {  	_ =	shalt  }
0x6d: {  	_ =	shalt  }
0x6e: {  	_ =	shalt  }
0x6f: {  	_ =	shalt  }
0x70: {  	_ =	shalt  }
0x71: {  	_ =	shalt  }
0x72: {  	_ =	shalt  }
0x73: {  	_ =	shalt  }
0x74: {  	_ =	shalt  }
0x75: {  	_ =	shalt  }
0x76: {  	_ =	shalt  }
0x77: {  	_ =	shalt  }
0x78: {  	_ =	shalt  }
0x79: {  	_ =	shalt  }
0x7a: {  	_ =	shalt  }
0x7b: {  	_ =	shalt  }
0x7c: {  	_ =	shalt  }
0x7d: {  	_ =	shalt  }
0x7e: {  	_ =	shalt  }
0x7f: {  	_ =	shalt  }
0x80: {  	_ =	shalt  }
0x81: {  	_ =	shalt  }
0x82: {  	_ =	shalt  }
0x83: {  	_ =	shalt  }
0x84: {  	_ =	shalt  }
0x85: {  	_ =	shalt  }
0x86: {  	_ =	shalt  }
0x87: {  	_ =	shalt  }
.Lfunc_end0:
.L_simem_size_0:
called_computation_lowered:
.L_overlay_start_0:
0x88: {  	s2 =	sld [smem:$0x3FD9]  }
0x89: {  	s3 =	sld [smem:$0x3FFE];
	_ =	sdelay $0x1  }
0x8a: {  	s1 =	srdreg.scid  }
0x8b: {  	s0 =	sand.u32 $0x1, s1  }
0x8c: {  	s18 =	sshll.u32 s0, $0xA;
	s2 =	sadd.s32 s3, s2  }
0x8d: {  	s2 =	sadd.s32 s2, s18  }
0x8e: {  	[smem:$0x3FC1] =	sst s2  }
0x8f: {  	_ = 	snop  }
0x90: {  	s2 =	sld [smem:$0x3FC9]  }
0x91: {  	s19 =	sld [smem:$0x3FC8]  }
0x92: {  	s4 =	sld [smem:$0x3FC7]  }
0x93: {  	s5 =	sld [smem:$0x3FC6]  }
0x94: {  	s6 =	sld [smem:$0x3FC5]  }
0x95: {  	s7 =	sld [smem:$0x3FC4]  }
0x96: {  	s8 =	sld [smem:$0x3FC3]  }
0x97: {  	s9 =	sld [smem:$0x3FD0];
	(tm) =	ssettm $0x1  }
0x98: {  	s10 =	sld [smem:$0x3FFB];
	_ =	sdelay $0x3  }
0x99: {  	_ =	strace s10  }
0x9a: {  	s10 =	sld [smem:$0x3FFC];
	_ =	sdelay $0x3  }
0x9b: {  	_ =	strace s10  }
0x9c: {  	s10 =	sld [smem:$0x3FFD];
	_ =	sdelay $0x3  }
0x9d: {  	_ =	strace s10  }
0x9e: {  	_ =	strace $0x8FFFFFFF  }
0x9f: {  	s20 =	sld [smem:$0x3FDB];
	_ =	sdelay $0x1  }
0xa0: {  	s11 =	simm.s32 $_scs_section_size  }
0xa1: {  	s12 =	simm.s32 $_size__tile_overlayer_lowered;
	s13 =	simm.s32 $_tile_overlayer_lowered  }
0xa2: {  	s23 =	simm.s32 $0x1BFF;
	s22 =	sshll.u32 s13, $0x1;
	s10 =	sadd.s32 s11, s20  }
0xa3: {  	s14 =	simm.s32 $0x0;
	s21 =	sshll.u32 s12, $0x1;
	s12 =	sadd.s32 s22, s10  }
0xa4: {  	[timem:s14], [sflag:s23] =	dma.local [hbm:s12], s21  }
0xa5: {  	_ =	swait.ge [sflag:s23], s21  }
0xa6: {  	s11 =	ssub.s32 $0x0, s21;
	[sflag:s23] =	ssyncset.done $0x0  }
0xa7: {  	[sflag:s23] =	ssyncadd.s32 s11;
	_ =	sdelay $0x1  }
0xa8: {  	s24 =	simm.s32 $0x1B8B  }
0xa9: {  	_ =	swait.ge [sflag:s24], $0x1  }
0xaa: {  	[sflag:s24] =	ssyncset.done $0x0  }
0xab: {  	s25 =	simm.s32 $0x1B8E;
	[sflag:s24] =	ssyncadd.s32 $0xFFFFFFFF  }
0xac: {  	s26 =	simm.s32 $execute0_lowered;
	[smem:$0x3FD2] =	sst s25  }
0xad: {  	s11 =	sshll.u32 s26, $0x1;
	_ =	strace $0x80000046;
	[dreg:$0x1] =	wrdreg $0xFFFFFFFF  }
0xae: {  	s28 =	simm.s32 $_size_execute0_lowered;
	s10 =	sadd.s32 s10, s11;
	[dreg:$0x0] =	wrdreg $0x0  }
0xaf: {  	s11 =	sshll.u32 s28, $0x1;
	[dreg:$0x2] =	wrdreg s10  }
0xb0: {  	[dreg:$0x3] =	wrdreg s11  }
0xb1: {  	[dreg:$0x4] =	wrdreg $0xC0  }
0xb2: {  	_ =	task [dreg:s14], $0x5FFFF  }
0xb3: {  	[dreg:$0x1] =	wrdreg $0xFFFFFFFF  }
0xb4: {  	[dreg:$0x0] =	wrdreg $0x60  }
0xb5: {  	[dreg:$0x2] =	wrdreg s2  }
0xb6: {  	[dreg:$0x3] =	wrdreg s19  }
0xb7: {  	[dreg:$0x4] =	wrdreg s4  }
0xb8: {  	[dreg:$0x5] =	wrdreg s5  }
0xb9: {  	[dreg:$0x6] =	wrdreg s6  }
0xba: {  	[dreg:$0x7] =	wrdreg s7  }
0xbb: {  	[dreg:$0x8] =	wrdreg s8  }
0xbc: {  	[dreg:$0x9] =	wrdreg s9  }
0xbd: {  	[dreg:$0xa] =	wrdreg $0x9  }
0xbe: {  	_ =	task.clear_ibuf [dreg:s14], $0xBFFFF;
	_ =	strace $0x90000046  }
0xbf: {  	s29 =	simm.s32 $0x9;
	_ =	strace $0x80000048  }
0xc0: {  	_ =	swait.ge [sflag:s29], $0x1  }
0xc1: {  	[sflag:s29] =	ssyncadd.s32 $0xFFFFFFFF  }
0xc2: {  	_ =	strace $0x90000048  }
0xc3: {  	_ =	sfence  }
0xc4: {  	s30 =	sld [smem:$0x0];
	_ =	sdelay $0x2  }
0xc5: {  	s31 =	sshll.u32 s1, $0xD;
	s1 =	sshrl.u32 s1, $0x2  }
0xc6: {  	s3 =	sand.u32 $0x4000, s31;
	s1 =	sadd.s32 s1, s30  }
0xc7: {  	s0 =	sor.u32 s3, s0;
	s1 =	sshll.u32 s1, $0x11  }
0xc8: {  	s0 =	sor.u32 s1, s0  }
0xc9: {  	s0 =	sadd.s32 $0x8F2B, s0  }
0xca: {  	[sflag:s0] =	ssyncadd.remote.s32 $0x1  }
0xcb: {  	_ =	sfence.sel $0xFFFF  }
0xcc: {  	[dreg:$0x0] =	wrdreg $0xFFFFFFFF;
	(pc) =	sbr.abs _section_cstart, $3  }
0xcd: {  	[dreg:$0x1] =	wrdreg $0xFFFFFFFF  }
0xce: {  	_ =	task.clear_ibuf [dreg:s14], $0x2FFFF;
	_ =	strace $0x9FFFFFFF  }
0xcf: {  	(tm) =	ssettm $0x7FFFFFFF  }
tec
execute0_lowered:
.L_overlay_start_1:
0x0: {  	(tag) =	ssettag $0x1  }
0x1: {  	v0 =	vimm.s32 $0xBCAB9A89;
	v1 =	vimm.s32 $0xF0EFDECD;
	vm0 =	vcmask $0x1F10  }
0x2: {  	v35 =	vimm.s32 $0x34231201;
	v2 =	vimm.s32 $0x78675645;
	v3 =	vimm.s32 $0xBDAC9B8A  }
0x3: {  	v4 =	vimm.s32 $0xF1E0DFCE;
	v5 =	vimm.s32 $0x35241302;
	v6 =	vimm.s32 $0x79685746  }
0x4: {  	v7 =	vimm.s32 $0xBEAD9C8B;
	v8 =	vimm.s32 $0xF2E1D0CF;
	v39 =	vimm.s32 $0x36251403  }
0x5: {  	v40 =	vimm.s32 $0x7A695847;
	v41 =	vimm.s32 $0xBFAE9D8C;
	v42 =	vimm.s32 $0xF3E2D1C0  }
0x6: {  	v43 =	vimm.s32 $0x37261504;
	v46 =	vimm.s32 $0xB0AF9E8D;
	v49 =	vimm.s32 $0x38271605  }
0x7: {  	v50 =	vimm.s32 $0x7C6B5A49;
	v51 =	vimm.s32 $0xB1A09F8E;
	v9 =	vimm.s32 $0x39281706  }
0x8: {  	v10 =	vimm.s32 $0x7D6C5B4A;
	v11 =	vimm.s32 $0xB2A1908F;
	v12 =	vimm.s32 $0xF6E5D4C3  }
0x9: {  	v55 =	vimm.s32 $0x3A291807;
	v13 =	vimm.s32 $0x3D2C1B0A;
	v14 =	vimm.s32 $0x71605F4E  }
0xa: {  	v15 =	vimm.s32 $0xB6A59483;
	v16 =	vimm.s32 $0xFAE9D8C7;
	v17 =	vimm.s32 $0x75645342  }
0xb: {  	v18 =	vimm.s32 $0xBAA99887;
	v19 =	vimm.s32 $0xFEEDDCCB;
	v20 =	vimm.s32 $0x3221100F  }
0xc: {  	v21 =	vimm.s32 $0x76655443;
	v61 =	vlaneseq.u32;
	v0 =	vunpack.c.0.s8.s32 v0  }
0xd: {  	v1 =	vunpack.c.0.s8.s32 v1;
	v2 =	vunpack.c.0.s8.s32 v2;
	v3 =	vunpack.c.0.s8.s32 v3  }
0xe: {  	v4 =	vunpack.c.0.s8.s32 v4;
	v5 =	vunpack.c.0.s8.s32 v5;
	v6 =	vunpack.c.0.s8.s32 v6  }
0xf: {  	v7 =	vunpack.c.0.s8.s32 v7;
	v8 =	vunpack.c.0.s8.s32 v8;
	v44 =	vunpack.c.0.s8.s32 v43  }
0x10: {  	v9 =	vunpack.c.0.s8.s32 v9;
	v10 =	vunpack.c.0.s8.s32 v10;
	v11 =	vunpack.c.0.s8.s32 v11  }
0x11: {  	v12 =	vunpack.c.0.s8.s32 v12;
	v13 =	vunpack.c.0.s8.s32 v13;
	v14 =	vunpack.c.0.s8.s32 v14  }
0x12: {  	v17 =	vunpack.c.0.s8.s32 v17;
	v18 =	vunpack.c.0.s8.s32 v18;
	v19 =	vunpack.c.0.s8.s32 v19  }
0x13: {  	v20 =	vunpack.c.0.s8.s32 v20;
	v21 =	vunpack.c.0.s8.s32 v21;
	v62 =	vmul.u32 $0x11, v61  }
0x14: {  	v0 =	vsel vm0, v1, v0;
	v1 =	vunpack.c.0.s8.s32 v35;
	v36 =	vsel vm0, v4, v3  }
0x15: {  	v37 =	vsel vm0, v6, v5;
	v38 =	vsel vm0, v8, v7;
	v3 =	vunpack.c.0.s8.s32 v39  }
0x16: {  	v4 =	vunpack.c.0.s8.s32 v40;
	v5 =	vunpack.c.0.s8.s32 v41;
	v6 =	vunpack.c.0.s8.s32 v42  }
0x17: {  	v8 =	vimm.s32 $0x7B6A5948;
	v7 =	vunpack.c.0.s8.s32 v51;
	v53 =	vsel vm0, v10, v9  }
0x18: {  	v54 =	vsel vm0, v12, v11;
	v9 =	vimm.s32 $0xB3A29180;
	v10 =	vimm.s32 $0xF7E6D5C4  }
0x19: {  	v11 =	vimm.s32 $0x3B2A1908;
	v12 =	vimm.s32 $0x7F6E5D4C;
	v45 =	vunpack.c.0.s8.s32 v8  }
0x1a: {  	v8 =	vimm.s32 $0xF4E3D2C1;
	v9 =	vunpack.c.0.s8.s32 v9;
	v10 =	vunpack.c.0.s8.s32 v10  }
0x1b: {  	v1 =	vsel vm0, v2, v1;
	v2 =	vcombine.low v37, v36;
	v3 =	vsel vm0, v4, v3  }
0x1c: {  	v5 =	vsel vm0, v6, v5;
	v6 =	vunpack.c.0.s8.s32 v46;
	v47 =	vunpack.c.0.s8.s32 v8  }
0x1d: {  	v8 =	vimm.s32 $0xF5E4D3C2;
	v1 =	vcombine.low v1, v0;
	v4 =	vsel vm0, v45, v44  }
0x1e: {  	v3 =	vcombine.low v3, v38;
	v8 =	vunpack.c.0.s8.s32 v8;
	v9 =	vsel vm0, v10, v9  }
0x1f: {  	v10 =	vimm.s32 $0xB4A39281;
	v4 =	vcombine.low v4, v5;
	v48 =	vsel vm0, v47, v6  }
0x20: {  	v5 =	vunpack.c.0.s8.s32 v49;
	v6 =	vunpack.c.0.s8.s32 v50;
	v10 =	vunpack.c.0.s8.s32 v10  }
0x21: {  	v23 =	vand.u32 $0xFF, v2;
	v52 =	vsel vm0, v8, v7;
	v8 =	vimm.s32 $0x7E6D5C4B  }
0x22: {  	v7 =	vunpack.c.0.s8.s32 v55;
	v63 =	vand.u32 $0xFF, v1;
	v8 =	vunpack.c.0.s8.s32 v8  }
0x23: {  	v24 =	vand.u32 $0xFF, v3;
	v5 =	vsel vm0, v6, v5;
	v6 =	vcombine.low v53, v52  }
0x24: {  	v7 =	vsel vm0, v8, v7;
	v8 =	vunpack.c.0.s8.s32 v11;
	v11 =	vunpack.c.0.s8.s32 v12  }
0x25: {  	v25 =	vand.u32 $0xFF, v4;
	v5 =	vcombine.low v5, v48;
	v12 =	vimm.s32 $0xF8E7D6C5  }
0x26: {  	v27 =	vand.u32 $0xFF, v6;
	v8 =	vsel vm0, v11, v8;
	v11 =	vunpack.c.0.s8.s32 v12  }
0x27: {  	v7 =	vcombine.low v7, v54;
	v12 =	vimm.s32 $0xF9E8D7C6;
	v8 =	vcombine.low v8, v9  }
0x28: {  	v9 =	vimm.s32 $0x3C2B1A09;
	v56 =	vsel vm0, v11, v10;
	v10 =	vimm.s32 $0x706F5E4D  }
0x29: {  	v9 =	vunpack.c.0.s8.s32 v9;
	v11 =	vimm.s32 $0xB5A49382;
	v10 =	vunpack.c.0.s8.s32 v10  }
0x2a: {  	v26 =	vand.u32 $0xFF, v5;
	v12 =	vunpack.c.0.s8.s32 v12;
	v11 =	vunpack.c.0.s8.s32 v11  }
0x2b: {  	v9 =	vsel vm0, v10, v9;
	v10 =	vunpack.c.0.s8.s32 v15;
	v15 =	vunpack.c.0.s8.s32 v16  }
0x2c: {  	v57 =	vsel vm0, v12, v11;
	v11 =	vsel vm0, v14, v13;
	v13 =	vimm.s32 $0xB7A69584  }
0x2d: {  	s0 =	rddreg [dreg:$0x0];
	v12 =	vimm.s32 $0x7261504F;
	v14 =	vimm.s32 $0xFBEAD9C8;
	v13 =	vunpack.c.0.s8.s32 v13  }
0x2e: {  	s1 =	rddreg [dreg:$0x1];
	v14 =	vunpack.c.0.s8.s32 v14;
	v58 =	vsel vm0, v15, v10;
	v10 =	vimm.s32 $0x3E2D1C0B  }
0x2f: {  	s3 =	rddreg [dreg:$0x5];
	v16 =	vimm.s32 $0x73625140;
	v12 =	vunpack.c.0.s8.s32 v12;
	v10 =	vunpack.c.0.s8.s32 v10  }
0x30: {  	s4 =	rddreg [dreg:$0x6];
	s6 =	simm.s32 $0x0;
	v15 =	vimm.s32 $0x3F2E1D0C;
	v59 =	vsel vm0, v14, v13;
	v13 =	vimm.s32 $0xFCEBDAC9  }
0x31: {  	[smem:$0x7FF] =	sst s6;
	v10 =	vsel vm0, v12, v10;
	v12 =	vunpack.c.0.s8.s32 v15;
	v15 =	vunpack.c.0.s8.s32 v16  }
0x32: {  	s2 =	rddreg [dreg:$0x7];
	_ =	strace $0x80000047;
	v14 =	vimm.s32 $0x302F1E0D;
	v13 =	vunpack.c.0.s8.s32 v13;
	v16 =	vcombine.low v10, v58  }
0x33: {  	[tilespmem:$0x1FF50] =	vst v62;
	v10 =	vimm.s32 $0xB8A79685;
	v12 =	vsel vm0, v15, v12;
	v15 =	vimm.s32 $0x74635241  }
0x34: {  	s5 =	srdreg.scid;
	s8 =	stileid.u32;
	[tilespmem:$0x1FF70] =	vst v23;
	v60 =	vunpack.c.0.s8.s32 v14;
	v10 =	vunpack.c.0.s8.s32 v10;
	v14 =	vunpack.c.0.s8.s32 v15  }
0x35: {  	s16 =	simm.s32 $0x5;
	s17 =	simm.s32 $0x2;
	s18 =	simm.s32 $0x20;
	[tilespmem:$0x1FF60] =	vst v63;
	v7 =	vand.u32 $0xFF, v7;
	v8 =	vand.u32 $0xFF, v8;
	v15 =	vimm.s32 $0xFDECDBCA  }
0x36: {  	s11 =	simm.s32 $0xE580;
	s12 =	simm.s32 $0xF580;
	s13 =	simm.s32 $0x1;
	[tilespmem:$0x1FF80] =	vst v24;
	v10 =	vsel vm0, v13, v10;
	v13 =	vimm.s32 $0xB9A89786;
	v0 =	vsel vm0, v14, v60  }
0x37: {  	s19 =	simm.s32 $0x3;
	s20 =	simm.s32 $0x4;
	s5 =	sand.u32 $0x1, s5;
	[tilespmem:$0x1FF90] =	vst v25;
	v13 =	vunpack.c.0.s8.s32 v13;
	v14 =	vunpack.c.0.s8.s32 v15;
	v15 =	vimm.s32 $0x31201F0E  }
0x38: {  	s21 =	simm.s32 $0x10580;
	s23 =	simm.s32 $0x0;
	s7 =	ssub.s32 $0x2, s5;
	[tilespmem:$0x1FFB0] =	vst v27;
	v9 =	vcombine.low v9, v56;
	v11 =	vcombine.low v11, v57;
	v15 =	vunpack.c.0.s8.s32 v15  }
0x39: {  	s8 =	sshll.u32 s8, $0x7;
	s5 =	sshll.u32 s5, $0x6;
	s9 =	sshrl.u32 s7, $0x1;
	[tilespmem:$0x1FFA0] =	vst v26;
	v12 =	vcombine.low v12, v59;
	v22 =	vcombine.low v0, v10;
	v10 =	vsel vm0, v14, v13  }
0x3a: {  	s5 =	sor.u32 s5, s8;
	s8 =	simm.s32 $0x200;
	s7 =	ssub.s32 s7, s9;
	[tilespmem:$0x1FFC0] =	vst v7;
	v14 =	vsel vm0, v19, v18;
	v13 =	vsel vm0, v17, v15;
	v15 =	vsel vm0, v21, v20  }
0x3b: {  	s0 =	sadd.s32 s0, s5;
	s31 =	sadd.s32 s1, s5;
	s14 =	sadd.s32 s2, s5;
	[tilespmem:$0x1FFD0] =	vst v8;
	v9 =	vand.u32 $0xFF, v9;
	v17 =	vcombine.low v13, v10;
	v15 =	vcombine.low v15, v14  }
0x3c: {  	s5 =	simm.s32 $0x240;
	s1 =	simm.s32 $0xC580;
	[dreg:$0x9] =	wrdreg s0;
	[tilespmem:$0x1FFE0] =	vst v9;
	v12 =	vand.u32 $0xFF, v12;
	v10 =	vand.u32 $0xFF, v11;
	v11 =	vand.u32 $0xFF, v16  }
0x3d: {  	s2 =	simm.s32 $0xD580;
	[dreg:$0xa] =	wrdreg s31;
	s15 =	smax.u32 s7, $0x1;
	v13 =	vand.u32 $0xFF, v22;
	[tilespmem:$0x1FFF0] =	vst v10;
	v14 =	vand.u32 $0xFF, v17;
	v15 =	vand.u32 $0xFF, v15  }
.LBB2_1:
0x3e: {  	s0 =	rddreg [dreg:$0x9]  }
0x3f: {  	[tilespmem:s6], [sflag:$0x2] =	stream.linear.gather [hbm4b:s0+s6], $0x200, $0x38;
	[tilespmem:$0x12780] =	vst v63  }
0x40: {  	s10 =	rddreg [dreg:$0xa]  }
0x41: {  	[tilespmem:s8], [sflag:$0x2] =	stream.linear.gather [hbm4b:s10+s6], $0x200, $0x38;
	[tilespmem:$0x12780] =	vst v63  }
0x42: {  	s22 =	rddreg [dreg:$0x2];
	s7 =	simm.s32 $0x400  }
0x43: {  	[tilespmem:s7], [sflag:$0x5] =	stream.linear.gather [hbm4b:s22+s6], $0x80, $0x38;
	[tilespmem:$0x12780] =	vst v63  }
0x44: {  	_ =	swait.ge [sflag:s16], $0x80  }
0x45: {  	[sflag:s16] =	ssyncset.done $0x0  }
0x46: {  	[sflag:s16] =	ssyncadd.s32 $0xFFFFFF80  }
0x47: {  	v16 =	vld [tilespmem:$0x400];
	_ =	sdelay $0x4  }
0x48: {  	(v2sf) =	vpush v16, $0x0;
	_ =	sdelay $0xe  }
0x49: {  	s24 =	spop (v2sf)  }
0x4a: {  	s0 =	sshll.u32 s24, $0x4  }
0x4b: {  	s25 =	rddreg [dreg:$0x3];
	s0 =	sand.u32 $0x1FFFFFF0, s0  }
0x4c: {  	s9 =	simm.s32 $0x480;
	s7 =	sadd.s32 s25, s0  }
0x4d: {  	[tilespmem:s9], [sflag:$0x5] =	stream.linear.gather [hbm4b:s7+s6], $0x80, $0x38;
	[tilespmem:$0x12780] =	vst v63  }
0x4e: {  	_ =	swait.ge [sflag:s16], $0x80  }
0x4f: {  	[sflag:s16] =	ssyncset.done $0x0  }
0x50: {  	[sflag:s16] =	ssyncadd.s32 $0xFFFFFF80  }
0x51: {  	s26 =	rddreg [dreg:$0x4]  }
0x52: {  	s29 =	simm.s32 $0x500;
	s0 =	sadd.s32 s26, s0  }
0x53: {  	[tilespmem:s29], [sflag:$0x5] =	stream.linear.gather [hbm4b:s0+s6], $0x80, $0x38;
	[tilespmem:$0x12780] =	vst v63  }
0x54: {  	_ =	swait.ge [sflag:s16], $0x80  }
0x55: {  	[sflag:s16] =	ssyncset.done $0x0  }
0x56: {  	[sflag:s16] =	ssyncadd.s32 $0xFFFFFF80  }
0x57: {  	_ =	swait.ge [sflag:s17], $0x200  }
0x58: {  	[sflag:s17] =	ssyncset.done $0x0  }
0x59: {  	[sflag:s17] =	ssyncadd.s32 $0xFFFFFE00  }
0x5a: {  	_ =	swait.ge [sflag:s17], $0x200  }
0x5b: {  	[sflag:s17] =	ssyncset.done $0x0  }
0x5c: {  	[sflag:s17] =	ssyncadd.s32 $0xFFFFFE00  }
0x5d: {  	v16 =	vld [tilespmem:$0x480]  }
0x5e: {  	v17 =	vld [tilespmem:$0x490]  }
0x5f: {  	v18 =	vld [tilespmem:$0x4A0]  }
0x60: {  	v19 =	vld [tilespmem:$0x4B0]  }
0x61: {  	v20 =	vld [tilespmem:$0x4C0]  }
0x62: {  	v21 =	vld [tilespmem:$0x4D0]  }
0x63: {  	v22 =	vld [tilespmem:$0x4E0]  }
0x64: {  	v23 =	vld [tilespmem:$0x4F0]  }
0x65: {  	v24 =	vld [tilespmem:$0x500]  }
0x66: {  	v25 =	vld [tilespmem:$0x510]  }
0x67: {  	v26 =	vld [tilespmem:$0x520]  }
0x68: {  	v27 =	vld [tilespmem:$0x530]  }
0x69: {  	v28 =	vld [tilespmem:$0x540]  }
0x6a: {  	v29 =	vld [tilespmem:$0x550]  }
0x6b: {  	s9 =	simm.s32 $0x580;
	v30 =	vld [tilespmem:$0x560]  }
0x6c: {  	v31 =	vld [tilespmem:$0x570];
	[tilespmem:s9], [sflag:$0x1] =	stream.indirect.gather [hbm4b:s3+s18], $0x80, s6, s18, $0xb8  }
0x6d: {  	s10 =	simm.s32 $0x1580  }
0x6e: {  	[tilespmem:s10], [sflag:$0x1] =	stream.indirect.gather [hbm4b:s4+s18], $0x80, s6, s18, $0xb8;
	[tilespmem:$0x12780] =	vst v63  }
0x6f: {  	s22 =	simm.s32 $0x2580  }
0x70: {  	[tilespmem:s22], [sflag:$0x1] =	stream.indirect.gather [hbm4b:s3+s18], $0x80, s8, s18, $0xb8;
	[tilespmem:$0x12780] =	vst v63  }
0x71: {  	s24 =	simm.s32 $0x3580  }
0x72: {  	[tilespmem:s24], [sflag:$0x1] =	stream.indirect.gather [hbm4b:s4+s18], $0x80, s8, s18, $0xb8;
	[tilespmem:$0x12780] =	vst v63  }
0x73: {  	s25 =	simm.s32 $0x4580  }
0x74: {  	[tilespmem:s25], [sflag:$0x2] =	stream.indirect.gather [hbm4b:s3+s18], $0x80, s18, s18, $0xb8;
	[tilespmem:$0x12780] =	vst v63  }
0x75: {  	s26 =	simm.s32 $0x5580  }
0x76: {  	[tilespmem:s26], [sflag:$0x2] =	stream.indirect.gather [hbm4b:s4+s18], $0x80, s18, s18, $0xb8;
	[tilespmem:$0x12780] =	vst v63  }
0x77: {  	s29 =	simm.s32 $0x220;
	s9 =	simm.s32 $0x6580  }
0x78: {  	[tilespmem:s9], [sflag:$0x2] =	stream.indirect.gather [hbm4b:s3+s18], $0x80, s29, s18, $0xb8;
	[tilespmem:$0x12780] =	vst v63  }
0x79: {  	s10 =	simm.s32 $0x7580  }
0x7a: {  	[tilespmem:s10], [sflag:$0x2] =	stream.indirect.gather [hbm4b:s4+s18], $0x80, s29, s18, $0xb8;
	[tilespmem:$0x12780] =	vst v63  }
0x7b: {  	s22 =	simm.s32 $0x40;
	s24 =	simm.s32 $0x8580  }
0x7c: {  	[tilespmem:s24], [sflag:$0x3] =	stream.indirect.gather [hbm4b:s3+s18], $0x80, s22, s18, $0xb8;
	[tilespmem:$0x12780] =	vst v63  }
0x7d: {  	s28 =	simm.s32 $0x10990;
	s25 =	simm.s32 $0x9580  }
0x7e: {  	[tilespmem:s25], [sflag:$0x3] =	stream.indirect.gather [hbm4b:s4+s18], $0x80, s22, s18, $0xb8;
	[tilespmem:$0x12780] =	vst v63  }
0x7f: {  	s30 =	simm.s32 $0x10B90;
	s31 =	simm.s32 $0x0;
	s26 =	simm.s32 $0xA580  }
0x80: {  	[tilespmem:s26], [sflag:$0x3] =	stream.indirect.gather [hbm4b:s3+s18], $0x80, s5, s18, $0xb8;
	[tilespmem:$0x12780] =	vst v63  }
0x81: {  	s9 =	simm.s32 $0x10590;
	s29 =	simm.s32 $0xB580;
	s26 =	simm.s32 $0x10790  }
0x82: {  	[tilespmem:s29], [sflag:$0x3] =	stream.indirect.gather [hbm4b:s4+s18], $0x80, s5, s18, $0xb8;
	[tilespmem:$0x12780] =	vst v63  }
.LBB2_2:
0x83: {  	s7 =	sshll.u32 s31, $0x7  }
0x84: {  	s0 =	sor.u32 $0x60, s7  }
0x85: {  	[tilespmem:s1], [sflag:$0x4] =	stream.indirect.gather [hbm4b:s3+s18], $0x80, s0, s18, $0xb8;
	[tilespmem:$0x12780] =	vst v63  }
0x86: {  	_ = 	snop  }
0x87: {  	[tilespmem:s2], [sflag:$0x4] =	stream.indirect.gather [hbm4b:s4+s18], $0x80, s0, s18, $0xb8;
	[tilespmem:$0x12780] =	vst v63  }
0x88: {  	s25 =	sadd.s32 $0x260, s7  }
0x89: {  	[tilespmem:s11], [sflag:$0x4] =	stream.indirect.gather [hbm4b:s3+s18], $0x80, s25, s18, $0xb8;
	[tilespmem:$0x12780] =	vst v63  }
0x8a: {  	_ = 	snop  }
0x8b: {  	[tilespmem:s12], [sflag:$0x4] =	stream.indirect.gather [hbm4b:s4+s18], $0x80, s25, s18, $0xb8;
	[tilespmem:$0x12780] =	vst v63  }
0x8c: {  	_ =	swait.ge [sflag:s13], $0x1000  }
0x8d: {  	[sflag:s13] =	ssyncset.done $0x0  }
0x8e: {  	[sflag:s13] =	ssyncadd.s32 $0xFFFFF000  }
0x8f: {  	_ =	swait.ge [sflag:s13], $0x1000  }
0x90: {  	[sflag:s13] =	ssyncset.done $0x0  }
0x91: {  	[sflag:s13] =	ssyncadd.s32 $0xFFFFF000  }
0x92: {  	_ =	swait.ge [sflag:s13], $0x1000  }
0x93: {  	[sflag:s13] =	ssyncset.done $0x0  }
0x94: {  	[sflag:s13] =	ssyncadd.s32 $0xFFFFF000  }
0x95: {  	_ =	swait.ge [sflag:s13], $0x1000  }
0x96: {  	[sflag:s13] =	ssyncset.done $0x0  }
0x97: {  	s10 =	simm.s32 $0x600;
	[sflag:s13] =	ssyncadd.s32 $0xFFFFF000  }
0x98: {  	s0 =	simm.s32 $0x1600;
	v32 =	vld [tilespmem:s10+$0x70]  }
0x99: {  	s22 =	simm.s32 $0x2600;
	v36 =	vld [tilespmem:s0+$0x70]  }
0x9a: {  	s25 =	simm.s32 $0x3600;
	v37 =	vld [tilespmem:s22+$0x70]  }
0x9b: {  	v33 =	vld [tilespmem:s25+$0x70]  }
0x9c: {  	v34 =	vld [tilespmem:s10+$0x60]  }
0x9d: {  	v35 =	vld [tilespmem:s0+$0x60]  }
0x9e: {  	v38 =	vld [tilespmem:s22+$0x60]  }
0x9f: {  	v39 =	vld [tilespmem:s25+$0x60]  }
0xa0: {  	v40 =	vld [tilespmem:s10+$0x50]  }
0xa1: {  	v41 =	vld [tilespmem:s0+$0x50]  }
0xa2: {  	v42 =	vld [tilespmem:s22+$0x50]  }
0xa3: {  	v43 =	vld [tilespmem:s25+$0x50]  }
0xa4: {  	v44 =	vld [tilespmem:s10+$0x40]  }
0xa5: {  	v45 =	vld [tilespmem:s0+$0x40]  }
0xa6: {  	v46 =	vld [tilespmem:s22+$0x40]  }
0xa7: {  	v47 =	vld [tilespmem:s25+$0x40]  }
0xa8: {  	v48 =	vld [tilespmem:s10+$0x30]  }
0xa9: {  	v49 =	vld [tilespmem:s0+$0x30]  }
0xaa: {  	v50 =	vld [tilespmem:s22+$0x30]  }
0xab: {  	v51 =	vld [tilespmem:s25+$0x30]  }
0xac: {  	v52 =	vld [tilespmem:s10+$0x20]  }
0xad: {  	v53 =	vld [tilespmem:s0+$0x20]  }
0xae: {  	v54 =	vld [tilespmem:s22+$0x20]  }
0xaf: {  	v55 =	vld [tilespmem:s25+$0x20]  }
0xb0: {  	v58 =	vld [tilespmem:s10+$0x0];
	v56 =	vmul.f32 v37, v32;
	v59 =	vmul.f32 v33, v32  }
0xb1: {  	v63 =	vld [tilespmem:s10+$0x10];
	v60 =	vmul.f32 v38, v34;
	v61 =	vmul.f32 v39, v35  }
0xb2: {  	v1 =	vld [tilespmem:s22+$0x10];
	v35 =	vmul.f32 v38, v35;
	v38 =	vmul.f32 v42, v40  }
0xb3: {  	v3 =	vld [tilespmem:s22+$0xFFFFFF80];
	v62 =	vmul.f32 v43, v41;
	v40 =	vmul.f32 v43, v40  }
0xb4: {  	v5 =	vld [tilespmem:s25+$0xFFFFFF80];
	v43 =	vmul.f32 v46, v44;
	v0 =	vmul.f32 v47, v45  }
0xb5: {  	v8 =	vld [tilespmem:s10+$0xFFFFFF90];
	v44 =	vmul.f32 v47, v44;
	v47 =	vmul.f32 v50, v48  }
0xb6: {  	v10 =	vld [tilespmem:s25+$0xFFFFFF90];
	v2 =	vmul.f32 v51, v49;
	v48 =	vmul.f32 v51, v48  }
0xb7: {  	v32 =	vld [tilespmem:s22+$0x0];
	v51 =	vmul.f32 v54, v52;
	v4 =	vmul.f32 v55, v53  }
0xb8: {  	v57 =	vmul.f32 v33, v36;
	v33 =	vld [tilespmem:s0+$0x0]  }
0xb9: {  	v39 =	vmul.f32 v39, v34;
	v34 =	vld [tilespmem:s25+$0x0];
	v45 =	vmul.f32 v46, v45;
	v4 =	vadd.f32 v4, v51  }
0xba: {  	v41 =	vmul.f32 v42, v41;
	v42 =	vld [tilespmem:s0+$0x10];
	v2 =	vadd.f32 v2, v47;
	v0 =	vadd.f32 v0, v43  }
0xbb: {  	v46 =	vld [tilespmem:s25+$0x10];
	v49 =	vmul.f32 v50, v49;
	v43 =	vsub.f32 v44, v45;
	v45 =	vadd.f32 v62, v38  }
0xbc: {  	v50 =	vld [tilespmem:s0+$0xFFFFFF80];
	v54 =	vmul.f32 v54, v53;
	v4 =	vmul.f32 v4, v18  }
0xbd: {  	v53 =	vld [tilespmem:s22+$0xFFFFFFA0];
	v2 =	vmul.f32 v2, v19;
	v62 =	vmul.f32 v45, v21  }
0xbe: {  	v51 =	vld [tilespmem:s0+$0xFFFFFFA0];
	v6 =	vmul.f32 v32, v58;
	v7 =	vmul.f32 v34, v33  }
0xbf: {  	v47 =	vld [tilespmem:s25+$0xFFFFFFA0];
	v34 =	vmul.f32 v34, v58;
	v32 =	vmul.f32 v33, v32  }
0xc0: {  	v39 =	vsub.f32 v39, v35;
	v35 =	vld [tilespmem:s0+$0xFFFFFFC0];
	v33 =	vmul.f32 v1, v63;
	v9 =	vmul.f32 v46, v42  }
0xc1: {  	v38 =	vld [tilespmem:s22+$0xFFFFFFC0];
	v45 =	vadd.f32 v61, v60;
	v46 =	vmul.f32 v46, v63;
	v1 =	vmul.f32 v1, v42  }
0xc2: {  	v0 =	vmul.f32 v0, v20;
	v58 =	vld [tilespmem:s0+$0xFFFFFF90];
	v6 =	vadd.f32 v7, v6;
	v7 =	vsub.f32 v34, v32  }
0xc3: {  	v63 =	vld [tilespmem:s22+$0xFFFFFF90];
	v42 =	vmul.f32 v55, v52;
	v9 =	vadd.f32 v9, v33;
	v1 =	vsub.f32 v46, v1  }
0xc4: {  	v52 =	vld [tilespmem:s10+$0xFFFFFF80];
	v55 =	vsub.f32 v48, v49;
	v6 =	vmul.f32 v6, v16;
	v7 =	vmul.f32 v7, v24  }
0xc5: {  	v49 =	vld [tilespmem:s25+$0xFFFFFFB0];
	v32 =	vsub.f32 v42, v54;
	v9 =	vmul.f32 v9, v17;
	v1 =	vmul.f32 v1, v25  }
0xc6: {  	v46 =	vld [tilespmem:s10+$0xFFFFFFA0];
	v44 =	vmul.f32 v55, v27;
	v54 =	vsub.f32 v40, v41;
	v55 =	vmul.f32 v43, v28  }
0xc7: {  	v33 =	vld [tilespmem:s22+$0xFFFFFFB0];
	v42 =	vmul.f32 v32, v26;
	v6 =	vadd.f32 v7, v6;
	v1 =	vadd.f32 v1, v9  }
0xc8: {  	v34 =	vld [tilespmem:s10+$0xFFFFFFC0];
	v2 =	vadd.f32 v44, v2;
	v0 =	vadd.f32 v55, v0;
	v48 =	vmul.f32 v54, v29  }
0xc9: {  	v41 =	vld [tilespmem:s22+$0xFFFFFFD0];
	v54 =	vmul.f32 v37, v36;
	v4 =	vadd.f32 v42, v4;
	v1 =	vadd.f32 v1, v6  }
0xca: {  	v40 =	vld [tilespmem:s0+$0xFFFFFFE0];
	v55 =	vadd.f32 v57, v56;
	v57 =	vmul.f32 v39, v30;
	v60 =	vmul.f32 v3, v52  }
0xcb: {  	v43 =	vld [tilespmem:s22+$0xFFFFFFE0];
	v3 =	vmul.f32 v50, v3;
	v7 =	vmul.f32 v45, v22;
	v1 =	vadd.f32 v4, v1  }
0xcc: {  	v32 =	vld [tilespmem:s0+$0xFFFFFFB0];
	v56 =	vadd.f32 v48, v62;
	v4 =	vsub.f32 v59, v54;
	v54 =	vmul.f32 v5, v50  }
0xcd: {  	v36 =	vld [tilespmem:s10+$0xFFFFFFD0];
	v61 =	vmul.f32 v55, v23;
	v5 =	vmul.f32 v5, v52;
	v1 =	vadd.f32 v2, v1  }
0xce: {  	v37 =	vld [tilespmem:s0+$0xFFFFFFD0];
	v62 =	vadd.f32 v57, v7;
	v48 =	vmul.f32 v4, v31;
	v4 =	vadd.f32 v54, v60  }
0xcf: {  	v39 =	vld [tilespmem:s10+$0xFFFFFFE0];
	v57 =	vmul.f32 v10, v58;
	v60 =	vsub.f32 v5, v3;
	v0 =	vadd.f32 v0, v1  }
0xd0: {  	v9 =	vld [tilespmem:s10+$0xFFFFFFB0];
	v59 =	vmul.f32 v10, v8;
	v55 =	vadd.f32 v48, v61;
	v61 =	vmul.f32 v53, v46  }
0xd1: {  	v44 =	vld [tilespmem:s10+$0xFFFFFFF0];
	v4 =	vmul.f32 v4, v16;
	v1 =	vmul.f32 v60, v24;
	v0 =	vadd.f32 v56, v0  }
0xd2: {  	v42 =	vld [tilespmem:s25+$0xFFFFFFC0];
	v56 =	vmul.f32 v63, v8;
	v8 =	vmul.f32 v63, v58  }
0xd3: {  	v45 =	vld [tilespmem:s25+$0xFFFFFFD0];
	v63 =	vmul.f32 v47, v46;
	v50 =	vadd.f32 v1, v4;
	v0 =	vadd.f32 v62, v0  }
0xd4: {  	v48 =	vld [tilespmem:s25+$0xFFFFFFE0];
	v2 =	vadd.f32 v57, v56;
	v62 =	vmul.f32 v47, v51;
	v6 =	vsub.f32 v59, v8  }
0xd5: {  	v46 =	vld [tilespmem:s0+$0xFFFFFFF0];
	v8 =	vmul.f32 v53, v51;
	v53 =	vmul.f32 v33, v9;
	v0 =	vadd.f32 v55, v0  }
0xd6: {  	v47 =	vld [tilespmem:s22+$0xFFFFFFF0];
	v51 =	vmul.f32 v2, v17;
	v54 =	vadd.f32 v62, v61;
	v56 =	vmul.f32 v6, v25  }
0xd7: {  	s29 =	simm.s32 $0x0;
	s24 =	smov.u32 s9;
	s10 =	simm.s32 $0x700;
	v57 =	vmul.f32 v49, v32;
	v52 =	vsub.f32 v63, v8;
	v55 =	vmul.f32 v49, v9;
	v49 =	vld [tilespmem:s25+$0xFFFFFFF0];
	[tilespmem:s9+$0x0] =	vst v0  }
.LBB2_3:
0xd8: {  	v0 =	vld [tilespmem:s10+$0x70];
	v1 =	vadd.f32 v56, v51;
	v2 =	vmul.f32 v54, v18;
	v3 =	vmul.f32 v33, v32;
	s0 =	sadd.s32 $0x100, s0  }
0xd9: {  	v5 =	vmul.f32 v52, v26;
	v7 =	vmul.f32 v38, v34;
	s22 =	sadd.s32 $0x100, s22;
	v4 =	vld [tilespmem:s0+$0x70];
	v6 =	vadd.f32 v57, v53  }
0xda: {  	v9 =	vmul.f32 v42, v35;
	v10 =	vmul.f32 v42, v34;
	s25 =	sadd.s32 $0x100, s25;
	v8 =	vld [tilespmem:s22+$0x70];
	v3 =	vsub.f32 v55, v3  }
0xdb: {  	v1 =	vadd.f32 v1, v50;
	v2 =	vadd.f32 v5, v2;
	v5 =	vmul.f32 v38, v35;
	v32 =	vld [tilespmem:s25+$0x70]  }
0xdc: {  	v7 =	vadd.f32 v9, v7;
	v6 =	vmul.f32 v6, v19;
	v33 =	vld [tilespmem:s10+$0x60];
	v3 =	vmul.f32 v3, v27  }
0xdd: {  	v34 =	vmul.f32 v45, v37;
	v5 =	vsub.f32 v10, v5;
	v10 =	vmul.f32 v41, v36;
	v9 =	vld [tilespmem:s0+$0x60]  }
0xde: {  	v1 =	vadd.f32 v2, v1;
	v2 =	vmul.f32 v45, v36;
	v36 =	vmul.f32 v41, v37;
	v35 =	vld [tilespmem:s22+$0x60]  }
0xdf: {  	v3 =	vadd.f32 v3, v6;
	v6 =	vmul.f32 v7, v20;
	v5 =	vmul.f32 v5, v28;
	v37 =	vld [tilespmem:s25+$0x60]  }
0xe0: {  	v10 =	vadd.f32 v34, v10;
	v2 =	vsub.f32 v2, v36;
	v34 =	vmul.f32 v43, v39;
	v7 =	vld [tilespmem:s10+$0x50]  }
0xe1: {  	v38 =	vmul.f32 v48, v39;
	v1 =	vadd.f32 v3, v1;
	v3 =	vmul.f32 v48, v40;
	v36 =	vld [tilespmem:s0+$0x50]  }
0xe2: {  	v5 =	vadd.f32 v5, v6;
	v6 =	vmul.f32 v10, v21;
	v10 =	vmul.f32 v43, v40;
	v39 =	vld [tilespmem:s22+$0x50]  }
0xe3: {  	v2 =	vmul.f32 v2, v29;
	v3 =	vadd.f32 v3, v34;
	v34 =	vmul.f32 v47, v44;
	v40 =	vld [tilespmem:s25+$0x50]  }
0xe4: {  	v42 =	vmul.f32 v49, v44;
	v10 =	vsub.f32 v38, v10;
	v38 =	vmul.f32 v49, v46;
	v41 =	vld [tilespmem:s10+$0x40]  }
0xe5: {  	v1 =	vadd.f32 v5, v1;
	v2 =	vadd.f32 v2, v6;
	v5 =	vmul.f32 v47, v46;
	v43 =	vld [tilespmem:s0+$0x40]  }
0xe6: {  	v3 =	vmul.f32 v3, v22;
	v10 =	vmul.f32 v10, v30;
	v34 =	vadd.f32 v38, v34;
	v6 =	vld [tilespmem:s22+$0x40]  }
0xe7: {  	v1 =	vadd.f32 v2, v1;
	v2 =	vsub.f32 v42, v5;
	v38 =	vld [tilespmem:s25+$0x40]  }
0xe8: {  	v3 =	vadd.f32 v10, v3;
	v10 =	vmul.f32 v34, v23;
	v5 =	vld [tilespmem:s10+$0x30]  }
0xe9: {  	v2 =	vmul.f32 v2, v31;
	v34 =	vld [tilespmem:s0+$0x30]  }
0xea: {  	v1 =	vadd.f32 v3, v1;
	v42 =	vld [tilespmem:s22+$0x30]  }
0xeb: {  	v2 =	vadd.f32 v2, v10;
	v3 =	vld [tilespmem:s25+$0x30]  }
0xec: {  	v10 =	vld [tilespmem:s10+$0x20]  }
0xed: {  	v1 =	vadd.f32 v2, v1;
	v44 =	vld [tilespmem:s0+$0x20]  }
0xee: {  	v2 =	vld [tilespmem:s22+$0x20]  }
0xef: {  	v46 =	vmul.f32 v8, v0;
	v47 =	vmul.f32 v32, v4;
	v45 =	vld [tilespmem:s25+$0x20];
	[tilespmem:s24+$0xFFFFFFF0] =	vst v1  }
0xf0: {  	v0 =	vmul.f32 v32, v0;
	v4 =	vmul.f32 v8, v4;
	v1 =	vld [tilespmem:s10+$0x0]  }
0xf1: {  	v48 =	vmul.f32 v35, v33;
	v49 =	vmul.f32 v37, v9;
	v8 =	vld [tilespmem:s22+$0x0]  }
0xf2: {  	v37 =	vmul.f32 v37, v33;
	v9 =	vmul.f32 v35, v9;
	v32 =	vld [tilespmem:s0+$0x0]  }
0xf3: {  	v35 =	vmul.f32 v39, v7;
	v50 =	vmul.f32 v40, v36;
	v33 =	vld [tilespmem:s25+$0x0]  }
0xf4: {  	v7 =	vmul.f32 v40, v7;
	v36 =	vmul.f32 v39, v36;
	v51 =	vld [tilespmem:s10+$0x10]  }
0xf5: {  	v40 =	vmul.f32 v6, v41;
	v52 =	vmul.f32 v38, v43;
	v39 =	vld [tilespmem:s0+$0x10]  }
0xf6: {  	v6 =	vmul.f32 v6, v43;
	v38 =	vmul.f32 v38, v41;
	v53 =	vld [tilespmem:s22+$0x10]  }
0xf7: {  	v43 =	vmul.f32 v42, v5;
	v54 =	vmul.f32 v3, v34;
	v41 =	vld [tilespmem:s25+$0x10]  }
0xf8: {  	s29 =	sadd.s32 $0x2, s29;
	v3 =	vmul.f32 v3, v5;
	v5 =	vmul.f32 v42, v34;
	v55 =	vld [tilespmem:s22+$0xFFFFFF80]  }
0xf9: {  	p0 =	slt.u32 s29, $0x1E;
	v34 =	vmul.f32 v2, v10;
	v42 =	vmul.f32 v45, v44;
	v56 =	vld [tilespmem:s0+$0xFFFFFF80]  }
0xfa: {  	v58 =	vmul.f32 v8, v1;
	v59 =	vmul.f32 v33, v32;
	v57 =	vld [tilespmem:s25+$0xFFFFFF80]  }
0xfb: {  	v8 =	vmul.f32 v32, v8;
	v1 =	vmul.f32 v33, v1;
	v60 =	vld [tilespmem:s10+$0xFFFFFF90]  }
0xfc: {  	v32 =	vmul.f32 v53, v51;
	v61 =	vld [tilespmem:s0+$0xFFFFFF90];
	v33 =	vmul.f32 v41, v39  }
0xfd: {  	v41 =	vmul.f32 v41, v51;
	v39 =	vmul.f32 v53, v39;
	v62 =	vld [tilespmem:s22+$0xFFFFFF90]  }
0xfe: {  	v1 =	vsub.f32 v1, v8;
	v8 =	vmul.f32 v45, v10;
	v53 =	vadd.f32 v59, v58;
	v51 =	vld [tilespmem:s25+$0xFFFFFF90]  }
0xff: {  	v2 =	vmul.f32 v2, v44;
	v32 =	vadd.f32 v33, v32;
	v33 =	vsub.f32 v41, v39;
	v10 =	vld [tilespmem:s10+$0xFFFFFF80]  }
0x100: {  	v34 =	vadd.f32 v42, v34;
	v1 =	vmul.f32 v1, v24;
	v39 =	vmul.f32 v53, v16;
	v44 =	vld [tilespmem:s10+$0xFFFFFFA0]  }
0x101: {  	v2 =	vsub.f32 v8, v2;
	v32 =	vmul.f32 v32, v17;
	v33 =	vmul.f32 v33, v25;
	v53 =	vld [tilespmem:s0+$0xFFFFFFA0]  }
0x102: {  	v3 =	vsub.f32 v3, v5;
	v34 =	vmul.f32 v34, v18;
	v41 =	vadd.f32 v54, v43;
	v8 =	vld [tilespmem:s22+$0xFFFFFFA0]  }
0x103: {  	v2 =	vmul.f32 v2, v26;
	v1 =	vadd.f32 v1, v39;
	v33 =	vadd.f32 v33, v32;
	v5 =	vld [tilespmem:s25+$0xFFFFFFA0]  }
0x104: {  	v40 =	vadd.f32 v52, v40;
	v6 =	vsub.f32 v38, v6;
	v39 =	vmul.f32 v41, v19;
	v58 =	vld [tilespmem:s10+$0xFFFFFFB0]  }
0x105: {  	v3 =	vmul.f32 v3, v27;
	v2 =	vadd.f32 v2, v34;
	v1 =	vadd.f32 v33, v1;
	v32 =	vld [tilespmem:s0+$0xFFFFFFB0]  }
0x106: {  	v35 =	vadd.f32 v50, v35;
	v7 =	vsub.f32 v7, v36;
	v38 =	vmul.f32 v40, v20;
	v33 =	vld [tilespmem:s22+$0xFFFFFFB0]  }
0x107: {  	v1 =	vadd.f32 v2, v1;
	v2 =	vadd.f32 v3, v39;
	v3 =	vmul.f32 v6, v28;
	v59 =	vld [tilespmem:s25+$0xFFFFFFB0]  }
0x108: {  	v9 =	vsub.f32 v37, v9;
	v36 =	vadd.f32 v49, v48;
	v6 =	vmul.f32 v35, v21;
	v34 =	vld [tilespmem:s10+$0xFFFFFFC0]  }
0x109: {  	v1 =	vadd.f32 v2, v1;
	v2 =	vadd.f32 v3, v38;
	v3 =	vmul.f32 v7, v29;
	v35 =	vld [tilespmem:s0+$0xFFFFFFC0]  }
0x10a: {  	v0 =	vsub.f32 v0, v4;
	v37 =	vadd.f32 v47, v46;
	v7 =	vmul.f32 v36, v22;
	v38 =	vld [tilespmem:s22+$0xFFFFFFC0]  }
0x10b: {  	v1 =	vadd.f32 v2, v1;
	v2 =	vadd.f32 v3, v6;
	v3 =	vmul.f32 v9, v30;
	v42 =	vld [tilespmem:s25+$0xFFFFFFC0]  }
0x10c: {  	v4 =	vmul.f32 v55, v10;
	v6 =	vmul.f32 v37, v23;
	v36 =	vld [tilespmem:s10+$0xFFFFFFD0]  }
0x10d: {  	v0 =	vmul.f32 v0, v31;
	v1 =	vadd.f32 v2, v1;
	v2 =	vadd.f32 v3, v7;
	v37 =	vld [tilespmem:s0+$0xFFFFFFD0]  }
0x10e: {  	v3 =	vmul.f32 v57, v56;
	v7 =	vmul.f32 v57, v10;
	v41 =	vld [tilespmem:s22+$0xFFFFFFD0]  }
0x10f: {  	v9 =	vmul.f32 v56, v55;
	v0 =	vadd.f32 v0, v6;
	v1 =	vadd.f32 v2, v1;
	v45 =	vld [tilespmem:s25+$0xFFFFFFD0]  }
0x110: {  	v2 =	vadd.f32 v3, v4;
	v3 =	vmul.f32 v62, v60;
	v4 =	vmul.f32 v51, v61;
	v39 =	vld [tilespmem:s10+$0xFFFFFFE0]  }
0x111: {  	v6 =	vmul.f32 v51, v60;
	v10 =	vmul.f32 v62, v61;
	v0 =	vadd.f32 v0, v1;
	v40 =	vld [tilespmem:s0+$0xFFFFFFE0]  }
0x112: {  	s24 =	sadd.s32 $0x20, s24;
	v1 =	vsub.f32 v7, v9;
	v3 =	vadd.f32 v4, v3;
	v4 =	vmul.f32 v8, v44;
	v43 =	vld [tilespmem:s22+$0xFFFFFFE0]  }
.Ltmp0:
0x113: {  	v6 =	vsub.f32 v6, v10;
	v7 =	vmul.f32 v5, v53;
	v5 =	vmul.f32 v5, v44;
	v48 =	vld [tilespmem:s25+$0xFFFFFFE0];
	[tilespmem:s24+$0x0] =	vst v0;
	(pc) =	sbr.rel @p0 .LBB2_3-.Ltmp0, $4  }
0x114: {  	v0 =	vmul.f32 v2, v16;
	v2 =	vmul.f32 v8, v53;
	v44 =	vld [tilespmem:s10+$0xFFFFFFF0]  }
0x115: {  	v1 =	vmul.f32 v1, v24;
	v51 =	vmul.f32 v3, v17;
	v54 =	vadd.f32 v7, v4;
	v46 =	vld [tilespmem:s0+$0xFFFFFFF0]  }
0x116: {  	v56 =	vmul.f32 v6, v25;
	v53 =	vmul.f32 v33, v58;
	v52 =	vsub.f32 v5, v2;
	v47 =	vld [tilespmem:s22+$0xFFFFFFF0]  }
0x117: {  	v57 =	vmul.f32 v59, v32;
	v55 =	vmul.f32 v59, v58;
	s10 =	sadd.s32 $0x100, s10;
	v50 =	vadd.f32 v1, v0;
	v49 =	vld [tilespmem:s25+$0xFFFFFFF0]  }
0x118: {  	v0 =	vmul.f32 v54, v18  }
0x119: {  	v2 =	vmul.f32 v33, v32;
	v3 =	vmul.f32 v52, v26  }
0x11a: {  	v5 =	vmul.f32 v38, v34;
	v6 =	vmul.f32 v42, v35  }
0x11b: {  	v7 =	vmul.f32 v42, v34;
	v8 =	vmul.f32 v38, v35  }
0x11c: {  	v1 =	vadd.f32 v56, v51;
	v63 =	vmul.f32 v41, v36;
	v32 =	vmul.f32 v45, v37  }
0x11d: {  	v33 =	vmul.f32 v45, v36;
	v4 =	vadd.f32 v57, v53;
	v2 =	vsub.f32 v55, v2  }
0x11e: {  	v38 =	vmul.f32 v48, v40;
	v1 =	vadd.f32 v1, v50;
	v0 =	vadd.f32 v3, v0  }
0x11f: {  	v62 =	vsub.f32 v7, v8;
	v8 =	vmul.f32 v41, v37;
	v37 =	vmul.f32 v43, v39  }
0x120: {  	v61 =	vadd.f32 v6, v5;
	v39 =	vmul.f32 v48, v39;
	v41 =	vmul.f32 v43, v40  }
0x121: {  	v36 =	vadd.f32 v32, v63;
	v60 =	vmul.f32 v4, v19;
	v42 =	vmul.f32 v47, v44  }
0x122: {  	v9 =	vmul.f32 v47, v46;
	v2 =	vmul.f32 v2, v27;
	v0 =	vadd.f32 v0, v1  }
0x123: {  	v34 =	vmul.f32 v61, v20;
	v35 =	vmul.f32 v62, v28;
	v1 =	vsub.f32 v33, v8  }
0x124: {  	v5 =	vmul.f32 v36, v21;
	v6 =	vadd.f32 v38, v37;
	v2 =	vadd.f32 v2, v60  }
0x125: {  	v8 =	vmul.f32 v49, v46;
	v43 =	vmul.f32 v49, v44;
	v3 =	vadd.f32 v35, v34  }
0x126: {  	v1 =	vmul.f32 v1, v29;
	v0 =	vadd.f32 v2, v0;
	v2 =	vsub.f32 v39, v41  }
0x127: {  	v44 =	vmul.f32 v6, v22;
	v45 =	vadd.f32 v8, v42;
	v4 =	vsub.f32 v43, v9  }
0x128: {  	v1 =	vadd.f32 v1, v5;
	v0 =	vadd.f32 v3, v0;
	v2 =	vmul.f32 v2, v30  }
0x129: {  	v47 =	vmul.f32 v45, v23  }
0x12a: {  	v48 =	vmul.f32 v4, v31;
	v0 =	vadd.f32 v1, v0;
	v46 =	vadd.f32 v2, v44;
	_ =	sdelay $0x1  }
0x12b: {  	v49 =	vadd.f32 v48, v47;
	v0 =	vadd.f32 v46, v0;
	_ =	sdelay $0x1  }
0x12c: {  	v0 =	vadd.f32 v49, v0  }
0x12d: {  	p0 =	seq.s32 s31, $0x3  }
0x12e: {  	s0 =	sadd.s32 @!p0 $0x80, s7;
	s10 =	simm.s32 @!p0 $0x20;
	s22 =	simm.s32 @!p0 $0x580;
	[tilespmem:s24+$0xFFFFFFF0] =	vst v0  }
0x12f: {  	[tilespmem:s22], [sflag:$0x1] =	stream.indirect.gather @!p0 [hbm4b:s3+s10], $0x80, s0, s10, $0xb8;
	[tilespmem:$0x12780] =	vst v63  }
0x130: {  	s22 =	simm.s32 @!p0 $0x1580  }
0x131: {  	[tilespmem:s22], [sflag:$0x1] =	stream.indirect.gather @!p0 [hbm4b:s4+s10], $0x80, s0, s10, $0xb8;
	[tilespmem:$0x12780] =	vst v63  }
0x132: {  	s0 =	sadd.s32 @!p0 $0x280, s7;
	s22 =	simm.s32 @!p0 $0x2580  }
0x133: {  	[tilespmem:s22], [sflag:$0x1] =	stream.indirect.gather @!p0 [hbm4b:s3+s10], $0x80, s0, s10, $0xb8;
	[tilespmem:$0x12780] =	vst v63  }
0x134: {  	s22 =	simm.s32 @!p0 $0x3580  }
0x135: {  	[tilespmem:s22], [sflag:$0x1] =	stream.indirect.gather @!p0 [hbm4b:s4+s10], $0x80, s0, s10, $0xb8;
	[tilespmem:$0x12780] =	vst v63  }
0x136: {  	_ =	swait.ge [sflag:s17], $0x1000  }
0x137: {  	[sflag:s17] =	ssyncset.done $0x0  }
0x138: {  	[sflag:s17] =	ssyncadd.s32 $0xFFFFF000  }
0x139: {  	_ =	swait.ge [sflag:s17], $0x1000  }
0x13a: {  	[sflag:s17] =	ssyncset.done $0x0  }
0x13b: {  	[sflag:s17] =	ssyncadd.s32 $0xFFFFF000  }
0x13c: {  	_ =	swait.ge [sflag:s17], $0x1000  }
0x13d: {  	[sflag:s17] =	ssyncset.done $0x0  }
0x13e: {  	[sflag:s17] =	ssyncadd.s32 $0xFFFFF000  }
0x13f: {  	_ =	swait.ge [sflag:s17], $0x1000  }
0x140: {  	[sflag:s17] =	ssyncset.done $0x0  }
0x141: {  	s24 =	simm.s32 $0x4600;
	[sflag:s17] =	ssyncadd.s32 $0xFFFFF000  }
0x142: {  	s0 =	simm.s32 $0x5600;
	v50 =	vld [tilespmem:s24+$0x70]  }
0x143: {  	s22 =	simm.s32 $0x6600;
	v1 =	vld [tilespmem:s0+$0x70]  }
0x144: {  	s25 =	simm.s32 $0x7600;
	v2 =	vld [tilespmem:s22+$0x70]  }
0x145: {  	v51 =	vld [tilespmem:s25+$0x70]  }
0x146: {  	v52 =	vld [tilespmem:s24+$0x60]  }
0x147: {  	v53 =	vld [tilespmem:s0+$0x60]  }
0x148: {  	v54 =	vld [tilespmem:s22+$0x60]  }
0x149: {  	v55 =	vld [tilespmem:s25+$0x60]  }
0x14a: {  	v8 =	vld [tilespmem:s24+$0x50]  }
0x14b: {  	v9 =	vld [tilespmem:s0+$0x50]  }
0x14c: {  	v10 =	vld [tilespmem:s22+$0x50]  }
0x14d: {  	v56 =	vld [tilespmem:s25+$0x50]  }
0x14e: {  	v33 =	vld [tilespmem:s24+$0x40]  }
0x14f: {  	v57 =	vld [tilespmem:s0+$0x40]  }
0x150: {  	v58 =	vld [tilespmem:s22+$0x40]  }
0x151: {  	v59 =	vld [tilespmem:s25+$0x40]  }
0x152: {  	v60 =	vld [tilespmem:s24+$0x30]  }
0x153: {  	v61 =	vld [tilespmem:s0+$0x30]  }
0x154: {  	v62 =	vld [tilespmem:s22+$0x30]  }
0x155: {  	v63 =	vld [tilespmem:s25+$0x30]  }
0x156: {  	v41 =	vld [tilespmem:s24+$0x20]  }
0x157: {  	v42 =	vld [tilespmem:s0+$0x20]  }
0x158: {  	v43 =	vld [tilespmem:s22+$0x20]  }
0x159: {  	v44 =	vld [tilespmem:s25+$0x20]  }
0x15a: {  	v47 =	vld [tilespmem:s24+$0x0];
	v45 =	vmul.f32 v2, v50  }
0x15b: {  	v3 =	vld [tilespmem:s22+$0x0];
	v46 =	vmul.f32 v51, v1;
	v0 =	vmul.f32 v51, v50  }
0x15c: {  	v6 =	vld [tilespmem:s25+$0x0];
	v48 =	vmul.f32 v54, v52;
	v49 =	vmul.f32 v55, v53  }
0x15d: {  	v35 =	vld [tilespmem:s25+$0x10];
	v4 =	vmul.f32 v55, v52;
	v5 =	vmul.f32 v54, v53  }
0x15e: {  	v39 =	vld [tilespmem:s0+$0xFFFFFF80];
	v7 =	vmul.f32 v10, v8;
	v51 =	vmul.f32 v56, v9  }
0x15f: {  	v50 =	vld [tilespmem:s0+$0x0];
	v8 =	vmul.f32 v56, v8;
	v9 =	vmul.f32 v10, v9  }
0x160: {  	v52 =	vld [tilespmem:s24+$0x10];
	v32 =	vmul.f32 v58, v33;
	v53 =	vmul.f32 v59, v57  }
0x161: {  	v10 =	vld [tilespmem:s0+$0x10];
	v33 =	vmul.f32 v59, v33;
	v34 =	vmul.f32 v58, v57  }
0x162: {  	v54 =	vld [tilespmem:s22+$0x10];
	v36 =	vmul.f32 v62, v60;
	v55 =	vmul.f32 v63, v61  }
0x163: {  	v56 =	vld [tilespmem:s22+$0xFFFFFF80];
	v37 =	vmul.f32 v63, v60;
	v38 =	vmul.f32 v62, v61  }
0x164: {  	v40 =	vmul.f32 v43, v41;
	v57 =	vmul.f32 v44, v42;
	v58 =	vld [tilespmem:s25+$0xFFFFFF80]  }
0x165: {  	v59 =	vmul.f32 v3, v47;
	v61 =	vld [tilespmem:s24+$0xFFFFFF90];
	v36 =	vadd.f32 v55, v36;
	v7 =	vadd.f32 v51, v7  }
0x166: {  	v1 =	vmul.f32 v2, v1;
	v40 =	vadd.f32 v57, v40;
	v57 =	vld [tilespmem:s0+$0xFFFFFFA0];
	v4 =	vsub.f32 v4, v5  }
0x167: {  	v55 =	vld [tilespmem:s25+$0xFFFFFFA0];
	v36 =	vmul.f32 v36, v19;
	v7 =	vmul.f32 v7, v21  }
0x168: {  	v34 =	vsub.f32 v33, v34;
	v33 =	vld [tilespmem:s22+$0xFFFFFFB0];
	v4 =	vmul.f32 v4, v30;
	v60 =	vmul.f32 v6, v50  }
0x169: {  	v8 =	vsub.f32 v8, v9;
	v9 =	vld [tilespmem:s25+$0xFFFFFFB0];
	v6 =	vmul.f32 v6, v47;
	v3 =	vmul.f32 v50, v3  }
0x16a: {  	v37 =	vsub.f32 v37, v38;
	v38 =	vld [tilespmem:s22+$0xFFFFFFC0];
	v50 =	vmul.f32 v54, v52;
	v62 =	vmul.f32 v35, v10  }
0x16b: {  	v47 =	vld [tilespmem:s0+$0xFFFFFF90];
	v35 =	vmul.f32 v35, v52;
	v10 =	vmul.f32 v54, v10  }
0x16c: {  	v52 =	vld [tilespmem:s22+$0xFFFFFF90];
	v59 =	vadd.f32 v60, v59;
	v3 =	vsub.f32 v6, v3;
	v6 =	vmul.f32 v44, v41  }
0x16d: {  	v54 =	vld [tilespmem:s25+$0xFFFFFF90];
	v60 =	vadd.f32 v62, v50;
	v10 =	vsub.f32 v35, v10;
	v62 =	vmul.f32 v43, v42  }
0x16e: {  	v0 =	vsub.f32 v0, v1;
	v44 =	vld [tilespmem:s24+$0xFFFFFF80];
	v63 =	vmul.f32 v59, v16;
	v3 =	vmul.f32 v3, v24  }
0x16f: {  	v50 =	vld [tilespmem:s24+$0xFFFFFFA0];
	v41 =	vmul.f32 v60, v17;
	v10 =	vmul.f32 v10, v25;
	v6 =	vsub.f32 v6, v62  }
0x170: {  	v0 =	vmul.f32 v0, v31;
	v43 =	vmul.f32 v40, v18;
	v40 =	vadd.f32 v53, v32;
	v32 =	vld [tilespmem:s0+$0xFFFFFFB0]  }
0x171: {  	v35 =	vld [tilespmem:s0+$0xFFFFFFC0];
	v3 =	vadd.f32 v3, v63;
	v10 =	vadd.f32 v10, v41;
	v6 =	vmul.f32 v6, v26  }
0x172: {  	v59 =	vld [tilespmem:s22+$0xFFFFFFA0];
	v41 =	vmul.f32 v40, v20;
	v63 =	vmul.f32 v58, v39  }
0x173: {  	v60 =	vld [tilespmem:s24+$0xFFFFFFB0];
	v3 =	vadd.f32 v10, v3;
	v6 =	vadd.f32 v6, v43;
	v10 =	vmul.f32 v37, v27  }
0x174: {  	v40 =	vld [tilespmem:s0+$0xFFFFFFE0];
	v1 =	vmul.f32 v56, v44;
	v43 =	vadd.f32 v49, v48;
	v49 =	vmul.f32 v8, v29  }
0x175: {  	v37 =	vld [tilespmem:s0+$0xFFFFFFD0];
	v3 =	vadd.f32 v6, v3;
	v42 =	vadd.f32 v10, v36;
	v10 =	vmul.f32 v34, v28  }
0x176: {  	v8 =	vadd.f32 v46, v45;
	v45 =	vld [tilespmem:s25+$0xFFFFFFD0];
	v1 =	vadd.f32 v63, v1;
	v63 =	vmul.f32 v55, v50  }
0x177: {  	v46 =	vld [tilespmem:s0+$0xFFFFFFF0];
	v51 =	vmul.f32 v43, v22;
	v3 =	vadd.f32 v42, v3;
	v48 =	vadd.f32 v10, v41  }
0x178: {  	v34 =	vld [tilespmem:s24+$0xFFFFFFC0];
	v53 =	vadd.f32 v49, v7;
	v62 =	vmul.f32 v8, v23;
	v49 =	vmul.f32 v39, v56  }
0x179: {  	v36 =	vld [tilespmem:s24+$0xFFFFFFD0];
	v56 =	vmul.f32 v54, v61;
	v8 =	vmul.f32 v52, v47;
	v3 =	vadd.f32 v48, v3  }
0x17a: {  	v39 =	vld [tilespmem:s24+$0xFFFFFFE0];
	v1 =	vmul.f32 v1, v16;
	v2 =	vadd.f32 v4, v51;
	v0 =	vadd.f32 v0, v62  }
0x17b: {  	v43 =	vld [tilespmem:s22+$0xFFFFFFE0];
	v51 =	vmul.f32 v52, v61;
	v48 =	vmul.f32 v58, v44;
	v3 =	vadd.f32 v53, v3  }
0x17c: {  	v42 =	vld [tilespmem:s25+$0xFFFFFFC0];
	v61 =	vmul.f32 v59, v50;
	v4 =	vsub.f32 v56, v8;
	v53 =	vmul.f32 v54, v47  }
0x17d: {  	v41 =	vld [tilespmem:s22+$0xFFFFFFD0];
	v62 =	vmul.f32 v55, v57;
	v58 =	vsub.f32 v48, v49;
	v2 =	vadd.f32 v2, v3  }
0x17e: {  	v8 =	vmul.f32 v59, v57;
	v57 =	vmul.f32 v9, v32;
	v44 =	vld [tilespmem:s24+$0xFFFFFFF0];
	v3 =	vadd.f32 v53, v51  }
0x17f: {  	v55 =	vmul.f32 v9, v60;
	v48 =	vld [tilespmem:s25+$0xFFFFFFE0];
	v0 =	vadd.f32 v0, v2;
	v2 =	vmul.f32 v58, v24  }
0x180: {  	v56 =	vmul.f32 v4, v25;
	v54 =	vadd.f32 v62, v61;
	v47 =	vld [tilespmem:s22+$0xFFFFFFF0];
	v51 =	vmul.f32 v3, v17  }
0x181: {  	s29 =	simm.s32 $0x0;
	s10 =	simm.s32 $0x4700;
	v52 =	vsub.f32 v63, v8;
	s24 =	smov.u32 s26;
	v49 =	vld [tilespmem:s25+$0xFFFFFFF0];
	v53 =	vmul.f32 v33, v60;
	[tilespmem:s26+$0x0] =	vst v0;
	v50 =	vadd.f32 v2, v1  }
.LBB2_5:
0x182: {  	v0 =	vld [tilespmem:s10+$0x70];
	v1 =	vadd.f32 v56, v51;
	v2 =	vmul.f32 v54, v18;
	v3 =	vmul.f32 v33, v32;
	s0 =	sadd.s32 $0x100, s0  }
0x183: {  	v5 =	vmul.f32 v52, v26;
	v7 =	vmul.f32 v38, v34;
	s22 =	sadd.s32 $0x100, s22;
	v4 =	vld [tilespmem:s0+$0x70];
	v6 =	vadd.f32 v57, v53  }
0x184: {  	v9 =	vmul.f32 v42, v35;
	v10 =	vmul.f32 v42, v34;
	s25 =	sadd.s32 $0x100, s25;
	v8 =	vld [tilespmem:s22+$0x70];
	v3 =	vsub.f32 v55, v3  }
0x185: {  	v1 =	vadd.f32 v1, v50;
	v2 =	vadd.f32 v5, v2;
	v5 =	vmul.f32 v38, v35;
	v32 =	vld [tilespmem:s25+$0x70]  }
0x186: {  	v7 =	vadd.f32 v9, v7;
	v6 =	vmul.f32 v6, v19;
	v33 =	vld [tilespmem:s10+$0x60];
	v3 =	vmul.f32 v3, v27  }
0x187: {  	v34 =	vmul.f32 v45, v37;
	v5 =	vsub.f32 v10, v5;
	v10 =	vmul.f32 v41, v36;
	v9 =	vld [tilespmem:s0+$0x60]  }
0x188: {  	v1 =	vadd.f32 v2, v1;
	v2 =	vmul.f32 v45, v36;
	v36 =	vmul.f32 v41, v37;
	v35 =	vld [tilespmem:s22+$0x60]  }
0x189: {  	v3 =	vadd.f32 v3, v6;
	v6 =	vmul.f32 v7, v20;
	v5 =	vmul.f32 v5, v28;
	v37 =	vld [tilespmem:s25+$0x60]  }
0x18a: {  	v10 =	vadd.f32 v34, v10;
	v2 =	vsub.f32 v2, v36;
	v34 =	vmul.f32 v43, v39;
	v7 =	vld [tilespmem:s10+$0x50]  }
0x18b: {  	v38 =	vmul.f32 v48, v39;
	v1 =	vadd.f32 v3, v1;
	v3 =	vmul.f32 v48, v40;
	v36 =	vld [tilespmem:s0+$0x50]  }
0x18c: {  	v5 =	vadd.f32 v5, v6;
	v6 =	vmul.f32 v10, v21;
	v10 =	vmul.f32 v43, v40;
	v39 =	vld [tilespmem:s22+$0x50]  }
0x18d: {  	v2 =	vmul.f32 v2, v29;
	v3 =	vadd.f32 v3, v34;
	v34 =	vmul.f32 v47, v44;
	v40 =	vld [tilespmem:s25+$0x50]  }
0x18e: {  	v42 =	vmul.f32 v49, v44;
	v10 =	vsub.f32 v38, v10;
	v38 =	vmul.f32 v49, v46;
	v41 =	vld [tilespmem:s10+$0x40]  }
0x18f: {  	v1 =	vadd.f32 v5, v1;
	v2 =	vadd.f32 v2, v6;
	v5 =	vmul.f32 v47, v46;
	v43 =	vld [tilespmem:s0+$0x40]  }
0x190: {  	v3 =	vmul.f32 v3, v22;
	v10 =	vmul.f32 v10, v30;
	v34 =	vadd.f32 v38, v34;
	v6 =	vld [tilespmem:s22+$0x40]  }
0x191: {  	v1 =	vadd.f32 v2, v1;
	v2 =	vsub.f32 v42, v5;
	v38 =	vld [tilespmem:s25+$0x40]  }
0x192: {  	v3 =	vadd.f32 v10, v3;
	v10 =	vmul.f32 v34, v23;
	v5 =	vld [tilespmem:s10+$0x30]  }
0x193: {  	v2 =	vmul.f32 v2, v31;
	v34 =	vld [tilespmem:s0+$0x30]  }
0x194: {  	v1 =	vadd.f32 v3, v1;
	v42 =	vld [tilespmem:s22+$0x30]  }
0x195: {  	v2 =	vadd.f32 v2, v10;
	v3 =	vld [tilespmem:s25+$0x30]  }
0x196: {  	v10 =	vld [tilespmem:s10+$0x20]  }
0x197: {  	v1 =	vadd.f32 v2, v1;
	v44 =	vld [tilespmem:s0+$0x20]  }
0x198: {  	v2 =	vld [tilespmem:s22+$0x20]  }
0x199: {  	v46 =	vmul.f32 v8, v0;
	v47 =	vmul.f32 v32, v4;
	v45 =	vld [tilespmem:s25+$0x20];
	[tilespmem:s24+$0xFFFFFFF0] =	vst v1  }
0x19a: {  	v0 =	vmul.f32 v32, v0;
	v4 =	vmul.f32 v8, v4;
	v1 =	vld [tilespmem:s10+$0x0]  }
0x19b: {  	v48 =	vmul.f32 v35, v33;
	v49 =	vmul.f32 v37, v9;
	v8 =	vld [tilespmem:s22+$0x0]  }
0x19c: {  	v37 =	vmul.f32 v37, v33;
	v9 =	vmul.f32 v35, v9;
	v32 =	vld [tilespmem:s0+$0x0]  }
0x19d: {  	v35 =	vmul.f32 v39, v7;
	v50 =	vmul.f32 v40, v36;
	v33 =	vld [tilespmem:s25+$0x0]  }
0x19e: {  	v7 =	vmul.f32 v40, v7;
	v36 =	vmul.f32 v39, v36;
	v51 =	vld [tilespmem:s10+$0x10]  }
0x19f: {  	v40 =	vmul.f32 v6, v41;
	v52 =	vmul.f32 v38, v43;
	v39 =	vld [tilespmem:s0+$0x10]  }
0x1a0: {  	v6 =	vmul.f32 v6, v43;
	v38 =	vmul.f32 v38, v41;
	v53 =	vld [tilespmem:s22+$0x10]  }
0x1a1: {  	v43 =	vmul.f32 v42, v5;
	v54 =	vmul.f32 v3, v34;
	v41 =	vld [tilespmem:s25+$0x10]  }
0x1a2: {  	s29 =	sadd.s32 $0x2, s29;
	v3 =	vmul.f32 v3, v5;
	v5 =	vmul.f32 v42, v34;
	v55 =	vld [tilespmem:s22+$0xFFFFFF80]  }
0x1a3: {  	p1 =	slt.u32 s29, $0x1E;
	v34 =	vmul.f32 v2, v10;
	v42 =	vmul.f32 v45, v44;
	v56 =	vld [tilespmem:s0+$0xFFFFFF80]  }
0x1a4: {  	v58 =	vmul.f32 v8, v1;
	v59 =	vmul.f32 v33, v32;
	v57 =	vld [tilespmem:s25+$0xFFFFFF80]  }
0x1a5: {  	v8 =	vmul.f32 v32, v8;
	v1 =	vmul.f32 v33, v1;
	v60 =	vld [tilespmem:s10+$0xFFFFFF90]  }
0x1a6: {  	v32 =	vmul.f32 v53, v51;
	v61 =	vld [tilespmem:s0+$0xFFFFFF90];
	v33 =	vmul.f32 v41, v39  }
0x1a7: {  	v41 =	vmul.f32 v41, v51;
	v39 =	vmul.f32 v53, v39;
	v62 =	vld [tilespmem:s22+$0xFFFFFF90]  }
0x1a8: {  	v1 =	vsub.f32 v1, v8;
	v8 =	vmul.f32 v45, v10;
	v53 =	vadd.f32 v59, v58;
	v51 =	vld [tilespmem:s25+$0xFFFFFF90]  }
0x1a9: {  	v2 =	vmul.f32 v2, v44;
	v32 =	vadd.f32 v33, v32;
	v33 =	vsub.f32 v41, v39;
	v10 =	vld [tilespmem:s10+$0xFFFFFF80]  }
0x1aa: {  	v34 =	vadd.f32 v42, v34;
	v1 =	vmul.f32 v1, v24;
	v39 =	vmul.f32 v53, v16;
	v44 =	vld [tilespmem:s10+$0xFFFFFFA0]  }
0x1ab: {  	v2 =	vsub.f32 v8, v2;
	v32 =	vmul.f32 v32, v17;
	v33 =	vmul.f32 v33, v25;
	v53 =	vld [tilespmem:s0+$0xFFFFFFA0]  }
0x1ac: {  	v3 =	vsub.f32 v3, v5;
	v34 =	vmul.f32 v34, v18;
	v41 =	vadd.f32 v54, v43;
	v8 =	vld [tilespmem:s22+$0xFFFFFFA0]  }
0x1ad: {  	v2 =	vmul.f32 v2, v26;
	v1 =	vadd.f32 v1, v39;
	v33 =	vadd.f32 v33, v32;
	v5 =	vld [tilespmem:s25+$0xFFFFFFA0]  }
0x1ae: {  	v40 =	vadd.f32 v52, v40;
	v6 =	vsub.f32 v38, v6;
	v39 =	vmul.f32 v41, v19;
	v58 =	vld [tilespmem:s10+$0xFFFFFFB0]  }
0x1af: {  	v3 =	vmul.f32 v3, v27;
	v2 =	vadd.f32 v2, v34;
	v1 =	vadd.f32 v33, v1;
	v32 =	vld [tilespmem:s0+$0xFFFFFFB0]  }
0x1b0: {  	v35 =	vadd.f32 v50, v35;
	v7 =	vsub.f32 v7, v36;
	v38 =	vmul.f32 v40, v20;
	v33 =	vld [tilespmem:s22+$0xFFFFFFB0]  }
0x1b1: {  	v1 =	vadd.f32 v2, v1;
	v2 =	vadd.f32 v3, v39;
	v3 =	vmul.f32 v6, v28;
	v59 =	vld [tilespmem:s25+$0xFFFFFFB0]  }
0x1b2: {  	v9 =	vsub.f32 v37, v9;
	v36 =	vadd.f32 v49, v48;
	v6 =	vmul.f32 v35, v21;
	v34 =	vld [tilespmem:s10+$0xFFFFFFC0]  }
0x1b3: {  	v1 =	vadd.f32 v2, v1;
	v2 =	vadd.f32 v3, v38;
	v3 =	vmul.f32 v7, v29;
	v35 =	vld [tilespmem:s0+$0xFFFFFFC0]  }
0x1b4: {  	v0 =	vsub.f32 v0, v4;
	v37 =	vadd.f32 v47, v46;
	v7 =	vmul.f32 v36, v22;
	v38 =	vld [tilespmem:s22+$0xFFFFFFC0]  }
0x1b5: {  	v1 =	vadd.f32 v2, v1;
	v2 =	vadd.f32 v3, v6;
	v3 =	vmul.f32 v9, v30;
	v42 =	vld [tilespmem:s25+$0xFFFFFFC0]  }
0x1b6: {  	v4 =	vmul.f32 v55, v10;
	v6 =	vmul.f32 v37, v23;
	v36 =	vld [tilespmem:s10+$0xFFFFFFD0]  }
0x1b7: {  	v0 =	vmul.f32 v0, v31;
	v1 =	vadd.f32 v2, v1;
	v2 =	vadd.f32 v3, v7;
	v37 =	vld [tilespmem:s0+$0xFFFFFFD0]  }
0x1b8: {  	v3 =	vmul.f32 v57, v56;
	v7 =	vmul.f32 v57, v10;
	v41 =	vld [tilespmem:s22+$0xFFFFFFD0]  }
0x1b9: {  	v9 =	vmul.f32 v56, v55;
	v0 =	vadd.f32 v0, v6;
	v1 =	vadd.f32 v2, v1;
	v45 =	vld [tilespmem:s25+$0xFFFFFFD0]  }
0x1ba: {  	v2 =	vadd.f32 v3, v4;
	v3 =	vmul.f32 v62, v60;
	v4 =	vmul.f32 v51, v61;
	v39 =	vld [tilespmem:s10+$0xFFFFFFE0]  }
0x1bb: {  	v6 =	vmul.f32 v51, v60;
	v10 =	vmul.f32 v62, v61;
	v0 =	vadd.f32 v0, v1;
	v40 =	vld [tilespmem:s0+$0xFFFFFFE0]  }
0x1bc: {  	s24 =	sadd.s32 $0x20, s24;
	v1 =	vsub.f32 v7, v9;
	v3 =	vadd.f32 v4, v3;
	v4 =	vmul.f32 v8, v44;
	v43 =	vld [tilespmem:s22+$0xFFFFFFE0]  }
.Ltmp1:
0x1bd: {  	v6 =	vsub.f32 v6, v10;
	v7 =	vmul.f32 v5, v53;
	v5 =	vmul.f32 v5, v44;
	v48 =	vld [tilespmem:s25+$0xFFFFFFE0];
	[tilespmem:s24+$0x0] =	vst v0;
	(pc) =	sbr.rel @p1 .LBB2_5-.Ltmp1, $4  }
0x1be: {  	v0 =	vmul.f32 v2, v16;
	v2 =	vmul.f32 v8, v53;
	v44 =	vld [tilespmem:s10+$0xFFFFFFF0]  }
0x1bf: {  	v1 =	vmul.f32 v1, v24;
	v51 =	vmul.f32 v3, v17;
	v54 =	vadd.f32 v7, v4;
	v46 =	vld [tilespmem:s0+$0xFFFFFFF0]  }
0x1c0: {  	v56 =	vmul.f32 v6, v25;
	v53 =	vmul.f32 v33, v58;
	v52 =	vsub.f32 v5, v2;
	v47 =	vld [tilespmem:s22+$0xFFFFFFF0]  }
0x1c1: {  	v57 =	vmul.f32 v59, v32;
	v55 =	vmul.f32 v59, v58;
	s10 =	sadd.s32 $0x100, s10;
	v50 =	vadd.f32 v1, v0;
	v49 =	vld [tilespmem:s25+$0xFFFFFFF0]  }
0x1c2: {  	v0 =	vmul.f32 v54, v18  }
0x1c3: {  	v2 =	vmul.f32 v33, v32;
	v3 =	vmul.f32 v52, v26  }
0x1c4: {  	v5 =	vmul.f32 v38, v34;
	v6 =	vmul.f32 v42, v35  }
0x1c5: {  	v7 =	vmul.f32 v42, v34;
	v8 =	vmul.f32 v38, v35  }
0x1c6: {  	v1 =	vadd.f32 v56, v51;
	v63 =	vmul.f32 v41, v36;
	v32 =	vmul.f32 v45, v37  }
0x1c7: {  	v33 =	vmul.f32 v45, v36;
	v4 =	vadd.f32 v57, v53;
	v2 =	vsub.f32 v55, v2  }
0x1c8: {  	v38 =	vmul.f32 v48, v40;
	v1 =	vadd.f32 v1, v50;
	v0 =	vadd.f32 v3, v0  }
0x1c9: {  	v62 =	vsub.f32 v7, v8;
	v8 =	vmul.f32 v41, v37;
	v37 =	vmul.f32 v43, v39  }
0x1ca: {  	v61 =	vadd.f32 v6, v5;
	v39 =	vmul.f32 v48, v39;
	v41 =	vmul.f32 v43, v40  }
0x1cb: {  	v36 =	vadd.f32 v32, v63;
	v60 =	vmul.f32 v4, v19;
	v42 =	vmul.f32 v47, v44  }
0x1cc: {  	v9 =	vmul.f32 v47, v46;
	v2 =	vmul.f32 v2, v27;
	v0 =	vadd.f32 v0, v1  }
0x1cd: {  	v34 =	vmul.f32 v61, v20;
	v35 =	vmul.f32 v62, v28;
	v1 =	vsub.f32 v33, v8  }
0x1ce: {  	v5 =	vmul.f32 v36, v21;
	v6 =	vadd.f32 v38, v37;
	v2 =	vadd.f32 v2, v60  }
0x1cf: {  	v8 =	vmul.f32 v49, v46;
	v43 =	vmul.f32 v49, v44;
	v3 =	vadd.f32 v35, v34  }
0x1d0: {  	v1 =	vmul.f32 v1, v29;
	v0 =	vadd.f32 v2, v0;
	v2 =	vsub.f32 v39, v41  }
0x1d1: {  	v44 =	vmul.f32 v6, v22;
	v45 =	vadd.f32 v8, v42;
	v4 =	vsub.f32 v43, v9  }
0x1d2: {  	v1 =	vadd.f32 v1, v5;
	v0 =	vadd.f32 v3, v0;
	v2 =	vmul.f32 v2, v30  }
0x1d3: {  	v47 =	vmul.f32 v45, v23  }
0x1d4: {  	v48 =	vmul.f32 v4, v31;
	v0 =	vadd.f32 v1, v0;
	v46 =	vadd.f32 v2, v44;
	_ =	sdelay $0x1  }
0x1d5: {  	v49 =	vadd.f32 v48, v47;
	v0 =	vadd.f32 v46, v0;
	_ =	sdelay $0x1  }
0x1d6: {  	v0 =	vadd.f32 v49, v0;
	_ =	sdelay $0x1  }
0x1d7: {  	s0 =	sadd.s32 @!p0 $0xA0, s7;
	s10 =	simm.s32 @!p0 $0x20;
	s22 =	simm.s32 @!p0 $0x4580;
	[tilespmem:s24+$0xFFFFFFF0] =	vst v0  }
0x1d8: {  	[tilespmem:s22], [sflag:$0x2] =	stream.indirect.gather @!p0 [hbm4b:s3+s10], $0x80, s0, s10, $0xb8;
	[tilespmem:$0x12780] =	vst v63  }
0x1d9: {  	s22 =	simm.s32 @!p0 $0x5580  }
0x1da: {  	[tilespmem:s22], [sflag:$0x2] =	stream.indirect.gather @!p0 [hbm4b:s4+s10], $0x80, s0, s10, $0xb8;
	[tilespmem:$0x12780] =	vst v63  }
0x1db: {  	s0 =	sadd.s32 @!p0 $0x2A0, s7;
	s22 =	simm.s32 @!p0 $0x6580  }
0x1dc: {  	[tilespmem:s22], [sflag:$0x2] =	stream.indirect.gather @!p0 [hbm4b:s3+s10], $0x80, s0, s10, $0xb8;
	[tilespmem:$0x12780] =	vst v63  }
0x1dd: {  	s22 =	simm.s32 @!p0 $0x7580  }
0x1de: {  	[tilespmem:s22], [sflag:$0x2] =	stream.indirect.gather @!p0 [hbm4b:s4+s10], $0x80, s0, s10, $0xb8;
	[tilespmem:$0x12780] =	vst v63  }
0x1df: {  	_ =	swait.ge [sflag:s19], $0x1000  }
0x1e0: {  	[sflag:s19] =	ssyncset.done $0x0  }
0x1e1: {  	[sflag:s19] =	ssyncadd.s32 $0xFFFFF000  }
0x1e2: {  	_ =	swait.ge [sflag:s19], $0x1000  }
0x1e3: {  	[sflag:s19] =	ssyncset.done $0x0  }
0x1e4: {  	[sflag:s19] =	ssyncadd.s32 $0xFFFFF000  }
0x1e5: {  	_ =	swait.ge [sflag:s19], $0x1000  }
0x1e6: {  	[sflag:s19] =	ssyncset.done $0x0  }
0x1e7: {  	[sflag:s19] =	ssyncadd.s32 $0xFFFFF000  }
0x1e8: {  	_ =	swait.ge [sflag:s19], $0x1000  }
0x1e9: {  	[sflag:s19] =	ssyncset.done $0x0  }
0x1ea: {  	s24 =	simm.s32 $0x8600;
	[sflag:s19] =	ssyncadd.s32 $0xFFFFF000  }
0x1eb: {  	s0 =	simm.s32 $0x9600;
	v50 =	vld [tilespmem:s24+$0x70]  }
0x1ec: {  	s22 =	simm.s32 $0xA600;
	v1 =	vld [tilespmem:s0+$0x70]  }
0x1ed: {  	s25 =	simm.s32 $0xB600;
	v2 =	vld [tilespmem:s22+$0x70]  }
0x1ee: {  	v51 =	vld [tilespmem:s25+$0x70]  }
0x1ef: {  	v52 =	vld [tilespmem:s24+$0x60]  }
0x1f0: {  	v53 =	vld [tilespmem:s0+$0x60]  }
0x1f1: {  	v54 =	vld [tilespmem:s22+$0x60]  }
0x1f2: {  	v55 =	vld [tilespmem:s25+$0x60]  }
0x1f3: {  	v8 =	vld [tilespmem:s24+$0x50]  }
0x1f4: {  	v9 =	vld [tilespmem:s0+$0x50]  }
0x1f5: {  	v10 =	vld [tilespmem:s22+$0x50]  }
0x1f6: {  	v56 =	vld [tilespmem:s25+$0x50]  }
0x1f7: {  	v33 =	vld [tilespmem:s24+$0x40]  }
0x1f8: {  	v57 =	vld [tilespmem:s0+$0x40]  }
0x1f9: {  	v58 =	vld [tilespmem:s22+$0x40]  }
0x1fa: {  	v59 =	vld [tilespmem:s25+$0x40]  }
0x1fb: {  	v60 =	vld [tilespmem:s24+$0x30]  }
0x1fc: {  	v61 =	vld [tilespmem:s0+$0x30]  }
0x1fd: {  	v62 =	vld [tilespmem:s22+$0x30]  }
0x1fe: {  	v63 =	vld [tilespmem:s25+$0x30]  }
0x1ff: {  	v41 =	vld [tilespmem:s24+$0x20]  }
0x200: {  	v42 =	vld [tilespmem:s0+$0x20]  }
0x201: {  	v43 =	vld [tilespmem:s22+$0x20]  }
0x202: {  	v44 =	vld [tilespmem:s25+$0x20]  }
0x203: {  	v47 =	vld [tilespmem:s24+$0x0];
	v45 =	vmul.f32 v2, v50  }
0x204: {  	v3 =	vld [tilespmem:s22+$0x0];
	v46 =	vmul.f32 v51, v1;
	v0 =	vmul.f32 v51, v50  }
0x205: {  	v6 =	vld [tilespmem:s25+$0x0];
	v48 =	vmul.f32 v54, v52;
	v49 =	vmul.f32 v55, v53  }
0x206: {  	v35 =	vld [tilespmem:s25+$0x10];
	v4 =	vmul.f32 v55, v52;
	v5 =	vmul.f32 v54, v53  }
0x207: {  	v39 =	vld [tilespmem:s0+$0xFFFFFF80];
	v7 =	vmul.f32 v10, v8;
	v51 =	vmul.f32 v56, v9  }
0x208: {  	v50 =	vld [tilespmem:s0+$0x0];
	v8 =	vmul.f32 v56, v8;
	v9 =	vmul.f32 v10, v9  }
0x209: {  	v52 =	vld [tilespmem:s24+$0x10];
	v32 =	vmul.f32 v58, v33;
	v53 =	vmul.f32 v59, v57  }
0x20a: {  	v10 =	vld [tilespmem:s0+$0x10];
	v33 =	vmul.f32 v59, v33;
	v34 =	vmul.f32 v58, v57  }
0x20b: {  	v54 =	vld [tilespmem:s22+$0x10];
	v36 =	vmul.f32 v62, v60;
	v55 =	vmul.f32 v63, v61  }
0x20c: {  	v56 =	vld [tilespmem:s22+$0xFFFFFF80];
	v37 =	vmul.f32 v63, v60;
	v38 =	vmul.f32 v62, v61  }
0x20d: {  	v40 =	vmul.f32 v43, v41;
	v57 =	vmul.f32 v44, v42;
	v58 =	vld [tilespmem:s25+$0xFFFFFF80]  }
0x20e: {  	v59 =	vmul.f32 v3, v47;
	v61 =	vld [tilespmem:s24+$0xFFFFFF90];
	v36 =	vadd.f32 v55, v36;
	v7 =	vadd.f32 v51, v7  }
0x20f: {  	v1 =	vmul.f32 v2, v1;
	v40 =	vadd.f32 v57, v40;
	v57 =	vld [tilespmem:s0+$0xFFFFFFA0];
	v4 =	vsub.f32 v4, v5  }
0x210: {  	v55 =	vld [tilespmem:s25+$0xFFFFFFA0];
	v36 =	vmul.f32 v36, v19;
	v7 =	vmul.f32 v7, v21  }
0x211: {  	v34 =	vsub.f32 v33, v34;
	v33 =	vld [tilespmem:s22+$0xFFFFFFB0];
	v4 =	vmul.f32 v4, v30;
	v60 =	vmul.f32 v6, v50  }
0x212: {  	v8 =	vsub.f32 v8, v9;
	v9 =	vld [tilespmem:s25+$0xFFFFFFB0];
	v6 =	vmul.f32 v6, v47;
	v3 =	vmul.f32 v50, v3  }
0x213: {  	v37 =	vsub.f32 v37, v38;
	v38 =	vld [tilespmem:s22+$0xFFFFFFC0];
	v50 =	vmul.f32 v54, v52;
	v62 =	vmul.f32 v35, v10  }
0x214: {  	v47 =	vld [tilespmem:s0+$0xFFFFFF90];
	v35 =	vmul.f32 v35, v52;
	v10 =	vmul.f32 v54, v10  }
0x215: {  	v52 =	vld [tilespmem:s22+$0xFFFFFF90];
	v59 =	vadd.f32 v60, v59;
	v3 =	vsub.f32 v6, v3;
	v6 =	vmul.f32 v44, v41  }
0x216: {  	v54 =	vld [tilespmem:s25+$0xFFFFFF90];
	v60 =	vadd.f32 v62, v50;
	v10 =	vsub.f32 v35, v10;
	v62 =	vmul.f32 v43, v42  }
0x217: {  	v0 =	vsub.f32 v0, v1;
	v44 =	vld [tilespmem:s24+$0xFFFFFF80];
	v63 =	vmul.f32 v59, v16;
	v3 =	vmul.f32 v3, v24  }
0x218: {  	v50 =	vld [tilespmem:s24+$0xFFFFFFA0];
	v41 =	vmul.f32 v60, v17;
	v10 =	vmul.f32 v10, v25;
	v6 =	vsub.f32 v6, v62  }
0x219: {  	v0 =	vmul.f32 v0, v31;
	v43 =	vmul.f32 v40, v18;
	v40 =	vadd.f32 v53, v32;
	v32 =	vld [tilespmem:s0+$0xFFFFFFB0]  }
0x21a: {  	v35 =	vld [tilespmem:s0+$0xFFFFFFC0];
	v3 =	vadd.f32 v3, v63;
	v10 =	vadd.f32 v10, v41;
	v6 =	vmul.f32 v6, v26  }
0x21b: {  	v59 =	vld [tilespmem:s22+$0xFFFFFFA0];
	v41 =	vmul.f32 v40, v20;
	v63 =	vmul.f32 v58, v39  }
0x21c: {  	v60 =	vld [tilespmem:s24+$0xFFFFFFB0];
	v3 =	vadd.f32 v10, v3;
	v6 =	vadd.f32 v6, v43;
	v10 =	vmul.f32 v37, v27  }
0x21d: {  	v40 =	vld [tilespmem:s0+$0xFFFFFFE0];
	v1 =	vmul.f32 v56, v44;
	v43 =	vadd.f32 v49, v48;
	v49 =	vmul.f32 v8, v29  }
0x21e: {  	v37 =	vld [tilespmem:s0+$0xFFFFFFD0];
	v3 =	vadd.f32 v6, v3;
	v42 =	vadd.f32 v10, v36;
	v10 =	vmul.f32 v34, v28  }
0x21f: {  	v8 =	vadd.f32 v46, v45;
	v45 =	vld [tilespmem:s25+$0xFFFFFFD0];
	v1 =	vadd.f32 v63, v1;
	v63 =	vmul.f32 v55, v50  }
0x220: {  	v46 =	vld [tilespmem:s0+$0xFFFFFFF0];
	v51 =	vmul.f32 v43, v22;
	v3 =	vadd.f32 v42, v3;
	v48 =	vadd.f32 v10, v41  }
0x221: {  	v34 =	vld [tilespmem:s24+$0xFFFFFFC0];
	v53 =	vadd.f32 v49, v7;
	v62 =	vmul.f32 v8, v23;
	v49 =	vmul.f32 v39, v56  }
0x222: {  	v36 =	vld [tilespmem:s24+$0xFFFFFFD0];
	v56 =	vmul.f32 v54, v61;
	v8 =	vmul.f32 v52, v47;
	v3 =	vadd.f32 v48, v3  }
0x223: {  	v39 =	vld [tilespmem:s24+$0xFFFFFFE0];
	v1 =	vmul.f32 v1, v16;
	v2 =	vadd.f32 v4, v51;
	v0 =	vadd.f32 v0, v62  }
0x224: {  	v43 =	vld [tilespmem:s22+$0xFFFFFFE0];
	v51 =	vmul.f32 v52, v61;
	v48 =	vmul.f32 v58, v44;
	v3 =	vadd.f32 v53, v3  }
0x225: {  	v42 =	vld [tilespmem:s25+$0xFFFFFFC0];
	v61 =	vmul.f32 v59, v50;
	v4 =	vsub.f32 v56, v8;
	v53 =	vmul.f32 v54, v47  }
0x226: {  	v41 =	vld [tilespmem:s22+$0xFFFFFFD0];
	v62 =	vmul.f32 v55, v57;
	v58 =	vsub.f32 v48, v49;
	v2 =	vadd.f32 v2, v3  }
0x227: {  	v8 =	vmul.f32 v59, v57;
	v57 =	vmul.f32 v9, v32;
	v44 =	vld [tilespmem:s24+$0xFFFFFFF0];
	v3 =	vadd.f32 v53, v51  }
0x228: {  	v55 =	vmul.f32 v9, v60;
	v48 =	vld [tilespmem:s25+$0xFFFFFFE0];
	v0 =	vadd.f32 v0, v2;
	v2 =	vmul.f32 v58, v24  }
0x229: {  	v56 =	vmul.f32 v4, v25;
	v54 =	vadd.f32 v62, v61;
	v47 =	vld [tilespmem:s22+$0xFFFFFFF0];
	v51 =	vmul.f32 v3, v17  }
0x22a: {  	s29 =	simm.s32 $0x0;
	s10 =	simm.s32 $0x8700;
	v52 =	vsub.f32 v63, v8;
	s24 =	smov.u32 s28;
	v49 =	vld [tilespmem:s25+$0xFFFFFFF0];
	v53 =	vmul.f32 v33, v60;
	[tilespmem:s28+$0x0] =	vst v0;
	v50 =	vadd.f32 v2, v1  }
.LBB2_7:
0x22b: {  	v0 =	vld [tilespmem:s10+$0x70];
	v1 =	vadd.f32 v56, v51;
	v2 =	vmul.f32 v54, v18;
	v3 =	vmul.f32 v33, v32;
	s0 =	sadd.s32 $0x100, s0  }
0x22c: {  	v5 =	vmul.f32 v52, v26;
	v7 =	vmul.f32 v38, v34;
	s22 =	sadd.s32 $0x100, s22;
	v4 =	vld [tilespmem:s0+$0x70];
	v6 =	vadd.f32 v57, v53  }
0x22d: {  	v9 =	vmul.f32 v42, v35;
	v10 =	vmul.f32 v42, v34;
	s25 =	sadd.s32 $0x100, s25;
	v8 =	vld [tilespmem:s22+$0x70];
	v3 =	vsub.f32 v55, v3  }
0x22e: {  	v1 =	vadd.f32 v1, v50;
	v2 =	vadd.f32 v5, v2;
	v5 =	vmul.f32 v38, v35;
	v32 =	vld [tilespmem:s25+$0x70]  }
0x22f: {  	v7 =	vadd.f32 v9, v7;
	v6 =	vmul.f32 v6, v19;
	v33 =	vld [tilespmem:s10+$0x60];
	v3 =	vmul.f32 v3, v27  }
0x230: {  	v34 =	vmul.f32 v45, v37;
	v5 =	vsub.f32 v10, v5;
	v10 =	vmul.f32 v41, v36;
	v9 =	vld [tilespmem:s0+$0x60]  }
0x231: {  	v1 =	vadd.f32 v2, v1;
	v2 =	vmul.f32 v45, v36;
	v36 =	vmul.f32 v41, v37;
	v35 =	vld [tilespmem:s22+$0x60]  }
0x232: {  	v3 =	vadd.f32 v3, v6;
	v6 =	vmul.f32 v7, v20;
	v5 =	vmul.f32 v5, v28;
	v37 =	vld [tilespmem:s25+$0x60]  }
0x233: {  	v10 =	vadd.f32 v34, v10;
	v2 =	vsub.f32 v2, v36;
	v34 =	vmul.f32 v43, v39;
	v7 =	vld [tilespmem:s10+$0x50]  }
0x234: {  	v38 =	vmul.f32 v48, v39;
	v1 =	vadd.f32 v3, v1;
	v3 =	vmul.f32 v48, v40;
	v36 =	vld [tilespmem:s0+$0x50]  }
0x235: {  	v5 =	vadd.f32 v5, v6;
	v6 =	vmul.f32 v10, v21;
	v10 =	vmul.f32 v43, v40;
	v39 =	vld [tilespmem:s22+$0x50]  }
0x236: {  	v2 =	vmul.f32 v2, v29;
	v3 =	vadd.f32 v3, v34;
	v34 =	vmul.f32 v47, v44;
	v40 =	vld [tilespmem:s25+$0x50]  }
0x237: {  	v42 =	vmul.f32 v49, v44;
	v10 =	vsub.f32 v38, v10;
	v38 =	vmul.f32 v49, v46;
	v41 =	vld [tilespmem:s10+$0x40]  }
0x238: {  	v1 =	vadd.f32 v5, v1;
	v2 =	vadd.f32 v2, v6;
	v5 =	vmul.f32 v47, v46;
	v43 =	vld [tilespmem:s0+$0x40]  }
0x239: {  	v3 =	vmul.f32 v3, v22;
	v10 =	vmul.f32 v10, v30;
	v34 =	vadd.f32 v38, v34;
	v6 =	vld [tilespmem:s22+$0x40]  }
0x23a: {  	v1 =	vadd.f32 v2, v1;
	v2 =	vsub.f32 v42, v5;
	v38 =	vld [tilespmem:s25+$0x40]  }
0x23b: {  	v3 =	vadd.f32 v10, v3;
	v10 =	vmul.f32 v34, v23;
	v5 =	vld [tilespmem:s10+$0x30]  }
0x23c: {  	v2 =	vmul.f32 v2, v31;
	v34 =	vld [tilespmem:s0+$0x30]  }
0x23d: {  	v1 =	vadd.f32 v3, v1;
	v42 =	vld [tilespmem:s22+$0x30]  }
0x23e: {  	v2 =	vadd.f32 v2, v10;
	v3 =	vld [tilespmem:s25+$0x30]  }
0x23f: {  	v10 =	vld [tilespmem:s10+$0x20]  }
0x240: {  	v1 =	vadd.f32 v2, v1;
	v44 =	vld [tilespmem:s0+$0x20]  }
0x241: {  	v2 =	vld [tilespmem:s22+$0x20]  }
0x242: {  	v46 =	vmul.f32 v8, v0;
	v47 =	vmul.f32 v32, v4;
	v45 =	vld [tilespmem:s25+$0x20];
	[tilespmem:s24+$0xFFFFFFF0] =	vst v1  }
0x243: {  	v0 =	vmul.f32 v32, v0;
	v4 =	vmul.f32 v8, v4;
	v1 =	vld [tilespmem:s10+$0x0]  }
0x244: {  	v48 =	vmul.f32 v35, v33;
	v49 =	vmul.f32 v37, v9;
	v8 =	vld [tilespmem:s22+$0x0]  }
0x245: {  	v37 =	vmul.f32 v37, v33;
	v9 =	vmul.f32 v35, v9;
	v32 =	vld [tilespmem:s0+$0x0]  }
0x246: {  	v35 =	vmul.f32 v39, v7;
	v50 =	vmul.f32 v40, v36;
	v33 =	vld [tilespmem:s25+$0x0]  }
0x247: {  	v7 =	vmul.f32 v40, v7;
	v36 =	vmul.f32 v39, v36;
	v51 =	vld [tilespmem:s10+$0x10]  }
0x248: {  	v40 =	vmul.f32 v6, v41;
	v52 =	vmul.f32 v38, v43;
	v39 =	vld [tilespmem:s0+$0x10]  }
0x249: {  	v6 =	vmul.f32 v6, v43;
	v38 =	vmul.f32 v38, v41;
	v53 =	vld [tilespmem:s22+$0x10]  }
0x24a: {  	v43 =	vmul.f32 v42, v5;
	v54 =	vmul.f32 v3, v34;
	v41 =	vld [tilespmem:s25+$0x10]  }
0x24b: {  	s29 =	sadd.s32 $0x2, s29;
	v3 =	vmul.f32 v3, v5;
	v5 =	vmul.f32 v42, v34;
	v55 =	vld [tilespmem:s22+$0xFFFFFF80]  }
0x24c: {  	p1 =	slt.u32 s29, $0x1E;
	v34 =	vmul.f32 v2, v10;
	v42 =	vmul.f32 v45, v44;
	v56 =	vld [tilespmem:s0+$0xFFFFFF80]  }
0x24d: {  	v58 =	vmul.f32 v8, v1;
	v59 =	vmul.f32 v33, v32;
	v57 =	vld [tilespmem:s25+$0xFFFFFF80]  }
0x24e: {  	v8 =	vmul.f32 v32, v8;
	v1 =	vmul.f32 v33, v1;
	v60 =	vld [tilespmem:s10+$0xFFFFFF90]  }
0x24f: {  	v32 =	vmul.f32 v53, v51;
	v61 =	vld [tilespmem:s0+$0xFFFFFF90];
	v33 =	vmul.f32 v41, v39  }
0x250: {  	v41 =	vmul.f32 v41, v51;
	v39 =	vmul.f32 v53, v39;
	v62 =	vld [tilespmem:s22+$0xFFFFFF90]  }
0x251: {  	v1 =	vsub.f32 v1, v8;
	v8 =	vmul.f32 v45, v10;
	v53 =	vadd.f32 v59, v58;
	v51 =	vld [tilespmem:s25+$0xFFFFFF90]  }
0x252: {  	v2 =	vmul.f32 v2, v44;
	v32 =	vadd.f32 v33, v32;
	v33 =	vsub.f32 v41, v39;
	v10 =	vld [tilespmem:s10+$0xFFFFFF80]  }
0x253: {  	v34 =	vadd.f32 v42, v34;
	v1 =	vmul.f32 v1, v24;
	v39 =	vmul.f32 v53, v16;
	v44 =	vld [tilespmem:s10+$0xFFFFFFA0]  }
0x254: {  	v2 =	vsub.f32 v8, v2;
	v32 =	vmul.f32 v32, v17;
	v33 =	vmul.f32 v33, v25;
	v53 =	vld [tilespmem:s0+$0xFFFFFFA0]  }
0x255: {  	v3 =	vsub.f32 v3, v5;
	v34 =	vmul.f32 v34, v18;
	v41 =	vadd.f32 v54, v43;
	v8 =	vld [tilespmem:s22+$0xFFFFFFA0]  }
0x256: {  	v2 =	vmul.f32 v2, v26;
	v1 =	vadd.f32 v1, v39;
	v33 =	vadd.f32 v33, v32;
	v5 =	vld [tilespmem:s25+$0xFFFFFFA0]  }
0x257: {  	v40 =	vadd.f32 v52, v40;
	v6 =	vsub.f32 v38, v6;
	v39 =	vmul.f32 v41, v19;
	v58 =	vld [tilespmem:s10+$0xFFFFFFB0]  }
0x258: {  	v3 =	vmul.f32 v3, v27;
	v2 =	vadd.f32 v2, v34;
	v1 =	vadd.f32 v33, v1;
	v32 =	vld [tilespmem:s0+$0xFFFFFFB0]  }
0x259: {  	v35 =	vadd.f32 v50, v35;
	v7 =	vsub.f32 v7, v36;
	v38 =	vmul.f32 v40, v20;
	v33 =	vld [tilespmem:s22+$0xFFFFFFB0]  }
0x25a: {  	v1 =	vadd.f32 v2, v1;
	v2 =	vadd.f32 v3, v39;
	v3 =	vmul.f32 v6, v28;
	v59 =	vld [tilespmem:s25+$0xFFFFFFB0]  }
0x25b: {  	v9 =	vsub.f32 v37, v9;
	v36 =	vadd.f32 v49, v48;
	v6 =	vmul.f32 v35, v21;
	v34 =	vld [tilespmem:s10+$0xFFFFFFC0]  }
0x25c: {  	v1 =	vadd.f32 v2, v1;
	v2 =	vadd.f32 v3, v38;
	v3 =	vmul.f32 v7, v29;
	v35 =	vld [tilespmem:s0+$0xFFFFFFC0]  }
0x25d: {  	v0 =	vsub.f32 v0, v4;
	v37 =	vadd.f32 v47, v46;
	v7 =	vmul.f32 v36, v22;
	v38 =	vld [tilespmem:s22+$0xFFFFFFC0]  }
0x25e: {  	v1 =	vadd.f32 v2, v1;
	v2 =	vadd.f32 v3, v6;
	v3 =	vmul.f32 v9, v30;
	v42 =	vld [tilespmem:s25+$0xFFFFFFC0]  }
0x25f: {  	v4 =	vmul.f32 v55, v10;
	v6 =	vmul.f32 v37, v23;
	v36 =	vld [tilespmem:s10+$0xFFFFFFD0]  }
0x260: {  	v0 =	vmul.f32 v0, v31;
	v1 =	vadd.f32 v2, v1;
	v2 =	vadd.f32 v3, v7;
	v37 =	vld [tilespmem:s0+$0xFFFFFFD0]  }
0x261: {  	v3 =	vmul.f32 v57, v56;
	v7 =	vmul.f32 v57, v10;
	v41 =	vld [tilespmem:s22+$0xFFFFFFD0]  }
0x262: {  	v9 =	vmul.f32 v56, v55;
	v0 =	vadd.f32 v0, v6;
	v1 =	vadd.f32 v2, v1;
	v45 =	vld [tilespmem:s25+$0xFFFFFFD0]  }
0x263: {  	v2 =	vadd.f32 v3, v4;
	v3 =	vmul.f32 v62, v60;
	v4 =	vmul.f32 v51, v61;
	v39 =	vld [tilespmem:s10+$0xFFFFFFE0]  }
0x264: {  	v6 =	vmul.f32 v51, v60;
	v10 =	vmul.f32 v62, v61;
	v0 =	vadd.f32 v0, v1;
	v40 =	vld [tilespmem:s0+$0xFFFFFFE0]  }
0x265: {  	s24 =	sadd.s32 $0x20, s24;
	v1 =	vsub.f32 v7, v9;
	v3 =	vadd.f32 v4, v3;
	v4 =	vmul.f32 v8, v44;
	v43 =	vld [tilespmem:s22+$0xFFFFFFE0]  }
.Ltmp2:
0x266: {  	v6 =	vsub.f32 v6, v10;
	v7 =	vmul.f32 v5, v53;
	v5 =	vmul.f32 v5, v44;
	v48 =	vld [tilespmem:s25+$0xFFFFFFE0];
	[tilespmem:s24+$0x0] =	vst v0;
	(pc) =	sbr.rel @p1 .LBB2_7-.Ltmp2, $4  }
0x267: {  	v0 =	vmul.f32 v2, v16;
	v2 =	vmul.f32 v8, v53;
	v44 =	vld [tilespmem:s10+$0xFFFFFFF0]  }
0x268: {  	v1 =	vmul.f32 v1, v24;
	v51 =	vmul.f32 v3, v17;
	v54 =	vadd.f32 v7, v4;
	v46 =	vld [tilespmem:s0+$0xFFFFFFF0]  }
0x269: {  	v56 =	vmul.f32 v6, v25;
	v53 =	vmul.f32 v33, v58;
	v52 =	vsub.f32 v5, v2;
	v47 =	vld [tilespmem:s22+$0xFFFFFFF0]  }
0x26a: {  	v57 =	vmul.f32 v59, v32;
	v55 =	vmul.f32 v59, v58;
	s10 =	sadd.s32 $0x100, s10;
	v50 =	vadd.f32 v1, v0;
	v49 =	vld [tilespmem:s25+$0xFFFFFFF0]  }
0x26b: {  	v0 =	vmul.f32 v54, v18  }
0x26c: {  	v2 =	vmul.f32 v33, v32;
	v3 =	vmul.f32 v52, v26  }
0x26d: {  	v5 =	vmul.f32 v38, v34;
	v6 =	vmul.f32 v42, v35  }
0x26e: {  	v7 =	vmul.f32 v42, v34;
	v8 =	vmul.f32 v38, v35  }
0x26f: {  	v1 =	vadd.f32 v56, v51;
	v63 =	vmul.f32 v41, v36;
	v32 =	vmul.f32 v45, v37  }
0x270: {  	v33 =	vmul.f32 v45, v36;
	v4 =	vadd.f32 v57, v53;
	v2 =	vsub.f32 v55, v2  }
0x271: {  	v38 =	vmul.f32 v48, v40;
	v1 =	vadd.f32 v1, v50;
	v0 =	vadd.f32 v3, v0  }
0x272: {  	v62 =	vsub.f32 v7, v8;
	v8 =	vmul.f32 v41, v37;
	v37 =	vmul.f32 v43, v39  }
0x273: {  	v61 =	vadd.f32 v6, v5;
	v39 =	vmul.f32 v48, v39;
	v41 =	vmul.f32 v43, v40  }
0x274: {  	v36 =	vadd.f32 v32, v63;
	v60 =	vmul.f32 v4, v19;
	v42 =	vmul.f32 v47, v44  }
0x275: {  	v9 =	vmul.f32 v47, v46;
	v2 =	vmul.f32 v2, v27;
	v0 =	vadd.f32 v0, v1  }
0x276: {  	v34 =	vmul.f32 v61, v20;
	v35 =	vmul.f32 v62, v28;
	v1 =	vsub.f32 v33, v8  }
0x277: {  	v5 =	vmul.f32 v36, v21;
	v6 =	vadd.f32 v38, v37;
	v2 =	vadd.f32 v2, v60  }
0x278: {  	v8 =	vmul.f32 v49, v46;
	v43 =	vmul.f32 v49, v44;
	v3 =	vadd.f32 v35, v34  }
0x279: {  	v1 =	vmul.f32 v1, v29;
	v0 =	vadd.f32 v2, v0;
	v2 =	vsub.f32 v39, v41  }
0x27a: {  	v44 =	vmul.f32 v6, v22;
	v45 =	vadd.f32 v8, v42;
	v4 =	vsub.f32 v43, v9  }
0x27b: {  	v1 =	vadd.f32 v1, v5;
	v0 =	vadd.f32 v3, v0;
	v2 =	vmul.f32 v2, v30  }
0x27c: {  	v47 =	vmul.f32 v45, v23  }
0x27d: {  	v48 =	vmul.f32 v4, v31;
	v0 =	vadd.f32 v1, v0;
	v46 =	vadd.f32 v2, v44;
	_ =	sdelay $0x1  }
0x27e: {  	v49 =	vadd.f32 v48, v47;
	v0 =	vadd.f32 v46, v0;
	_ =	sdelay $0x1  }
0x27f: {  	v0 =	vadd.f32 v49, v0;
	_ =	sdelay $0x1  }
0x280: {  	s0 =	sadd.s32 @!p0 $0xC0, s7;
	s10 =	simm.s32 @!p0 $0x20;
	s22 =	simm.s32 @!p0 $0x8580;
	[tilespmem:s24+$0xFFFFFFF0] =	vst v0  }
0x281: {  	[tilespmem:s22], [sflag:$0x3] =	stream.indirect.gather @!p0 [hbm4b:s3+s10], $0x80, s0, s10, $0xb8;
	[tilespmem:$0x12780] =	vst v63  }
0x282: {  	s22 =	simm.s32 @!p0 $0x9580  }
0x283: {  	[tilespmem:s22], [sflag:$0x3] =	stream.indirect.gather @!p0 [hbm4b:s4+s10], $0x80, s0, s10, $0xb8;
	[tilespmem:$0x12780] =	vst v63  }
0x284: {  	s0 =	sadd.s32 @!p0 $0x2C0, s7;
	s7 =	simm.s32 @!p0 $0xA580  }
0x285: {  	[tilespmem:s7], [sflag:$0x3] =	stream.indirect.gather @!p0 [hbm4b:s3+s10], $0x80, s0, s10, $0xb8;
	[tilespmem:$0x12780] =	vst v63  }
0x286: {  	s7 =	simm.s32 @!p0 $0xB580  }
0x287: {  	[tilespmem:s7], [sflag:$0x3] =	stream.indirect.gather @!p0 [hbm4b:s4+s10], $0x80, s0, s10, $0xb8;
	[tilespmem:$0x12780] =	vst v63  }
0x288: {  	_ =	swait.ge [sflag:s20], $0x1000  }
0x289: {  	[sflag:s20] =	ssyncset.done $0x0  }
0x28a: {  	[sflag:s20] =	ssyncadd.s32 $0xFFFFF000  }
0x28b: {  	_ =	swait.ge [sflag:s20], $0x1000  }
0x28c: {  	[sflag:s20] =	ssyncset.done $0x0  }
0x28d: {  	[sflag:s20] =	ssyncadd.s32 $0xFFFFF000  }
0x28e: {  	_ =	swait.ge [sflag:s20], $0x1000  }
0x28f: {  	[sflag:s20] =	ssyncset.done $0x0  }
0x290: {  	[sflag:s20] =	ssyncadd.s32 $0xFFFFF000  }
0x291: {  	_ =	swait.ge [sflag:s20], $0x1000  }
0x292: {  	[sflag:s20] =	ssyncset.done $0x0  }
0x293: {  	s29 =	simm.s32 $0xC600;
	[sflag:s20] =	ssyncadd.s32 $0xFFFFF000  }
0x294: {  	s0 =	simm.s32 $0xD600;
	v50 =	vld [tilespmem:s29+$0x70]  }
0x295: {  	s7 =	simm.s32 $0xE600;
	v1 =	vld [tilespmem:s0+$0x70]  }
0x296: {  	s22 =	simm.s32 $0xF600;
	v2 =	vld [tilespmem:s7+$0x70]  }
0x297: {  	v51 =	vld [tilespmem:s22+$0x70]  }
0x298: {  	v52 =	vld [tilespmem:s29+$0x60]  }
0x299: {  	v53 =	vld [tilespmem:s0+$0x60]  }
0x29a: {  	v54 =	vld [tilespmem:s7+$0x60]  }
0x29b: {  	v55 =	vld [tilespmem:s22+$0x60]  }
0x29c: {  	v8 =	vld [tilespmem:s29+$0x50]  }
0x29d: {  	v9 =	vld [tilespmem:s0+$0x50]  }
0x29e: {  	v10 =	vld [tilespmem:s7+$0x50]  }
0x29f: {  	v56 =	vld [tilespmem:s22+$0x50]  }
0x2a0: {  	v33 =	vld [tilespmem:s29+$0x40]  }
0x2a1: {  	v57 =	vld [tilespmem:s0+$0x40]  }
0x2a2: {  	v58 =	vld [tilespmem:s7+$0x40]  }
0x2a3: {  	v59 =	vld [tilespmem:s22+$0x40]  }
0x2a4: {  	v60 =	vld [tilespmem:s29+$0x30]  }
0x2a5: {  	v61 =	vld [tilespmem:s0+$0x30]  }
0x2a6: {  	v62 =	vld [tilespmem:s7+$0x30]  }
0x2a7: {  	v63 =	vld [tilespmem:s22+$0x30]  }
0x2a8: {  	v41 =	vld [tilespmem:s29+$0x20]  }
0x2a9: {  	v42 =	vld [tilespmem:s0+$0x20]  }
0x2aa: {  	v43 =	vld [tilespmem:s7+$0x20]  }
0x2ab: {  	v44 =	vld [tilespmem:s22+$0x20]  }
0x2ac: {  	v47 =	vld [tilespmem:s29+$0x0];
	v45 =	vmul.f32 v2, v50  }
0x2ad: {  	v3 =	vld [tilespmem:s7+$0x0];
	v46 =	vmul.f32 v51, v1;
	v0 =	vmul.f32 v51, v50  }
0x2ae: {  	v6 =	vld [tilespmem:s22+$0x0];
	v48 =	vmul.f32 v54, v52;
	v49 =	vmul.f32 v55, v53  }
0x2af: {  	v35 =	vld [tilespmem:s22+$0x10];
	v4 =	vmul.f32 v55, v52;
	v5 =	vmul.f32 v54, v53  }
0x2b0: {  	v39 =	vld [tilespmem:s0+$0xFFFFFF80];
	v7 =	vmul.f32 v10, v8;
	v51 =	vmul.f32 v56, v9  }
0x2b1: {  	v50 =	vld [tilespmem:s0+$0x0];
	v8 =	vmul.f32 v56, v8;
	v9 =	vmul.f32 v10, v9  }
0x2b2: {  	v52 =	vld [tilespmem:s29+$0x10];
	v32 =	vmul.f32 v58, v33;
	v53 =	vmul.f32 v59, v57  }
0x2b3: {  	v10 =	vld [tilespmem:s0+$0x10];
	v33 =	vmul.f32 v59, v33;
	v34 =	vmul.f32 v58, v57  }
0x2b4: {  	v54 =	vld [tilespmem:s7+$0x10];
	v36 =	vmul.f32 v62, v60;
	v55 =	vmul.f32 v63, v61  }
0x2b5: {  	v56 =	vld [tilespmem:s7+$0xFFFFFF80];
	v37 =	vmul.f32 v63, v60;
	v38 =	vmul.f32 v62, v61  }
0x2b6: {  	v40 =	vmul.f32 v43, v41;
	v57 =	vmul.f32 v44, v42;
	v58 =	vld [tilespmem:s22+$0xFFFFFF80]  }
0x2b7: {  	v59 =	vmul.f32 v3, v47;
	v61 =	vld [tilespmem:s29+$0xFFFFFF90];
	v36 =	vadd.f32 v55, v36;
	v7 =	vadd.f32 v51, v7  }
0x2b8: {  	v1 =	vmul.f32 v2, v1;
	v40 =	vadd.f32 v57, v40;
	v57 =	vld [tilespmem:s0+$0xFFFFFFA0];
	v4 =	vsub.f32 v4, v5  }
0x2b9: {  	v55 =	vld [tilespmem:s22+$0xFFFFFFA0];
	v36 =	vmul.f32 v36, v19;
	v7 =	vmul.f32 v7, v21  }
0x2ba: {  	v34 =	vsub.f32 v33, v34;
	v33 =	vld [tilespmem:s7+$0xFFFFFFB0];
	v4 =	vmul.f32 v4, v30;
	v60 =	vmul.f32 v6, v50  }
0x2bb: {  	v8 =	vsub.f32 v8, v9;
	v9 =	vld [tilespmem:s22+$0xFFFFFFB0];
	v6 =	vmul.f32 v6, v47;
	v3 =	vmul.f32 v50, v3  }
0x2bc: {  	v37 =	vsub.f32 v37, v38;
	v38 =	vld [tilespmem:s7+$0xFFFFFFC0];
	v50 =	vmul.f32 v54, v52;
	v62 =	vmul.f32 v35, v10  }
0x2bd: {  	v47 =	vld [tilespmem:s0+$0xFFFFFF90];
	v35 =	vmul.f32 v35, v52;
	v10 =	vmul.f32 v54, v10  }
0x2be: {  	v52 =	vld [tilespmem:s7+$0xFFFFFF90];
	v59 =	vadd.f32 v60, v59;
	v3 =	vsub.f32 v6, v3;
	v6 =	vmul.f32 v44, v41  }
0x2bf: {  	v54 =	vld [tilespmem:s22+$0xFFFFFF90];
	v60 =	vadd.f32 v62, v50;
	v10 =	vsub.f32 v35, v10;
	v62 =	vmul.f32 v43, v42  }
0x2c0: {  	v0 =	vsub.f32 v0, v1;
	v44 =	vld [tilespmem:s29+$0xFFFFFF80];
	v63 =	vmul.f32 v59, v16;
	v3 =	vmul.f32 v3, v24  }
0x2c1: {  	v50 =	vld [tilespmem:s29+$0xFFFFFFA0];
	v41 =	vmul.f32 v60, v17;
	v10 =	vmul.f32 v10, v25;
	v6 =	vsub.f32 v6, v62  }
0x2c2: {  	v0 =	vmul.f32 v0, v31;
	v43 =	vmul.f32 v40, v18;
	v40 =	vadd.f32 v53, v32;
	v32 =	vld [tilespmem:s0+$0xFFFFFFB0]  }
0x2c3: {  	v35 =	vld [tilespmem:s0+$0xFFFFFFC0];
	v3 =	vadd.f32 v3, v63;
	v10 =	vadd.f32 v10, v41;
	v6 =	vmul.f32 v6, v26  }
0x2c4: {  	v59 =	vld [tilespmem:s7+$0xFFFFFFA0];
	v41 =	vmul.f32 v40, v20;
	v63 =	vmul.f32 v58, v39  }
0x2c5: {  	v60 =	vld [tilespmem:s29+$0xFFFFFFB0];
	v3 =	vadd.f32 v10, v3;
	v6 =	vadd.f32 v6, v43;
	v10 =	vmul.f32 v37, v27  }
0x2c6: {  	v40 =	vld [tilespmem:s0+$0xFFFFFFE0];
	v1 =	vmul.f32 v56, v44;
	v43 =	vadd.f32 v49, v48;
	v49 =	vmul.f32 v8, v29  }
0x2c7: {  	v37 =	vld [tilespmem:s0+$0xFFFFFFD0];
	v3 =	vadd.f32 v6, v3;
	v42 =	vadd.f32 v10, v36;
	v10 =	vmul.f32 v34, v28  }
0x2c8: {  	v8 =	vadd.f32 v46, v45;
	v45 =	vld [tilespmem:s22+$0xFFFFFFD0];
	v1 =	vadd.f32 v63, v1;
	v63 =	vmul.f32 v55, v50  }
0x2c9: {  	v46 =	vld [tilespmem:s0+$0xFFFFFFF0];
	v51 =	vmul.f32 v43, v22;
	v3 =	vadd.f32 v42, v3;
	v48 =	vadd.f32 v10, v41  }
0x2ca: {  	v34 =	vld [tilespmem:s29+$0xFFFFFFC0];
	v53 =	vadd.f32 v49, v7;
	v62 =	vmul.f32 v8, v23;
	v49 =	vmul.f32 v39, v56  }
0x2cb: {  	v36 =	vld [tilespmem:s29+$0xFFFFFFD0];
	v56 =	vmul.f32 v54, v61;
	v8 =	vmul.f32 v52, v47;
	v3 =	vadd.f32 v48, v3  }
0x2cc: {  	v39 =	vld [tilespmem:s29+$0xFFFFFFE0];
	v1 =	vmul.f32 v1, v16;
	v2 =	vadd.f32 v4, v51;
	v0 =	vadd.f32 v0, v62  }
0x2cd: {  	v43 =	vld [tilespmem:s7+$0xFFFFFFE0];
	v51 =	vmul.f32 v52, v61;
	v48 =	vmul.f32 v58, v44;
	v3 =	vadd.f32 v53, v3  }
0x2ce: {  	v42 =	vld [tilespmem:s22+$0xFFFFFFC0];
	v61 =	vmul.f32 v59, v50;
	v4 =	vsub.f32 v56, v8;
	v53 =	vmul.f32 v54, v47  }
0x2cf: {  	v41 =	vld [tilespmem:s7+$0xFFFFFFD0];
	v62 =	vmul.f32 v55, v57;
	v58 =	vsub.f32 v48, v49;
	v2 =	vadd.f32 v2, v3  }
0x2d0: {  	v8 =	vmul.f32 v59, v57;
	v57 =	vmul.f32 v9, v32;
	v44 =	vld [tilespmem:s29+$0xFFFFFFF0];
	v3 =	vadd.f32 v53, v51  }
0x2d1: {  	v55 =	vmul.f32 v9, v60;
	v48 =	vld [tilespmem:s22+$0xFFFFFFE0];
	v0 =	vadd.f32 v0, v2;
	v2 =	vmul.f32 v58, v24  }
0x2d2: {  	v56 =	vmul.f32 v4, v25;
	v54 =	vadd.f32 v62, v61;
	v47 =	vld [tilespmem:s7+$0xFFFFFFF0];
	v51 =	vmul.f32 v3, v17  }
0x2d3: {  	s25 =	smov.u32 s30;
	s24 =	simm.s32 $0x0;
	s10 =	simm.s32 $0xC700;
	v52 =	vsub.f32 v63, v8;
	v49 =	vld [tilespmem:s22+$0xFFFFFFF0];
	v53 =	vmul.f32 v33, v60;
	[tilespmem:s30+$0x0] =	vst v0;
	v50 =	vadd.f32 v2, v1  }
.LBB2_9:
0x2d4: {  	v0 =	vld [tilespmem:s10+$0x70];
	v1 =	vadd.f32 v56, v51;
	v2 =	vmul.f32 v54, v18;
	v3 =	vmul.f32 v33, v32;
	s0 =	sadd.s32 $0x100, s0  }
0x2d5: {  	v5 =	vmul.f32 v52, v26;
	v7 =	vmul.f32 v38, v34;
	s7 =	sadd.s32 $0x100, s7;
	v4 =	vld [tilespmem:s0+$0x70];
	v6 =	vadd.f32 v57, v53  }
0x2d6: {  	v9 =	vmul.f32 v42, v35;
	v10 =	vmul.f32 v42, v34;
	s22 =	sadd.s32 $0x100, s22;
	v8 =	vld [tilespmem:s7+$0x70];
	v3 =	vsub.f32 v55, v3  }
0x2d7: {  	v1 =	vadd.f32 v1, v50;
	v2 =	vadd.f32 v5, v2;
	v5 =	vmul.f32 v38, v35;
	v32 =	vld [tilespmem:s22+$0x70]  }
0x2d8: {  	v7 =	vadd.f32 v9, v7;
	v6 =	vmul.f32 v6, v19;
	v33 =	vld [tilespmem:s10+$0x60];
	v3 =	vmul.f32 v3, v27  }
0x2d9: {  	v34 =	vmul.f32 v45, v37;
	v5 =	vsub.f32 v10, v5;
	v10 =	vmul.f32 v41, v36;
	v9 =	vld [tilespmem:s0+$0x60]  }
0x2da: {  	v1 =	vadd.f32 v2, v1;
	v2 =	vmul.f32 v45, v36;
	v36 =	vmul.f32 v41, v37;
	v35 =	vld [tilespmem:s7+$0x60]  }
0x2db: {  	v3 =	vadd.f32 v3, v6;
	v6 =	vmul.f32 v7, v20;
	v5 =	vmul.f32 v5, v28;
	v37 =	vld [tilespmem:s22+$0x60]  }
0x2dc: {  	v10 =	vadd.f32 v34, v10;
	v2 =	vsub.f32 v2, v36;
	v34 =	vmul.f32 v43, v39;
	v7 =	vld [tilespmem:s10+$0x50]  }
0x2dd: {  	v38 =	vmul.f32 v48, v39;
	v1 =	vadd.f32 v3, v1;
	v3 =	vmul.f32 v48, v40;
	v36 =	vld [tilespmem:s0+$0x50]  }
0x2de: {  	v5 =	vadd.f32 v5, v6;
	v6 =	vmul.f32 v10, v21;
	v10 =	vmul.f32 v43, v40;
	v39 =	vld [tilespmem:s7+$0x50]  }
0x2df: {  	v2 =	vmul.f32 v2, v29;
	v3 =	vadd.f32 v3, v34;
	v34 =	vmul.f32 v47, v44;
	v40 =	vld [tilespmem:s22+$0x50]  }
0x2e0: {  	v42 =	vmul.f32 v49, v44;
	v10 =	vsub.f32 v38, v10;
	v38 =	vmul.f32 v49, v46;
	v41 =	vld [tilespmem:s10+$0x40]  }
0x2e1: {  	v1 =	vadd.f32 v5, v1;
	v2 =	vadd.f32 v2, v6;
	v5 =	vmul.f32 v47, v46;
	v43 =	vld [tilespmem:s0+$0x40]  }
0x2e2: {  	v3 =	vmul.f32 v3, v22;
	v10 =	vmul.f32 v10, v30;
	v34 =	vadd.f32 v38, v34;
	v6 =	vld [tilespmem:s7+$0x40]  }
0x2e3: {  	v1 =	vadd.f32 v2, v1;
	v2 =	vsub.f32 v42, v5;
	v38 =	vld [tilespmem:s22+$0x40]  }
0x2e4: {  	v3 =	vadd.f32 v10, v3;
	v10 =	vmul.f32 v34, v23;
	v5 =	vld [tilespmem:s10+$0x30]  }
0x2e5: {  	v2 =	vmul.f32 v2, v31;
	v34 =	vld [tilespmem:s0+$0x30]  }
0x2e6: {  	v1 =	vadd.f32 v3, v1;
	v42 =	vld [tilespmem:s7+$0x30]  }
0x2e7: {  	v2 =	vadd.f32 v2, v10;
	v3 =	vld [tilespmem:s22+$0x30]  }
0x2e8: {  	v10 =	vld [tilespmem:s10+$0x20]  }
0x2e9: {  	v1 =	vadd.f32 v2, v1;
	v44 =	vld [tilespmem:s0+$0x20]  }
0x2ea: {  	v2 =	vld [tilespmem:s7+$0x20]  }
0x2eb: {  	v46 =	vmul.f32 v8, v0;
	v47 =	vmul.f32 v32, v4;
	v45 =	vld [tilespmem:s22+$0x20];
	[tilespmem:s25+$0xFFFFFFF0] =	vst v1  }
0x2ec: {  	v0 =	vmul.f32 v32, v0;
	v4 =	vmul.f32 v8, v4;
	v1 =	vld [tilespmem:s10+$0x0]  }
0x2ed: {  	v48 =	vmul.f32 v35, v33;
	v49 =	vmul.f32 v37, v9;
	v8 =	vld [tilespmem:s7+$0x0]  }
0x2ee: {  	v37 =	vmul.f32 v37, v33;
	v9 =	vmul.f32 v35, v9;
	v32 =	vld [tilespmem:s0+$0x0]  }
0x2ef: {  	v35 =	vmul.f32 v39, v7;
	v50 =	vmul.f32 v40, v36;
	v33 =	vld [tilespmem:s22+$0x0]  }
0x2f0: {  	v7 =	vmul.f32 v40, v7;
	v36 =	vmul.f32 v39, v36;
	v51 =	vld [tilespmem:s10+$0x10]  }
0x2f1: {  	v40 =	vmul.f32 v6, v41;
	v52 =	vmul.f32 v38, v43;
	v39 =	vld [tilespmem:s0+$0x10]  }
0x2f2: {  	v6 =	vmul.f32 v6, v43;
	v38 =	vmul.f32 v38, v41;
	v53 =	vld [tilespmem:s7+$0x10]  }
0x2f3: {  	v43 =	vmul.f32 v42, v5;
	v54 =	vmul.f32 v3, v34;
	v41 =	vld [tilespmem:s22+$0x10]  }
0x2f4: {  	s24 =	sadd.s32 $0x2, s24;
	v3 =	vmul.f32 v3, v5;
	v5 =	vmul.f32 v42, v34;
	v55 =	vld [tilespmem:s7+$0xFFFFFF80]  }
0x2f5: {  	p0 =	slt.u32 s24, $0x1E;
	v34 =	vmul.f32 v2, v10;
	v42 =	vmul.f32 v45, v44;
	v56 =	vld [tilespmem:s0+$0xFFFFFF80]  }
0x2f6: {  	v58 =	vmul.f32 v8, v1;
	v59 =	vmul.f32 v33, v32;
	v57 =	vld [tilespmem:s22+$0xFFFFFF80]  }
0x2f7: {  	v8 =	vmul.f32 v32, v8;
	v1 =	vmul.f32 v33, v1;
	v60 =	vld [tilespmem:s10+$0xFFFFFF90]  }
0x2f8: {  	v32 =	vmul.f32 v53, v51;
	v61 =	vld [tilespmem:s0+$0xFFFFFF90];
	v33 =	vmul.f32 v41, v39  }
0x2f9: {  	v41 =	vmul.f32 v41, v51;
	v39 =	vmul.f32 v53, v39;
	v62 =	vld [tilespmem:s7+$0xFFFFFF90]  }
0x2fa: {  	v1 =	vsub.f32 v1, v8;
	v8 =	vmul.f32 v45, v10;
	v53 =	vadd.f32 v59, v58;
	v51 =	vld [tilespmem:s22+$0xFFFFFF90]  }
0x2fb: {  	v2 =	vmul.f32 v2, v44;
	v32 =	vadd.f32 v33, v32;
	v33 =	vsub.f32 v41, v39;
	v10 =	vld [tilespmem:s10+$0xFFFFFF80]  }
0x2fc: {  	v34 =	vadd.f32 v42, v34;
	v1 =	vmul.f32 v1, v24;
	v39 =	vmul.f32 v53, v16;
	v44 =	vld [tilespmem:s10+$0xFFFFFFA0]  }
0x2fd: {  	v2 =	vsub.f32 v8, v2;
	v32 =	vmul.f32 v32, v17;
	v33 =	vmul.f32 v33, v25;
	v53 =	vld [tilespmem:s0+$0xFFFFFFA0]  }
0x2fe: {  	v3 =	vsub.f32 v3, v5;
	v34 =	vmul.f32 v34, v18;
	v41 =	vadd.f32 v54, v43;
	v8 =	vld [tilespmem:s7+$0xFFFFFFA0]  }
0x2ff: {  	v2 =	vmul.f32 v2, v26;
	v1 =	vadd.f32 v1, v39;
	v33 =	vadd.f32 v33, v32;
	v5 =	vld [tilespmem:s22+$0xFFFFFFA0]  }
0x300: {  	v40 =	vadd.f32 v52, v40;
	v6 =	vsub.f32 v38, v6;
	v39 =	vmul.f32 v41, v19;
	v58 =	vld [tilespmem:s10+$0xFFFFFFB0]  }
0x301: {  	v3 =	vmul.f32 v3, v27;
	v2 =	vadd.f32 v2, v34;
	v1 =	vadd.f32 v33, v1;
	v32 =	vld [tilespmem:s0+$0xFFFFFFB0]  }
0x302: {  	v35 =	vadd.f32 v50, v35;
	v7 =	vsub.f32 v7, v36;
	v38 =	vmul.f32 v40, v20;
	v33 =	vld [tilespmem:s7+$0xFFFFFFB0]  }
0x303: {  	v1 =	vadd.f32 v2, v1;
	v2 =	vadd.f32 v3, v39;
	v3 =	vmul.f32 v6, v28;
	v59 =	vld [tilespmem:s22+$0xFFFFFFB0]  }
0x304: {  	v9 =	vsub.f32 v37, v9;
	v36 =	vadd.f32 v49, v48;
	v6 =	vmul.f32 v35, v21;
	v34 =	vld [tilespmem:s10+$0xFFFFFFC0]  }
0x305: {  	v1 =	vadd.f32 v2, v1;
	v2 =	vadd.f32 v3, v38;
	v3 =	vmul.f32 v7, v29;
	v35 =	vld [tilespmem:s0+$0xFFFFFFC0]  }
0x306: {  	v0 =	vsub.f32 v0, v4;
	v37 =	vadd.f32 v47, v46;
	v7 =	vmul.f32 v36, v22;
	v38 =	vld [tilespmem:s7+$0xFFFFFFC0]  }
0x307: {  	v1 =	vadd.f32 v2, v1;
	v2 =	vadd.f32 v3, v6;
	v3 =	vmul.f32 v9, v30;
	v42 =	vld [tilespmem:s22+$0xFFFFFFC0]  }
0x308: {  	v4 =	vmul.f32 v55, v10;
	v6 =	vmul.f32 v37, v23;
	v36 =	vld [tilespmem:s10+$0xFFFFFFD0]  }
0x309: {  	v0 =	vmul.f32 v0, v31;
	v1 =	vadd.f32 v2, v1;
	v2 =	vadd.f32 v3, v7;
	v37 =	vld [tilespmem:s0+$0xFFFFFFD0]  }
0x30a: {  	v3 =	vmul.f32 v57, v56;
	v7 =	vmul.f32 v57, v10;
	v41 =	vld [tilespmem:s7+$0xFFFFFFD0]  }
0x30b: {  	v9 =	vmul.f32 v56, v55;
	v0 =	vadd.f32 v0, v6;
	v1 =	vadd.f32 v2, v1;
	v45 =	vld [tilespmem:s22+$0xFFFFFFD0]  }
0x30c: {  	v2 =	vadd.f32 v3, v4;
	v3 =	vmul.f32 v62, v60;
	v4 =	vmul.f32 v51, v61;
	v39 =	vld [tilespmem:s10+$0xFFFFFFE0]  }
0x30d: {  	v6 =	vmul.f32 v51, v60;
	v10 =	vmul.f32 v62, v61;
	v0 =	vadd.f32 v0, v1;
	v40 =	vld [tilespmem:s0+$0xFFFFFFE0]  }
0x30e: {  	s25 =	sadd.s32 $0x20, s25;
	v1 =	vsub.f32 v7, v9;
	v3 =	vadd.f32 v4, v3;
	v4 =	vmul.f32 v8, v44;
	v43 =	vld [tilespmem:s7+$0xFFFFFFE0]  }
.Ltmp3:
0x30f: {  	v6 =	vsub.f32 v6, v10;
	v7 =	vmul.f32 v5, v53;
	v5 =	vmul.f32 v5, v44;
	v48 =	vld [tilespmem:s22+$0xFFFFFFE0];
	[tilespmem:s25+$0x0] =	vst v0;
	(pc) =	sbr.rel @p0 .LBB2_9-.Ltmp3, $4  }
0x310: {  	v0 =	vmul.f32 v2, v16;
	v2 =	vmul.f32 v8, v53;
	v44 =	vld [tilespmem:s10+$0xFFFFFFF0]  }
0x311: {  	v1 =	vmul.f32 v1, v24;
	v51 =	vmul.f32 v3, v17;
	v54 =	vadd.f32 v7, v4;
	v46 =	vld [tilespmem:s0+$0xFFFFFFF0]  }
0x312: {  	v56 =	vmul.f32 v6, v25;
	v53 =	vmul.f32 v33, v58;
	v52 =	vsub.f32 v5, v2;
	v47 =	vld [tilespmem:s7+$0xFFFFFFF0]  }
0x313: {  	v57 =	vmul.f32 v59, v32;
	v55 =	vmul.f32 v59, v58;
	s10 =	sadd.s32 $0x100, s10;
	v50 =	vadd.f32 v1, v0;
	v49 =	vld [tilespmem:s22+$0xFFFFFFF0]  }
0x314: {  	v0 =	vmul.f32 v54, v18  }
0x315: {  	v2 =	vmul.f32 v33, v32;
	v3 =	vmul.f32 v52, v26  }
0x316: {  	v5 =	vmul.f32 v38, v34;
	v6 =	vmul.f32 v42, v35  }
0x317: {  	v7 =	vmul.f32 v42, v34;
	v8 =	vmul.f32 v38, v35  }
0x318: {  	v1 =	vadd.f32 v56, v51;
	v35 =	vmul.f32 v41, v36;
	v38 =	vmul.f32 v45, v37  }
0x319: {  	v42 =	vmul.f32 v45, v36;
	v52 =	vmul.f32 v43, v39;
	v4 =	vadd.f32 v57, v53  }
0x31a: {  	v54 =	vmul.f32 v48, v39;
	v2 =	vsub.f32 v55, v2;
	v1 =	vadd.f32 v1, v50  }
0x31b: {  	v53 =	vmul.f32 v48, v40;
	v0 =	vadd.f32 v3, v0;
	v33 =	vadd.f32 v6, v5  }
0x31c: {  	v34 =	vsub.f32 v7, v8;
	v8 =	vmul.f32 v41, v37;
	v55 =	vmul.f32 v43, v40  }
0x31d: {  	v51 =	vadd.f32 v38, v35;
	v32 =	vmul.f32 v4, v19;
	v56 =	vmul.f32 v47, v44  }
0x31e: {  	v6 =	vadd.f32 v53, v52;
	v9 =	vmul.f32 v47, v46;
	v2 =	vmul.f32 v2, v27  }
0x31f: {  	v0 =	vadd.f32 v0, v1;
	v45 =	vmul.f32 v33, v20;
	v50 =	vmul.f32 v34, v28  }
0x320: {  	v1 =	vsub.f32 v42, v8;
	v5 =	vmul.f32 v51, v21;
	v2 =	vadd.f32 v2, v32  }
0x321: {  	v8 =	vmul.f32 v49, v46;
	v57 =	vmul.f32 v49, v44;
	v3 =	vadd.f32 v50, v45  }
0x322: {  	v1 =	vmul.f32 v1, v29;
	v0 =	vadd.f32 v2, v0;
	v2 =	vsub.f32 v54, v55  }
0x323: {  	v58 =	vmul.f32 v6, v22;
	v59 =	vadd.f32 v8, v56;
	v4 =	vsub.f32 v57, v9  }
0x324: {  	v1 =	vadd.f32 v1, v5;
	v0 =	vadd.f32 v3, v0;
	v2 =	vmul.f32 v2, v30  }
0x325: {  	v61 =	vmul.f32 v59, v23  }
0x326: {  	s31 =	sadd.s32 $0x1, s31;
	v62 =	vmul.f32 v4, v31;
	v0 =	vadd.f32 v1, v0;
	v60 =	vadd.f32 v2, v58  }
0x327: {  	p0 =	sne.s32 s31, $0x4  }
.Ltmp4:
0x328: {  	v63 =	vadd.f32 v62, v61;
	v0 =	vadd.f32 v60, v0;
	(pc) =	sbr.rel @p0 .LBB2_2-.Ltmp4, $4  }
0x329: {  	_ = 	snop  }
0x32a: {  	v0 =	vadd.f32 v63, v0  }
0x32b: {  	s9 =	sadd.s32 $0x800, s9  }
0x32c: {  	s26 =	sadd.s32 $0x800, s26;
	s28 =	sadd.s32 $0x800, s28;
	s30 =	sadd.s32 $0x800, s30;
	[tilespmem:s25+$0xFFFFFFF0] =	vst v0  }
0x32d: {  	v21 =	vld [tilespmem:$0x1FF60]  }
0x32e: {  	v20 =	vld [tilespmem:$0x1FF50];
	_ =	sdelay $0x1  }
0x32f: {  	v23 =	vld [tilespmem:$0x1FF70]  }
0x330: {  	s0 =	simm.s32 $0x0  }
0x331: {  	v24 =	vld [tilespmem:$0x1FF80];
	v0 =	vor.u32 s0, v21  }
0x332: {  	v1 =	vor.u32 s0, v20  }
0x333: {  	v25 =	vld [tilespmem:$0x1FF90]  }
0x334: {  	v26 =	vld [tilespmem:$0x1FFA0];
	v2 =	vor.u32 s0, v23  }
0x335: {  	v27 =	vld [tilespmem:$0x1FFB0]  }
0x336: {  	v3 =	vor.u32 s0, v24;
	v0 =	vld.idx.msk [tilespmem:v0+s21+$0x0], $0xffff  }
0x337: {  	v1 =	vld.idx.msk [tilespmem:v1+s21+$0x0], $0xffff  }
0x338: {  	v7 =	vld [tilespmem:$0x1FFC0];
	v4 =	vor.u32 s0, v25  }
0x339: {  	v2 =	vld.idx.msk [tilespmem:v2+s21+$0x0], $0xffff  }
0x33a: {  	v8 =	vld [tilespmem:$0x1FFD0];
	v5 =	vor.u32 s0, v26  }
0x33b: {  	v3 =	vld.idx.msk [tilespmem:v3+s21+$0x0], $0xffff  }
0x33c: {  	v9 =	vld [tilespmem:$0x1FFE0];
	v6 =	vor.u32 s0, v27;
	v0 =	vadd.f32 v0, v1  }
0x33d: {  	v37 =	vld.idx.msk [tilespmem:v4+s21+$0x0], $0xffff  }
0x33e: {  	v10 =	vld [tilespmem:$0x1FFF0];
	v4 =	vor.u32 s0, v7;
	v0 =	vadd.f32 v2, v0  }
0x33f: {  	v38 =	vld.idx.msk [tilespmem:v5+s21+$0x0], $0xffff  }
0x340: {  	v5 =	vor.u32 s0, v8;
	v0 =	vadd.f32 v3, v0  }
0x341: {  	v39 =	vld.idx.msk [tilespmem:v6+s21+$0x0], $0xffff  }
0x342: {  	v6 =	vor.u32 s0, v9;
	v0 =	vadd.f32 v37, v0  }
0x343: {  	v40 =	vld.idx.msk [tilespmem:v4+s21+$0x0], $0xffff  }
0x344: {  	v4 =	vor.u32 s0, v10;
	v0 =	vadd.f32 v38, v0  }
0x345: {  	v41 =	vld.idx.msk [tilespmem:v5+s21+$0x0], $0xffff  }
0x346: {  	v5 =	vor.u32 s0, v11;
	v0 =	vadd.f32 v39, v0  }
0x347: {  	v42 =	vld.idx.msk [tilespmem:v6+s21+$0x0], $0xffff  }
0x348: {  	v6 =	vor.u32 s0, v12;
	v0 =	vadd.f32 v40, v0  }
0x349: {  	v43 =	vld.idx.msk [tilespmem:v4+s21+$0x0], $0xffff  }
0x34a: {  	v4 =	vor.u32 s0, v13;
	v0 =	vadd.f32 v41, v0  }
0x34b: {  	v44 =	vld.idx.msk [tilespmem:v5+s21+$0x0], $0xffff  }
0x34c: {  	v5 =	vor.u32 s0, v14;
	v0 =	vadd.f32 v42, v0  }
0x34d: {  	v45 =	vld.idx.msk [tilespmem:v6+s21+$0x0], $0xffff  }
0x34e: {  	v6 =	vor.u32 s0, v15;
	v0 =	vadd.f32 v43, v0  }
0x34f: {  	v46 =	vld.idx.msk [tilespmem:v4+s21+$0x0], $0xffff  }
0x350: {  	v0 =	vadd.f32 v44, v0  }
0x351: {  	v47 =	vld.idx.msk [tilespmem:v5+s21+$0x0], $0xffff  }
0x352: {  	v0 =	vadd.f32 v45, v0  }
0x353: {  	v48 =	vld.idx.msk [tilespmem:v6+s21+$0x0], $0xffff  }
0x354: {  	v0 =	vadd.f32 v46, v0  }
0x355: {  	s7 =	simm.s32 $0x100  }
0x356: {  	v49 =	vor.u32 s7, v21;
	v0 =	vadd.f32 v47, v0  }
0x357: {  	v50 =	vor.u32 s7, v20  }
0x358: {  	v0 =	vadd.f32 v48, v0  }
0x359: {  	v51 =	vor.u32 s7, v23;
	s0 =	simm.s32 $0x12580  }
0x35a: {  	[tilespmem:s0+$0x0] =	vst v0  }
0x35b: {  	v52 =	vor.u32 s7, v24;
	v0 =	vld.idx.msk [tilespmem:v49+s21+$0x0], $0xffff  }
0x35c: {  	v2 =	vld.idx.msk [tilespmem:v50+s21+$0x0], $0xffff  }
0x35d: {  	v4 =	vor.u32 s7, v25  }
0x35e: {  	v3 =	vld.idx.msk [tilespmem:v51+s21+$0x0], $0xffff  }
0x35f: {  	v5 =	vor.u32 s7, v26  }
0x360: {  	v1 =	vld.idx.msk [tilespmem:v52+s21+$0x0], $0xffff  }
0x361: {  	v6 =	vor.u32 s7, v27;
	v0 =	vadd.f32 v0, v2  }
0x362: {  	v53 =	vld.idx.msk [tilespmem:v4+s21+$0x0], $0xffff  }
0x363: {  	v4 =	vor.u32 s7, v7;
	v0 =	vadd.f32 v3, v0  }
0x364: {  	v54 =	vld.idx.msk [tilespmem:v5+s21+$0x0], $0xffff  }
0x365: {  	v5 =	vor.u32 s7, v8;
	v0 =	vadd.f32 v1, v0  }
0x366: {  	v55 =	vld.idx.msk [tilespmem:v6+s21+$0x0], $0xffff  }
0x367: {  	v6 =	vor.u32 s7, v9;
	v0 =	vadd.f32 v53, v0  }
0x368: {  	v56 =	vld.idx.msk [tilespmem:v4+s21+$0x0], $0xffff  }
0x369: {  	v4 =	vor.u32 s7, v10;
	v0 =	vadd.f32 v54, v0  }
0x36a: {  	v57 =	vld.idx.msk [tilespmem:v5+s21+$0x0], $0xffff  }
0x36b: {  	v5 =	vor.u32 s7, v11;
	v0 =	vadd.f32 v55, v0  }
0x36c: {  	v58 =	vld.idx.msk [tilespmem:v6+s21+$0x0], $0xffff  }
0x36d: {  	v6 =	vor.u32 s7, v12;
	v0 =	vadd.f32 v56, v0  }
0x36e: {  	v59 =	vld.idx.msk [tilespmem:v4+s21+$0x0], $0xffff  }
0x36f: {  	v4 =	vor.u32 s7, v13;
	v0 =	vadd.f32 v57, v0  }
0x370: {  	v60 =	vld.idx.msk [tilespmem:v5+s21+$0x0], $0xffff  }
0x371: {  	v5 =	vor.u32 s7, v14;
	v0 =	vadd.f32 v58, v0  }
0x372: {  	v61 =	vld.idx.msk [tilespmem:v6+s21+$0x0], $0xffff  }
0x373: {  	v63 =	vor.u32 s7, v15;
	v0 =	vadd.f32 v59, v0  }
0x374: {  	v62 =	vld.idx.msk [tilespmem:v4+s21+$0x0], $0xffff  }
0x375: {  	v0 =	vadd.f32 v60, v0  }
0x376: {  	v4 =	vld.idx.msk [tilespmem:v5+s21+$0x0], $0xffff  }
0x377: {  	v0 =	vadd.f32 v61, v0  }
0x378: {  	v18 =	vld.idx.msk [tilespmem:v63+s21+$0x0], $0xffff  }
0x379: {  	v0 =	vadd.f32 v62, v0  }
0x37a: {  	s7 =	simm.s32 $0x200  }
0x37b: {  	v16 =	vor.u32 s7, v21;
	v19 =	vadd.f32 v4, v0  }
0x37c: {  	s9 =	simm.s32 $0x300;
	v17 =	vor.u32 s7, v20  }
.LBB2_12:
0x37d: {  	p0 =	sne.s32 s9, $0x1F00;
	v0 =	vadd.f32 v18, v19  }
0x37e: {  	v1 =	vor.u32 s7, v23;
	s0 =	sadd.s32 $0x10, s0  }
0x37f: {  	[tilespmem:s0+$0x0] =	vst v0  }
0x380: {  	v2 =	vor.u32 s7, v24;
	v0 =	vld.idx.msk [tilespmem:v16+s21+$0x0], $0xffff  }
0x381: {  	v3 =	vld.idx.msk [tilespmem:v17+s21+$0x0], $0xffff  }
0x382: {  	v4 =	vor.u32 s7, v25  }
0x383: {  	v1 =	vld.idx.msk [tilespmem:v1+s21+$0x0], $0xffff  }
0x384: {  	v5 =	vor.u32 s7, v26  }
0x385: {  	v2 =	vld.idx.msk [tilespmem:v2+s21+$0x0], $0xffff  }
0x386: {  	v6 =	vor.u32 s7, v27  }
0x387: {  	v0 =	vadd.f32 v0, v3;
	v3 =	vld.idx.msk [tilespmem:v4+s21+$0x0], $0xffff  }
0x388: {  	v4 =	vor.u32 s7, v7  }
0x389: {  	v0 =	vadd.f32 v1, v0;
	v1 =	vld.idx.msk [tilespmem:v5+s21+$0x0], $0xffff  }
0x38a: {  	v5 =	vor.u32 s7, v8  }
0x38b: {  	v0 =	vadd.f32 v2, v0;
	v2 =	vld.idx.msk [tilespmem:v6+s21+$0x0], $0xffff  }
0x38c: {  	v6 =	vor.u32 s7, v9  }
0x38d: {  	v0 =	vadd.f32 v3, v0;
	v3 =	vld.idx.msk [tilespmem:v4+s21+$0x0], $0xffff  }
0x38e: {  	v4 =	vor.u32 s7, v10  }
0x38f: {  	v0 =	vadd.f32 v1, v0;
	v1 =	vld.idx.msk [tilespmem:v5+s21+$0x0], $0xffff  }
0x390: {  	v5 =	vor.u32 s7, v11  }
0x391: {  	v0 =	vadd.f32 v2, v0;
	v2 =	vld.idx.msk [tilespmem:v6+s21+$0x0], $0xffff  }
0x392: {  	v6 =	vor.u32 s7, v12  }
0x393: {  	v0 =	vadd.f32 v3, v0;
	v3 =	vld.idx.msk [tilespmem:v4+s21+$0x0], $0xffff  }
0x394: {  	v4 =	vor.u32 s7, v13  }
0x395: {  	v0 =	vadd.f32 v1, v0;
	v1 =	vld.idx.msk [tilespmem:v5+s21+$0x0], $0xffff  }
0x396: {  	v5 =	vor.u32 s7, v14  }
0x397: {  	v0 =	vadd.f32 v2, v0;
	v2 =	vld.idx.msk [tilespmem:v6+s21+$0x0], $0xffff  }
0x398: {  	v6 =	vor.u32 s7, v15;
	s7 =	smov.u32 s9  }
0x399: {  	v0 =	vadd.f32 v3, v0;
	v3 =	vld.idx.msk [tilespmem:v4+s21+$0x0], $0xffff;
	_ =	sdelay $0x1  }
0x39a: {  	v0 =	vadd.f32 v1, v0;
	v1 =	vld.idx.msk [tilespmem:v5+s21+$0x0], $0xffff;
	_ =	sdelay $0x1  }
0x39b: {  	v0 =	vadd.f32 v2, v0;
	v18 =	vld.idx.msk [tilespmem:v6+s21+$0x0], $0xffff  }
.Ltmp5:
0x39c: {  	(pc) =	sbr.rel @p0 .LBB2_12-.Ltmp5, $3  }
0x39d: {  	v0 =	vadd.f32 v3, v0;
	_ =	sdelay $0x1  }
0x39e: {  	v16 =	vor.u32 s9, v21;
	v19 =	vadd.f32 v1, v0  }
0x39f: {  	s9 =	sadd.s32 $0x100, s9;
	v17 =	vor.u32 s7, v20  }
0x3a0: {  	_ = 	snop  }
0x3a1: {  	v0 =	vadd.f32 v18, v19  }
0x3a2: {  	v1 =	vor.u32 s7, v23;
	s0 =	sadd.s32 $0x10, s0  }
0x3a3: {  	[tilespmem:s0+$0x0] =	vst v0  }
0x3a4: {  	v2 =	vor.u32 s7, v24;
	v0 =	vld.idx.msk [tilespmem:v16+s21+$0x0], $0xffff  }
0x3a5: {  	v3 =	vld.idx.msk [tilespmem:v17+s21+$0x0], $0xffff  }
0x3a6: {  	v4 =	vor.u32 s7, v25  }
0x3a7: {  	v1 =	vld.idx.msk [tilespmem:v1+s21+$0x0], $0xffff  }
0x3a8: {  	v5 =	vor.u32 s7, v26  }
0x3a9: {  	v2 =	vld.idx.msk [tilespmem:v2+s21+$0x0], $0xffff  }
0x3aa: {  	v6 =	vor.u32 s7, v27;
	v0 =	vadd.f32 v0, v3  }
0x3ab: {  	v43 =	vld.idx.msk [tilespmem:v4+s21+$0x0], $0xffff  }
0x3ac: {  	v44 =	vor.u32 s7, v7;
	v0 =	vadd.f32 v1, v0  }
0x3ad: {  	v45 =	vld.idx.msk [tilespmem:v5+s21+$0x0], $0xffff  }
0x3ae: {  	v46 =	vor.u32 s7, v8;
	v0 =	vadd.f32 v2, v0  }
0x3af: {  	v47 =	vld.idx.msk [tilespmem:v6+s21+$0x0], $0xffff  }
0x3b0: {  	v48 =	vor.u32 s7, v9;
	v0 =	vadd.f32 v43, v0  }
0x3b1: {  	v49 =	vld.idx.msk [tilespmem:v44+s21+$0x0], $0xffff  }
0x3b2: {  	v50 =	vor.u32 s7, v10;
	v0 =	vadd.f32 v45, v0  }
0x3b3: {  	v51 =	vld.idx.msk [tilespmem:v46+s21+$0x0], $0xffff  }
0x3b4: {  	v52 =	vor.u32 s7, v11;
	v0 =	vadd.f32 v47, v0  }
0x3b5: {  	v53 =	vld.idx.msk [tilespmem:v48+s21+$0x0], $0xffff  }
0x3b6: {  	v54 =	vor.u32 s7, v12;
	v0 =	vadd.f32 v49, v0  }
0x3b7: {  	v55 =	vld.idx.msk [tilespmem:v50+s21+$0x0], $0xffff  }
0x3b8: {  	v56 =	vor.u32 s7, v13;
	v0 =	vadd.f32 v51, v0  }
0x3b9: {  	v57 =	vld.idx.msk [tilespmem:v52+s21+$0x0], $0xffff  }
0x3ba: {  	v58 =	vor.u32 s7, v14;
	v0 =	vadd.f32 v53, v0  }
0x3bb: {  	v59 =	vld.idx.msk [tilespmem:v54+s21+$0x0], $0xffff  }
0x3bc: {  	v60 =	vor.u32 s7, v15;
	v0 =	vadd.f32 v55, v0  }
0x3bd: {  	v61 =	vld.idx.msk [tilespmem:v56+s21+$0x0], $0xffff  }
0x3be: {  	v0 =	vadd.f32 v57, v0  }
0x3bf: {  	v62 =	vld.idx.msk [tilespmem:v58+s21+$0x0], $0xffff  }
0x3c0: {  	v0 =	vadd.f32 v59, v0  }
0x3c1: {  	v63 =	vld.idx.msk [tilespmem:v60+s21+$0x0], $0xffff  }
0x3c2: {  	v0 =	vadd.f32 v61, v0;
	_ =	sdelay $0x1  }
0x3c3: {  	v0 =	vadd.f32 v62, v0;
	_ =	sdelay $0x1  }
0x3c4: {  	s23 =	sadd.s32 $0x1, s23;
	v0 =	vadd.f32 v63, v0  }
0x3c5: {  	p0 =	sne.s32 s23, s15;
	s0 =	sadd.s32 $0x10, s0  }
.Ltmp6:
0x3c6: {  	s31 =	simm.s32 $0x12580;
	[tilespmem:s0+$0x0] =	vst v0;
	(pc) =	sbr.rel @p0 .LBB2_1-.Ltmp6, $4  }
0x3c7: {  	[hbm4b:s14+s6] =	stream.linear.scatter [tilespmem:s31], [sflag:$0x5], $0x200, $0x38;
	[tilespmem:$0x12780] =	vst v63  }
0x3c8: {  	_ =	swait.ge [sflag:s16], $0x200  }
0x3c9: {  	[sflag:s16] =	ssyncset.done $0x0  }
0x3ca: {  	[sflag:s16] =	ssyncadd.s32 $0xFFFFFE00  }
0x3cb: {  	_ =	sfence.sel $0x180000  }
0x3cc: {  	[bflag:$0x0] =	sbarrier.arrive $0xFFFF  }
0x3cd: {  	_ =	strace $0x90000047  }
0x3ce: {  	s0 =	stileid.u32;
	[bflag:$0x2] =	sbarrier.arrive $0xFFFF  }
0x3cf: {  	p0 =	sne.s32 s0, $0x0;
	s0 =	rddreg [dreg:$0x8]  }
0x3d0: {  	s0 =	sadd.s32 @!p0 $0x100000, s0  }
0x3d1: {  	[sflag:s0] =	ssyncadd.tile.s32 @!p0 $0x1;
	_ =	shalt  }
.Lfunc_end2:
_tile_overlayer_lowered:
.L_overlay_start_2:
0x3d2: {  	(tag) =	ssettag $0x2  }
0x3d3: {  	s0 =	rddreg [dreg:$0x0];
	s2 =	stileid.u32  }
0x3d4: {  	s1 =	rddreg [dreg:$0x1];
	p0 =	sne.s32 s2, $0x0  }
0x3d5: {  	s3 =	rddreg [dreg:$0x2];
	[bflag:$0x3] =	sbarrier.arrive $0xFFFF;
	s2 =	simm.s32 @!p0 $0x1C05  }
0x3d6: {  	[timem:s3], [sflag:s2] =	dma.local @!p0 [hbm:s0], s1  }
0x3d7: {  	s0 =	simm.s32 @!p0 $0x5  }
0x3d8: {  	_ =	swait.ge @!p0 [sflag:s0], s1  }
0x3d9: {  	s1 =	ssub.s32 @!p0 $0x0, s1;
	[sflag:s0] =	ssyncset.done @!p0 $0x0  }
0x3da: {  	[sflag:s0] =	ssyncadd.s32 @!p0 s1  }
0x3db: {  	[bflag:$0x3] =	sbarrier.arrive $0xFFFF  }
0x3dc: {  	_ =	shalt  }

</sc_bundles>
